<compile_context>
chip_gen: v7x
topology: tpu7x:2x2x1
jax: 0.10.2.dev20260603
libtpu: 0.0.44.dev20260713+nightly
codegen_flags: <defaults>
</compile_context>

<pallas_src>
import functools

import jax
import jax.numpy as jnp
from jax import lax
from jax.experimental import pallas as pl
from jax.experimental.pallas import tpu as pltpu
from jax.experimental.pallas import tpu_sc as plsc

B, S, HIDDEN = 1, 2048, 768
NH, HD = 12, 64
E, EXP = 8, 768
EPS = 1e-05
SCALE = 1.0 / 8.0

TROW = 256
QBLK = 256
KBLK = 256
TBLK = 256
NB = S // TBLK
STEPS = NB + E - 1

_F32 = jnp.float32
_BF16 = jnp.bfloat16
_I32 = jnp.int32

_NT = (((1,), (1,)), ((), ()))


def _qkv_body(x_ref, ln1_ref, wq_ref, wk_ref, wv_ref, q_ref, k_ref, v_ref):
    x = x_ref[...]
    var = jnp.mean(jnp.square(x), axis=1, keepdims=True)
    h = (x * lax.rsqrt(var + EPS) * ln1_ref[...]).astype(_BF16)
    for w_ref, o_ref in ((wq_ref, q_ref), (wk_ref, k_ref), (wv_ref, v_ref)):
        o_ref[...] = lax.dot_general(
            h, w_ref[...].astype(_BF16), _NT,
            preferred_element_type=_F32).astype(_BF16)


def _attn_body(pair, width):

    def body(q_ref, k_ref, v_ref, o_ref):
        base = (pair * 2 + pl.program_id(0)) * QBLK
        rows = lax.broadcasted_iota(_I32, (QBLK, width), 0) + base
        cols = lax.broadcasted_iota(_I32, (QBLK, width), 1)
        bias = jnp.where(cols > rows, -jnp.inf, 0.0).astype(_F32)
        qs = q_ref[...] * jnp.asarray(SCALE, _BF16)
        for h in range(NH):
            sl = slice(h * HD, (h + 1) * HD)
            sc = lax.dot_general(qs[:, sl], k_ref[:, sl], _NT,
                                 preferred_element_type=_F32)
            sc = sc + bias
            m = jnp.max(sc, axis=1, keepdims=True)
            e = jnp.exp(sc - m)
            r = 1.0 / jnp.sum(e, axis=1, keepdims=True)
            o = lax.dot_general((e * r).astype(_BF16), v_ref[:, sl],
                                (((1,), (0,)), ((), ())),
                                preferred_element_type=_F32)
            o_ref[:, sl] = o.astype(_BF16)

    return body


def _post_body(o_ref, x_ref, wo_ref, ln2_ref, rw_ref, x1_ref, idx_ref):
    x1 = x_ref[...] + lax.dot_general(
        o_ref[...], wo_ref[...].astype(_BF16), _NT,
        preferred_element_type=_F32)
    x1_ref[...] = x1
    var = jnp.mean(jnp.square(x1), axis=1, keepdims=True)
    h2 = (x1 * lax.rsqrt(var + EPS) * ln2_ref[...]).astype(_BF16)
    logits = lax.dot_general(h2, rw_ref[...].astype(_BF16), _NT,
                             preferred_element_type=_F32)
    mx = jnp.max(logits, axis=1, keepdims=True)
    eidx = lax.broadcasted_iota(_I32, logits.shape, 1)
    idx_ref[...] = jnp.min(jnp.where(logits == mx, eidx, E), axis=1)


def _moe_body(sb_ref, se_ref, lo_ref, hi_ref, nxe_ref, buf_ref,
              xs_ref, ln2_ref, wg_ref, wu_ref, wd_ref, out_ref,
              wbuf, wsem):
    s = pl.program_id(0)
    lo = lo_ref[s]
    hi = hi_ref[s]
    b = buf_ref[s]
    e = se_ref[s]
    nxe = nxe_ref[s]
    first = jnp.logical_or(s == 0, sb_ref[s] != sb_ref[jnp.maximum(s - 1, 0)])
    is_chg = jnp.logical_or(
        s == 0, se_ref[jnp.maximum(s - 1, 0)] != e)
    hbm = (wg_ref, wu_ref, wd_ref)

    @pl.when(s == 0)
    def _start_first():
        for m in range(3):
            pltpu.make_async_copy(hbm[m].at[e], wbuf.at[0, m],
                                  wsem.at[0, m]).start()

    @pl.when(is_chg)
    def _wait_and_prefetch():
        for m in range(3):
            pltpu.make_async_copy(hbm[m].at[e], wbuf.at[b, m],
                                  wsem.at[b, m]).wait()

    @pl.when(jnp.logical_and(is_chg, nxe != e))
    def _prefetch_next():
        for m in range(3):
            pltpu.make_async_copy(hbm[m].at[nxe], wbuf.at[1 - b, m],
                                  wsem.at[1 - b, m]).start()

    @pl.when(first)
    def _init():
        out_ref[...] = jnp.zeros_like(out_ref)

    @pl.when(hi > lo)
    def _compute():
        x = xs_ref[...]
        r = lax.broadcasted_iota(_I32, (TBLK, 1), 0)
        msk = jnp.logical_and(r >= lo, r < hi)
        xm = jnp.where(msk, x, 0.0)
        var = jnp.mean(jnp.square(xm), axis=1, keepdims=True)
        h2 = (xm * lax.rsqrt(var + EPS) * ln2_ref[...]).astype(_BF16)
        g = lax.dot_general(h2, wbuf[b, 0].astype(_BF16), _NT,
                            preferred_element_type=_F32)
        g = jnp.square(jnp.maximum(g, 0.0))
        u = lax.dot_general(h2, wbuf[b, 1].astype(_BF16), _NT,
                            preferred_element_type=_F32)
        p = (g * u).astype(_BF16)
        y = lax.dot_general(p, wbuf[b, 2].astype(_BF16), _NT,
                            preferred_element_type=_F32)
        out_ref[...] += jnp.where(msk, y + x, 0.0)


def _row_permute_kernel(scatter):
    info = plsc.get_sparse_core_info()
    nc, ns = info.num_cores, info.num_subcores
    nw = nc * ns
    rpw = S // nw
    mesh = plsc.VectorSubcoreMesh(core_axis_name="c", subcore_axis_name="s")

    @functools.partial(
        pl.kernel,
        out_type=jax.ShapeDtypeStruct((S, HIDDEN), _F32),
        mesh=mesh,
        scratch_types=[
            pltpu.VMEM((rpw,), _I32),
            pltpu.VMEM((rpw, HIDDEN), _F32),
            pltpu.SemaphoreType.DMA,
        ],
    )
    def permute(table_hbm, idx_hbm, out_hbm, idx_v, rows_v, sem):
        wid = lax.axis_index("s") * nc + lax.axis_index("c")
        base = wid * rpw
        pltpu.sync_copy(idx_hbm.at[pl.ds(base, rpw)], idx_v)
        if scatter:
            pltpu.sync_copy(table_hbm.at[pl.ds(base, rpw)], rows_v)
            pltpu.async_copy(rows_v, out_hbm.at[idx_v], sem).wait()
        else:
            pltpu.async_copy(table_hbm.at[idx_v], rows_v, sem).wait()
            pltpu.sync_copy(rows_v, out_hbm.at[pl.ds(base, rpw)])

    return permute


def _routing_metadata(idx):
    oh = (idx[:, None] == jnp.arange(E, dtype=_I32)[None, :]).astype(_I32)
    csum = jnp.cumsum(oh, axis=0)
    within = jnp.sum((csum - oh) * oh, axis=1)
    counts = csum[-1]
    offsets = jnp.concatenate(
        [jnp.zeros((1,), _I32), jnp.cumsum(counts).astype(_I32)])
    dest = jnp.take(offsets, idx) + within

    bb = jnp.arange(NB, dtype=_I32)[:, None]
    ee = jnp.arange(E, dtype=_I32)[None, :]
    st = offsets[:-1][None, :]
    en = offsets[1:][None, :]
    active = jnp.logical_and(st < (bb + 1) * TBLK, en > bb * TBLK)
    big = NB * E + 1
    key = jnp.where(active, bb * E + ee, big).reshape(-1)
    key = jnp.sort(key)[:STEPS]
    valid = key < big
    key = jnp.where(valid, key, jnp.max(jnp.where(active, bb * E + ee, -1)))
    sb = (key // E).astype(_I32)
    se = (key % E).astype(_I32)
    lo = jnp.clip(jnp.take(offsets, se) - sb * TBLK, 0, TBLK)
    hi = jnp.clip(jnp.take(offsets, se + 1) - sb * TBLK, 0, TBLK)
    lo = jnp.where(valid, lo, 0).astype(_I32)
    hi = jnp.where(valid, hi, 0).astype(_I32)

    chg = jnp.concatenate([jnp.ones((1,), _I32),
                           (se[1:] != se[:-1]).astype(_I32)])
    buf = ((jnp.cumsum(chg) - 1) % 2).astype(_I32)
    pos = jnp.where(chg == 1, jnp.arange(STEPS, dtype=_I32), STEPS)
    nxt = lax.cummin(jnp.concatenate([pos[1:], jnp.full((1,), STEPS, _I32)]),
                     axis=0, reverse=True)
    nxe = jnp.where(nxt < STEPS, se[jnp.clip(nxt, 0, STEPS - 1)], se)
    return dest, sb, se, lo, hi, nxe.astype(_I32), buf


def kernel(x, Wq, Wk, Wv, Wo, ln1, ln2, router_w, Wg, Wu, Wd):
    x2 = x.reshape(S, HIDDEN)
    ln1r = ln1.reshape(1, HIDDEN)
    ln2r = ln2.reshape(1, HIDDEN)

    row_spec = pl.BlockSpec((TROW, HIDDEN), lambda i: (i, 0))
    vec_spec = pl.BlockSpec((1, HIDDEN), lambda i: (0, 0))
    full_w = pl.BlockSpec((HIDDEN, HIDDEN), lambda i: (0, 0))

    q, k, v = pl.pallas_call(
        _qkv_body,
        grid=(S // TROW,),
        in_specs=[row_spec, vec_spec, full_w, full_w, full_w],
        out_specs=[pl.BlockSpec((TROW, HIDDEN), lambda i: (i, 0))] * 3,
        out_shape=[jax.ShapeDtypeStruct((S, HIDDEN), _BF16)] * 3,
    )(x2, ln1r, Wq, Wk, Wv)

    o_parts = []
    for pair in range(S // (2 * QBLK)):
        width = (pair + 1) * 2 * QBLK
        o_parts.append(pl.pallas_call(
            _attn_body(pair, width),
            grid=(2,),
            in_specs=[
                pl.BlockSpec((QBLK, HIDDEN),
                             lambda i, p=pair: (2 * p + i, 0)),
                pl.BlockSpec((width, HIDDEN), lambda i: (0, 0)),
                pl.BlockSpec((width, HIDDEN), lambda i: (0, 0)),
            ],
            out_specs=pl.BlockSpec((QBLK, HIDDEN), lambda i: (i, 0)),
            out_shape=jax.ShapeDtypeStruct((2 * QBLK, HIDDEN), _BF16),
        )(q, k, v))
    o = jnp.concatenate(o_parts, axis=0)

    x1, idx = pl.pallas_call(
        _post_body,
        grid=(S // TROW,),
        in_specs=[row_spec, row_spec, full_w, vec_spec,
                  pl.BlockSpec((E, HIDDEN), lambda i: (0, 0))],
        out_specs=[row_spec, pl.BlockSpec((TROW,), lambda i: (i,))],
        out_shape=[jax.ShapeDtypeStruct((S, HIDDEN), _F32),
                   jax.ShapeDtypeStruct((S,), _I32)],
    )(o, x2, Wo, ln2r, router_w)

    dest, sb, se, lo, hi, nxe, buf = _routing_metadata(idx)

    xs = _row_permute_kernel(scatter=True)(x1, dest)

    grid_spec = pltpu.PrefetchScalarGridSpec(
        num_scalar_prefetch=6,
        grid=(STEPS,),
        in_specs=[
            pl.BlockSpec((TBLK, HIDDEN),
                         lambda s, sb, se, lo, hi, nxe, buf: (sb[s], 0)),
            pl.BlockSpec((1, HIDDEN),
                         lambda s, sb, se, lo, hi, nxe, buf: (0, 0)),
            pl.BlockSpec(memory_space=pl.ANY),
            pl.BlockSpec(memory_space=pl.ANY),
            pl.BlockSpec(memory_space=pl.ANY),
        ],
        out_specs=pl.BlockSpec((TBLK, HIDDEN),
                               lambda s, sb, se, lo, hi, nxe, buf: (sb[s], 0)),
        scratch_shapes=[
            pltpu.VMEM((2, 3, HIDDEN, HIDDEN), _F32),
            pltpu.SemaphoreType.DMA((2, 3)),
        ],
    )
    ys = pl.pallas_call(
        _moe_body,
        grid_spec=grid_spec,
        out_shape=jax.ShapeDtypeStruct((S, HIDDEN), _F32),
    )(sb, se, lo, hi, nxe, buf, xs, ln2r, Wg, Wu, Wd)

    out = _row_permute_kernel(scatter=False)(ys, dest)
    return out.reshape(B, S, HIDDEN)

# --- scband reference (transcript-rebuilt; emitter-appended) ---
"""Pipeline reference for scband-omega-block-26130581029533 (READ-ONLY COPY).

The authoritative reference and input builder live on the scoring server;
editing this copy changes nothing except your own understanding.
"""

import jax, jax.numpy as jnp
import numpy as np

B, S, HIDDEN = 1, 2048, 768
NH, HD = 12, 64
E, EXP = 8, 768  # expert_intermediate = intermediate_size(3072) // ratio(4)
EPS = 1e-05


def _rmsnorm(x, w):
    var = jnp.mean(jnp.square(x), axis=-1, keepdims=True)
    return x * jax.lax.rsqrt(var + EPS) * w


def _rotate_half(x):
    x1, x2 = jnp.split(x, 2, axis=-1)
    return jnp.concatenate([-x2, x1], axis=-1)


def setup_inputs(seed: int = 0) -> dict:
    key = jax.random.key(seed)
    ks = jax.random.split(key, 12)
    def w(k, shape):
        return (jax.random.normal(k, shape, jnp.float32) * 0.02)
    x = jax.random.normal(ks[0], (B, S, HIDDEN), jnp.float32)
    Wq = w(ks[1], (NH * HD, HIDDEN))
    Wk = w(ks[2], (NH * HD, HIDDEN))
    Wv = w(ks[3], (NH * HD, HIDDEN))
    Wo = w(ks[4], (HIDDEN, NH * HD))
    ln1 = jnp.ones((HIDDEN,), jnp.float32)
    ln2 = jnp.ones((HIDDEN,), jnp.float32)
    router_w = w(ks[5], (E, HIDDEN))
    Wg = w(ks[6], (E, EXP, HIDDEN))
    Wu = w(ks[7], (E, EXP, HIDDEN))
    Wd = w(ks[8], (E, HIDDEN, EXP))
    return {"x": x, "Wq": Wq, "Wk": Wk, "Wv": Wv, "Wo": Wo,
            "ln1": ln1, "ln2": ln2, "router_w": router_w,
            "Wg": Wg, "Wu": Wu, "Wd": Wd}


def reference(x, Wq, Wk, Wv, Wo, ln1, ln2, router_w, Wg, Wu, Wd):
    b, s, hidden = x.shape
    residual = x
    h = _rmsnorm(x, ln1)
    q = (h @ Wq.T).reshape(b, s, NH, HD).transpose(0, 2, 1, 3)
    k = (h @ Wk.T).reshape(b, s, NH, HD).transpose(0, 2, 1, 3)
    v = (h @ Wv.T).reshape(b, s, NH, HD).transpose(0, 2, 1, 3)
    scale = 1.0 / np.sqrt(HD)
    attn = jnp.einsum('bhqd,bhkd->bhqk', q, k) * scale
    mask = jnp.triu(jnp.ones((s, s), dtype=bool), k=1)
    attn = jnp.where(mask[None, None, :, :], -jnp.inf, attn)
    attn = jax.nn.softmax(attn, axis=-1)
    o = jnp.einsum('bhqk,bhkd->bhqd', attn, v)
    o = o.transpose(0, 2, 1, 3).reshape(b, s, NH * HD)
    x1 = residual + o @ Wo.T
    residual2 = x1
    h2 = _rmsnorm(x1, ln2)
    flat = h2.reshape(-1, hidden)
    logits = flat @ router_w.T
    expert_idx = jnp.argmax(logits, axis=-1)
    out = jnp.zeros_like(flat)
    for e in range(E):
        m = (expert_idx == e)[:, None].astype(flat.dtype)
        g = jnp.square(jax.nn.relu(flat @ Wg[e].T))
        u = flat @ Wu[e].T
        y = (g * u) @ Wd[e].T
        out = out + m * y
    return residual2 + out.reshape(b, s, hidden)

if __name__ == "__main__":
    import jax
    _d = setup_inputs()
    print(jax.jit(kernel)(*tuple(_d.values())))

</pallas_src>

<mosaic_0001>
#map = affine_map<(d0, d1) -> (0, 0)>
#map1 = affine_map<(d0, d1) -> (0)>
module attributes {stable_mosaic.version = 14 : i64} {
  func.func @permute(%arg0: i32, %arg1: i32, %arg2: memref<2048x768xf32, #tpu.memory_space<hbm>>, %arg3: memref<2048xi32, #tpu.memory_space<hbm>>, %arg4: memref<2048x768xf32, #tpu.memory_space<hbm>>, %arg5: memref<64xi32, #tpu.memory_space<vmem>>, %arg6: memref<64x768xf32, #tpu.memory_space<vmem>>, %arg7: memref<!tpu.dma_semaphore, #tpu.memory_space<semaphore_mem>>) attributes {dimension_semantics = [#tpu.dimension_semantics<core_parallel>, #tpu.dimension_semantics<subcore_parallel>], iteration_bounds = array<i64: 2, 16>, scalar_prefetch = 0 : i64, scratch_operands = 3 : i64, tpu.core_type = #tpu.core_type<sc_vector_subcore>, window_params = [{transform_indices = #map}, {transform_indices = #map1}, {transform_indices = #map}]} {
    %mul3A = arith.constant 2 : i32
    %mul3A_0 = arith.muli %arg1, %mul3A : i32
    %add3A = arith.addi %mul3A_0, %arg0 : i32
    %mul3A_1 = arith.constant 64 : i32
    %mul3A_2 = arith.muli %add3A, %mul3A_1 : i32
    "tpu.region"() ({
      %run_scoped3A = tpu.sem_alloc : memref<!tpu.dma_semaphore, #tpu.memory_space<semaphore_mem>>
      %dma_start3A_7 = tpu.memref_slice %arg3[%mul3A_2] : memref<2048xi32, #tpu.memory_space<hbm>> -> memref<64xi32, #tpu.memory_space<hbm>>
      %dma_start3A_8 = tpu.memref_slice %arg3[%mul3A_2] : memref<2048xi32, #tpu.memory_space<hbm>> -> memref<64xi32, #tpu.memory_space<hbm>>
      tpu.enqueue_dma source(%dma_start3A_8 : memref<64xi32, #tpu.memory_space<hbm>>) target(%arg5 : memref<64xi32, #tpu.memory_space<vmem>>) target_semaphore(%run_scoped3A : memref<!tpu.dma_semaphore, #tpu.memory_space<semaphore_mem>>)
      %dma_wait3A_9 = tpu.memref_slice %arg3[%mul3A_2] : memref<2048xi32, #tpu.memory_space<hbm>> -> memref<64xi32, #tpu.memory_space<hbm>>
      %dma_wait3A_10 = tpu.memref_slice %arg3[%mul3A_2] : memref<2048xi32, #tpu.memory_space<hbm>> -> memref<64xi32, #tpu.memory_space<hbm>>
      tpu.wait_dma2 semaphore(%run_scoped3A : memref<!tpu.dma_semaphore, #tpu.memory_space<semaphore_mem>>) src(%dma_wait3A_10 : memref<64xi32, #tpu.memory_space<hbm>>) dst(%arg5 : memref<64xi32, #tpu.memory_space<vmem>>)
      tpu.yield
    }) : () -> ()
    "tpu.region"() ({
      %run_scoped3A = tpu.sem_alloc : memref<!tpu.dma_semaphore, #tpu.memory_space<semaphore_mem>>
      %dma_start3A_7 = arith.constant 0 : i32
      %dma_start3A_8 = tpu.memref_slice %arg2[%mul3A_2, %dma_start3A_7] : memref<2048x768xf32, #tpu.memory_space<hbm>> -> memref<64x768xf32, #tpu.memory_space<hbm>>
      %dma_start3A_9 = arith.constant 0 : i32
      %dma_start3A_10 = tpu.memref_slice %arg2[%mul3A_2, %dma_start3A_9] : memref<2048x768xf32, #tpu.memory_space<hbm>> -> memref<64x768xf32, #tpu.memory_space<hbm>>
      tpu.enqueue_dma source(%dma_start3A_10 : memref<64x768xf32, #tpu.memory_space<hbm>>) target(%arg6 : memref<64x768xf32, #tpu.memory_space<vmem>>) target_semaphore(%run_scoped3A : memref<!tpu.dma_semaphore, #tpu.memory_space<semaphore_mem>>)
      %dma_wait3A_11 = arith.constant 0 : i32
      %dma_wait3A_12 = tpu.memref_slice %arg2[%mul3A_2, %dma_wait3A_11] : memref<2048x768xf32, #tpu.memory_space<hbm>> -> memref<64x768xf32, #tpu.memory_space<hbm>>
      %dma_wait3A_13 = arith.constant 0 : i32
      %dma_wait3A_14 = tpu.memref_slice %arg2[%mul3A_2, %dma_wait3A_13] : memref<2048x768xf32, #tpu.memory_space<hbm>> -> memref<64x768xf32, #tpu.memory_space<hbm>>
      tpu.wait_dma2 semaphore(%run_scoped3A : memref<!tpu.dma_semaphore, #tpu.memory_space<semaphore_mem>>) src(%dma_wait3A_14 : memref<64x768xf32, #tpu.memory_space<hbm>>) dst(%arg6 : memref<64x768xf32, #tpu.memory_space<vmem>>)
      tpu.yield
    }) : () -> ()
    %dma_start3A = arith.constant 0 : i32
    %dma_start3A_3 = arith.constant 0 : i32
    %dma_start3A_4 = tpu.memref_slice %arg4[%dma_start3A, %dma_start3A_3] : memref<2048x768xf32, #tpu.memory_space<hbm>> -> memref<2048x768xf32, #tpu.memory_space<hbm>>
    tpu.enqueue_indirect_dma source(%arg6 : memref<64x768xf32, #tpu.memory_space<vmem>>) target(%dma_start3A_4 : memref<2048x768xf32, #tpu.memory_space<hbm>>) offsets(%arg5 : memref<64xi32, #tpu.memory_space<vmem>>) semaphore(%arg7 : memref<!tpu.dma_semaphore, #tpu.memory_space<semaphore_mem>>)
    %dma_wait3A = arith.constant 0 : i32
    %dma_wait3A_5 = arith.constant 0 : i32
    %dma_wait3A_6 = tpu.memref_slice %arg4[%dma_wait3A, %dma_wait3A_5] : memref<2048x768xf32, #tpu.memory_space<hbm>> -> memref<2048x768xf32, #tpu.memory_space<hbm>>
    tpu.wait_indirect_dma semaphore(%arg7 : memref<!tpu.dma_semaphore, #tpu.memory_space<semaphore_mem>>) src(%arg6 : memref<64x768xf32, #tpu.memory_space<vmem>>) dst(%dma_wait3A_6 : memref<2048x768xf32, #tpu.memory_space<hbm>>)
    return
  }
}

#map = affine_map<(d0, d1) -> (0, 0)>
#map1 = affine_map<(d0, d1) -> (0)>
module attributes {stable_mosaic.version = 14 : i64} {
  func.func @permute(%arg0: i32, %arg1: i32, %arg2: memref<2048x768xf32, #tpu.memory_space<hbm>>, %arg3: memref<2048xi32, #tpu.memory_space<hbm>>, %arg4: memref<2048x768xf32, #tpu.memory_space<hbm>>, %arg5: memref<64xi32, #tpu.memory_space<vmem>>, %arg6: memref<64x768xf32, #tpu.memory_space<vmem>>, %arg7: memref<!tpu.dma_semaphore, #tpu.memory_space<semaphore_mem>>) attributes {dimension_semantics = [#tpu.dimension_semantics<core_parallel>, #tpu.dimension_semantics<subcore_parallel>], iteration_bounds = array<i64: 2, 16>, scalar_prefetch = 0 : i64, scratch_operands = 3 : i64, tpu.core_type = #tpu.core_type<sc_vector_subcore>, window_params = [{transform_indices = #map}, {transform_indices = #map1}, {transform_indices = #map}]} {
    %mul3A = arith.constant 2 : i32
    %mul3A_0 = arith.muli %arg1, %mul3A : i32
    %add3A = arith.addi %mul3A_0, %arg0 : i32
    %mul3A_1 = arith.constant 64 : i32
    %mul3A_2 = arith.muli %add3A, %mul3A_1 : i32
    "tpu.region"() ({
      %run_scoped3A = tpu.sem_alloc : memref<!tpu.dma_semaphore, #tpu.memory_space<semaphore_mem>>
      %dma_start3A_7 = tpu.memref_slice %arg3[%mul3A_2] : memref<2048xi32, #tpu.memory_space<hbm>> -> memref<64xi32, #tpu.memory_space<hbm>>
      %dma_start3A_8 = tpu.memref_slice %arg3[%mul3A_2] : memref<2048xi32, #tpu.memory_space<hbm>> -> memref<64xi32, #tpu.memory_space<hbm>>
      tpu.enqueue_dma source(%dma_start3A_8 : memref<64xi32, #tpu.memory_space<hbm>>) target(%arg5 : memref<64xi32, #tpu.memory_space<vmem>>) target_semaphore(%run_scoped3A : memref<!tpu.dma_semaphore, #tpu.memory_space<semaphore_mem>>)
      %dma_wait3A_9 = tpu.memref_slice %arg3[%mul3A_2] : memref<2048xi32, #tpu.memory_space<hbm>> -> memref<64xi32, #tpu.memory_space<hbm>>
      %dma_wait3A_10 = tpu.memref_slice %arg3[%mul3A_2] : memref<2048xi32, #tpu.memory_space<hbm>> -> memref<64xi32, #tpu.memory_space<hbm>>
      tpu.wait_dma2 semaphore(%run_scoped3A : memref<!tpu.dma_semaphore, #tpu.memory_space<semaphore_mem>>) src(%dma_wait3A_10 : memref<64xi32, #tpu.memory_space<hbm>>) dst(%arg5 : memref<64xi32, #tpu.memory_space<vmem>>)
      tpu.yield
    }) : () -> ()
    %dma_start3A = arith.constant 0 : i32
    %dma_start3A_3 = arith.constant 0 : i32
    %dma_start3A_4 = tpu.memref_slice %arg2[%dma_start3A, %dma_start3A_3] : memref<2048x768xf32, #tpu.memory_space<hbm>> -> memref<2048x768xf32, #tpu.memory_space<hbm>>
    tpu.enqueue_indirect_dma source(%dma_start3A_4 : memref<2048x768xf32, #tpu.memory_space<hbm>>) target(%arg6 : memref<64x768xf32, #tpu.memory_space<vmem>>) offsets(%arg5 : memref<64xi32, #tpu.memory_space<vmem>>) semaphore(%arg7 : memref<!tpu.dma_semaphore, #tpu.memory_space<semaphore_mem>>)
    %dma_wait3A = arith.constant 0 : i32
    %dma_wait3A_5 = arith.constant 0 : i32
    %dma_wait3A_6 = tpu.memref_slice %arg2[%dma_wait3A, %dma_wait3A_5] : memref<2048x768xf32, #tpu.memory_space<hbm>> -> memref<2048x768xf32, #tpu.memory_space<hbm>>
    tpu.wait_indirect_dma semaphore(%arg7 : memref<!tpu.dma_semaphore, #tpu.memory_space<semaphore_mem>>) src(%dma_wait3A_6 : memref<2048x768xf32, #tpu.memory_space<hbm>>) dst(%arg6 : memref<64x768xf32, #tpu.memory_space<vmem>>)
    "tpu.region"() ({
      %run_scoped3A = tpu.sem_alloc : memref<!tpu.dma_semaphore, #tpu.memory_space<semaphore_mem>>
      %dma_start3A_7 = arith.constant 0 : i32
      %dma_start3A_8 = tpu.memref_slice %arg4[%mul3A_2, %dma_start3A_7] : memref<2048x768xf32, #tpu.memory_space<hbm>> -> memref<64x768xf32, #tpu.memory_space<hbm>>
      %dma_start3A_9 = arith.constant 0 : i32
      %dma_start3A_10 = tpu.memref_slice %arg4[%mul3A_2, %dma_start3A_9] : memref<2048x768xf32, #tpu.memory_space<hbm>> -> memref<64x768xf32, #tpu.memory_space<hbm>>
      tpu.enqueue_dma source(%arg6 : memref<64x768xf32, #tpu.memory_space<vmem>>) target(%dma_start3A_10 : memref<64x768xf32, #tpu.memory_space<hbm>>) target_semaphore(%run_scoped3A : memref<!tpu.dma_semaphore, #tpu.memory_space<semaphore_mem>>)
      %dma_wait3A_11 = arith.constant 0 : i32
      %dma_wait3A_12 = tpu.memref_slice %arg4[%mul3A_2, %dma_wait3A_11] : memref<2048x768xf32, #tpu.memory_space<hbm>> -> memref<64x768xf32, #tpu.memory_space<hbm>>
      %dma_wait3A_13 = arith.constant 0 : i32
      %dma_wait3A_14 = tpu.memref_slice %arg4[%mul3A_2, %dma_wait3A_13] : memref<2048x768xf32, #tpu.memory_space<hbm>> -> memref<64x768xf32, #tpu.memory_space<hbm>>
      tpu.wait_dma2 semaphore(%run_scoped3A : memref<!tpu.dma_semaphore, #tpu.memory_space<semaphore_mem>>) src(%arg6 : memref<64x768xf32, #tpu.memory_space<vmem>>) dst(%dma_wait3A_14 : memref<64x768xf32, #tpu.memory_space<hbm>>)
      tpu.yield
    }) : () -> ()
    return
  }
}

module attributes {stable_mosaic.version = 14 : i64} {
  func.func @_qkv_body(%arg0: i32, %arg1: memref<256x768xf32, #tpu.memory_space<vmem>>, %arg2: memref<1x768xf32, #tpu.memory_space<vmem>>, %arg3: memref<768x768xf32, #tpu.memory_space<vmem>>, %arg4: memref<768x768xf32, #tpu.memory_space<vmem>>, %arg5: memref<768x768xf32, #tpu.memory_space<vmem>>, %arg6: memref<256x768xbf16, #tpu.memory_space<vmem>>, %arg7: memref<256x768xbf16, #tpu.memory_space<vmem>>, %arg8: memref<256x768xbf16, #tpu.memory_space<vmem>>) attributes {dimension_semantics = [#tpu.dimension_semantics<arbitrary>], iteration_bounds = array<i64: 8>, scalar_prefetch = 0 : i64, scratch_operands = 0 : i64, tpu.core_type = #tpu.core_type<tc>, window_params = [{transform_indices = @transform_0, window_bounds = array<i64: 256, 768>}, {pipeline_mode = #tpu.pipeline_mode<synchronous>, transform_indices = @transform_1, window_bounds = array<i64: 1, 768>}, {pipeline_mode = #tpu.pipeline_mode<synchronous>, transform_indices = @transform_2, window_bounds = array<i64: 768, 768>}, {pipeline_mode = #tpu.pipeline_mode<synchronous>, transform_indices = @transform_3, window_bounds = array<i64: 768, 768>}, {pipeline_mode = #tpu.pipeline_mode<synchronous>, transform_indices = @transform_4, window_bounds = array<i64: 768, 768>}, {transform_indices = @transform_5, window_bounds = array<i64: 256, 768>}, {transform_indices = @transform_6, window_bounds = array<i64: 256, 768>}, {transform_indices = @transform_7, window_bounds = array<i64: 256, 768>}]} {
    %get3A = arith.constant 0 : index
    %get3A_0 = arith.constant 0 : index
    %get3A_1 = vector.load %arg1[%get3A, %get3A_0] : memref<256x768xf32, #tpu.memory_space<vmem>>, vector<256x768xf32>
    %square3A = arith.mulf %get3A_1, %get3A_1 : vector<256x768xf32>
    %reduce_sum3A = arith.constant dense<0.000000e+00> : vector<256xf32>
    %reduce_sum3A_2 = vector.multi_reduction <add>, %square3A, %reduce_sum3A [1] : vector<256x768xf32> to vector<256xf32>
    %broadcast_in_dim3A = vector.shape_cast %reduce_sum3A_2 : vector<256xf32> to vector<256x1xf32>
    %div3A = arith.constant 7.680000e+02 : f32
    %div3A_3 = vector.broadcast %div3A : f32 to vector<256x1xf32>
    %div3A_4 = arith.divf %broadcast_in_dim3A, %div3A_3 : vector<256x1xf32>
    %add3A = arith.constant 9.99999974E-6 : f32
    %add3A_5 = vector.broadcast %add3A : f32 to vector<256x1xf32>
    %add3A_6 = arith.addf %div3A_4, %add3A_5 : vector<256x1xf32>
    %rsqrt3A = math.rsqrt %add3A_6 : vector<256x1xf32>
    %mul3A = vector.broadcast %rsqrt3A : vector<256x1xf32> to vector<256x768xf32>
    %mul3A_7 = arith.mulf %get3A_1, %mul3A : vector<256x768xf32>
    %get3A_8 = arith.constant 0 : index
    %get3A_9 = arith.constant 0 : index
    %get3A_10 = vector.load %arg2[%get3A_8, %get3A_9] : memref<1x768xf32, #tpu.memory_space<vmem>>, vector<1x768xf32>
    %mul3A_11 = vector.broadcast %get3A_10 : vector<1x768xf32> to vector<256x768xf32>
    %mul3A_12 = arith.mulf %mul3A_7, %mul3A_11 : vector<256x768xf32>
    %convert_element_type3A = arith.truncf %mul3A_12 : vector<256x768xf32> to vector<256x768xbf16>
    %get3A_13 = arith.constant 0 : index
    %get3A_14 = arith.constant 0 : index
    %get3A_15 = vector.load %arg3[%get3A_13, %get3A_14] : memref<768x768xf32, #tpu.memory_space<vmem>>, vector<768x768xf32>
    %convert_element_type3A_16 = arith.truncf %get3A_15 : vector<768x768xf32> to vector<768x768xbf16>
    %dot_general3A = arith.constant dense<0.000000e+00> : vector<256x768xf32>
    %dot_general3A_17 = tpu.matmul %convert_element_type3A, %convert_element_type3A_16, %dot_general3A {dimension_numbers = #tpu.dot_dimension_numbers<[1], [1], [0], [0], [0, 0, 1, 0], [], []>, transpose_lhs_hint = false} : vector<256x768xbf16>, vector<768x768xbf16>, vector<256x768xf32> -> vector<256x768xf32>
    %convert_element_type3A_18 = arith.truncf %dot_general3A_17 : vector<256x768xf32> to vector<256x768xbf16>
    %swap3A = arith.constant 0 : index
    %swap3A_19 = arith.constant 0 : index
    %swap3A_20 = vector.load %arg6[%swap3A, %swap3A_19] : memref<256x768xbf16, #tpu.memory_space<vmem>>, vector<256x768xbf16>
    tpu.vector_store %arg6[%swap3A, %swap3A_19], %convert_element_type3A_18 {strides = array<i32>} : memref<256x768xbf16, #tpu.memory_space<vmem>>, vector<256x768xbf16>,
    %get3A_21 = arith.constant 0 : index
    %get3A_22 = arith.constant 0 : index
    %get3A_23 = vector.load %arg4[%get3A_21, %get3A_22] : memref<768x768xf32, #tpu.memory_space<vmem>>, vector<768x768xf32>
    %convert_element_type3A_24 = arith.truncf %get3A_23 : vector<768x768xf32> to vector<768x768xbf16>
    %dot_general3A_25 = arith.constant dense<0.000000e+00> : vector<256x768xf32>
    %dot_general3A_26 = tpu.matmul %convert_element_type3A, %convert_element_type3A_24, %dot_general3A_25 {dimension_numbers = #tpu.dot_dimension_numbers<[1], [1], [0], [0], [0, 0, 1, 0], [], []>, transpose_lhs_hint = false} : vector<256x768xbf16>, vector<768x768xbf16>, vector<256x768xf32> -> vector<256x768xf32>
    %convert_element_type3A_27 = arith.truncf %dot_general3A_26 : vector<256x768xf32> to vector<256x768xbf16>
    %swap3A_28 = arith.constant 0 : index
    %swap3A_29 = arith.constant 0 : index
    %swap3A_30 = vector.load %arg7[%swap3A_28, %swap3A_29] : memref<256x768xbf16, #tpu.memory_space<vmem>>, vector<256x768xbf16>
    tpu.vector_store %arg7[%swap3A_28, %swap3A_29], %convert_element_type3A_27 {strides = array<i32>} : memref<256x768xbf16, #tpu.memory_space<vmem>>, vector<256x768xbf16>,
    %get3A_31 = arith.constant 0 : index
    %get3A_32 = arith.constant 0 : index
    %get3A_33 = vector.load %arg5[%get3A_31, %get3A_32] : memref<768x768xf32, #tpu.memory_space<vmem>>, vector<768x768xf32>
    %convert_element_type3A_34 = arith.truncf %get3A_33 : vector<768x768xf32> to vector<768x768xbf16>
    %dot_general3A_35 = arith.constant dense<0.000000e+00> : vector<256x768xf32>
    %dot_general3A_36 = tpu.matmul %convert_element_type3A, %convert_element_type3A_34, %dot_general3A_35 {dimension_numbers = #tpu.dot_dimension_numbers<[1], [1], [0], [0], [0, 0, 1, 0], [], []>, transpose_lhs_hint = false} : vector<256x768xbf16>, vector<768x768xbf16>, vector<256x768xf32> -> vector<256x768xf32>
    %convert_element_type3A_37 = arith.truncf %dot_general3A_36 : vector<256x768xf32> to vector<256x768xbf16>
    %swap3A_38 = arith.constant 0 : index
    %swap3A_39 = arith.constant 0 : index
    %swap3A_40 = vector.load %arg8[%swap3A_38, %swap3A_39] : memref<256x768xbf16, #tpu.memory_space<vmem>>, vector<256x768xbf16>
    tpu.vector_store %arg8[%swap3A_38, %swap3A_39], %convert_element_type3A_37 {strides = array<i32>} : memref<256x768xbf16, #tpu.memory_space<vmem>>, vector<256x768xbf16>,
    return
  }
  func.func @transform_0(%arg0: i32) -> (i32, i32) {
    %c0_i32 = arith.constant 0 : i32
    %c0_i32_0 = arith.constant 0 : i32
    return %arg0, %c0_i32 : i32, i32
  }
  func.func @transform_1(%arg0: i32) -> (i32, i32) {
    %c0_i32 = arith.constant 0 : i32
    %c0_i32_0 = arith.constant 0 : i32
    %c0_i32_1 = arith.constant 0 : i32
    return %c0_i32, %c0_i32_0 : i32, i32
  }
  func.func @transform_2(%arg0: i32) -> (i32, i32) {
    %c0_i32 = arith.constant 0 : i32
    %c0_i32_0 = arith.constant 0 : i32
    %c0_i32_1 = arith.constant 0 : i32
    return %c0_i32, %c0_i32_0 : i32, i32
  }
  func.func @transform_3(%arg0: i32) -> (i32, i32) {
    %c0_i32 = arith.constant 0 : i32
    %c0_i32_0 = arith.constant 0 : i32
    %c0_i32_1 = arith.constant 0 : i32
    return %c0_i32, %c0_i32_0 : i32, i32
  }
  func.func @transform_4(%arg0: i32) -> (i32, i32) {
    %c0_i32 = arith.constant 0 : i32
    %c0_i32_0 = arith.constant 0 : i32
    %c0_i32_1 = arith.constant 0 : i32
    return %c0_i32, %c0_i32_0 : i32, i32
  }
  func.func @transform_5(%arg0: i32) -> (i32, i32) {
    %c0_i32 = arith.constant 0 : i32
    %c0_i32_0 = arith.constant 0 : i32
    return %arg0, %c0_i32 : i32, i32
  }
  func.func @transform_6(%arg0: i32) -> (i32, i32) {
    %c0_i32 = arith.constant 0 : i32
    %c0_i32_0 = arith.constant 0 : i32
    return %arg0, %c0_i32 : i32, i32
  }
  func.func @transform_7(%arg0: i32) -> (i32, i32) {
    %c0_i32 = arith.constant 0 : i32
    %c0_i32_0 = arith.constant 0 : i32
    return %arg0, %c0_i32 : i32, i32
  }
}

module attributes {stable_mosaic.version = 14 : i64} {
  func.func @body(%arg0: i32, %arg1: memref<256x768xbf16, #tpu.memory_space<vmem>>, %arg2: memref<512x768xbf16, #tpu.memory_space<vmem>>, %arg3: memref<512x768xbf16, #tpu.memory_space<vmem>>, %arg4: memref<256x768xbf16, #tpu.memory_space<vmem>>) attributes {dimension_semantics = [#tpu.dimension_semantics<arbitrary>], iteration_bounds = array<i64: 2>, scalar_prefetch = 0 : i64, scratch_operands = 0 : i64, tpu.core_type = #tpu.core_type<tc>, window_params = [{transform_indices = @transform_0, window_bounds = array<i64: 256, 768>}, {transform_indices = @transform_1, window_bounds = array<i64: 512, 768>}, {transform_indices = @transform_2, window_bounds = array<i64: 512, 768>}, {transform_indices = @transform_3, window_bounds = array<i64: 256, 768>}]} {
    %add3A = arith.constant 0 : i32
    %add3A_0 = arith.addi %add3A, %arg0 : i32
    %mul3A = arith.constant 256 : i32
    %mul3A_1 = arith.muli %add3A_0, %mul3A : i32
    %iota3A = tpu.iota {dimensions = array<i32: 0>} : vector<256x512xi32>
    %add3A_2 = vector.broadcast %mul3A_1 : i32 to vector<256x512xi32>
    %add3A_3 = arith.addi %iota3A, %add3A_2 : vector<256x512xi32>
    %iota3A_4 = tpu.iota {dimensions = array<i32: 1>} : vector<256x512xi32>
    %gt3A = arith.cmpi sgt, %iota3A_4, %add3A_3 : vector<256x512xi32>
    %jit3A = arith.constant 0xFF800000 : f32
    %jit3A_5 = arith.constant 0.000000e+00 : f32
    %broadcast_in_dim3A = vector.broadcast %jit3A : f32 to vector<256x512xf32>
    %broadcast_in_dim3A_6 = vector.broadcast %jit3A_5 : f32 to vector<256x512xf32>
    %select_n3A = arith.select %gt3A, %broadcast_in_dim3A, %broadcast_in_dim3A_6 : vector<256x512xi1>, vector<256x512xf32>
    %get3A = arith.constant 0 : index
    %get3A_7 = arith.constant 0 : index
    %get3A_8 = vector.load %arg1[%get3A, %get3A_7] : memref<256x768xbf16, #tpu.memory_space<vmem>>, vector<256x768xbf16>
    %mul3A_9 = arith.constant 1.250000e-01 : bf16
    %mul3A_10 = vector.broadcast %mul3A_9 : bf16 to vector<256x768xbf16>
    %mul3A_11 = arith.mulf %get3A_8, %mul3A_10 : vector<256x768xbf16>
    %slice3A = vector.extract_strided_slice %mul3A_11 {offsets = [0, 0], sizes = [256, 64], strides = [1, 1]} : vector<256x768xbf16> to vector<256x64xbf16>
    %get3A_12 = arith.constant 0 : index
    %get3A_13 = arith.constant 0 : index
    %get3A_14 = vector.load %arg2[%get3A_12, %get3A_13] : memref<512x768xbf16, #tpu.memory_space<vmem>>, vector<512x64xbf16>
    %dot_general3A = arith.constant dense<0.000000e+00> : vector<256x512xf32>
    %dot_general3A_15 = tpu.matmul %slice3A, %get3A_14, %dot_general3A {dimension_numbers = #tpu.dot_dimension_numbers<[1], [1], [0], [0], [0, 0, 1, 0], [], []>, transpose_lhs_hint = false} : vector<256x64xbf16>, vector<512x64xbf16>, vector<256x512xf32> -> vector<256x512xf32>
    %add3A_16 = arith.addf %dot_general3A_15, %select_n3A : vector<256x512xf32>
    %reduce_max3A = arith.constant dense<0xFF800000> : vector<256xf32>
    %reduce_max3A_17 = vector.multi_reduction <maximumf>, %add3A_16, %reduce_max3A [1] : vector<256x512xf32> to vector<256xf32>
    %broadcast_in_dim3A_18 = vector.shape_cast %reduce_max3A_17 : vector<256xf32> to vector<256x1xf32>
    %sub3A = vector.broadcast %broadcast_in_dim3A_18 : vector<256x1xf32> to vector<256x512xf32>
    %sub3A_19 = arith.subf %add3A_16, %sub3A : vector<256x512xf32>
    %exp3A = math.exp %sub3A_19 : vector<256x512xf32>
    %reduce_sum3A = arith.constant dense<0.000000e+00> : vector<256xf32>
    %reduce_sum3A_20 = vector.multi_reduction <add>, %exp3A, %reduce_sum3A [1] : vector<256x512xf32> to vector<256xf32>
    %broadcast_in_dim3A_21 = vector.shape_cast %reduce_sum3A_20 : vector<256xf32> to vector<256x1xf32>
    %div3A = arith.constant 1.000000e+00 : f32
    %div3A_22 = vector.broadcast %div3A : f32 to vector<256x1xf32>
    %div3A_23 = arith.divf %div3A_22, %broadcast_in_dim3A_21 : vector<256x1xf32>
    %mul3A_24 = vector.broadcast %div3A_23 : vector<256x1xf32> to vector<256x512xf32>
    %mul3A_25 = arith.mulf %exp3A, %mul3A_24 : vector<256x512xf32>
    %convert_element_type3A = arith.truncf %mul3A_25 : vector<256x512xf32> to vector<256x512xbf16>
    %get3A_26 = arith.constant 0 : index
    %get3A_27 = arith.constant 0 : index
    %get3A_28 = vector.load %arg3[%get3A_26, %get3A_27] : memref<512x768xbf16, #tpu.memory_space<vmem>>, vector<512x64xbf16>
    %dot_general3A_29 = arith.constant dense<0.000000e+00> : vector<256x64xf32>
    %dot_general3A_30 = tpu.matmul %convert_element_type3A, %get3A_28, %dot_general3A_29 {dimension_numbers = #tpu.dot_dimension_numbers<[1], [0], [0], [1], [0, 0, 1, 1], [], []>, transpose_lhs_hint = false} : vector<256x512xbf16>, vector<512x64xbf16>, vector<256x64xf32> -> vector<256x64xf32>
    %convert_element_type3A_31 = arith.truncf %dot_general3A_30 : vector<256x64xf32> to vector<256x64xbf16>
    %swap3A = arith.constant 0 : index
    %swap3A_32 = arith.constant 0 : index
    %swap3A_33 = vector.load %arg4[%swap3A, %swap3A_32] : memref<256x768xbf16, #tpu.memory_space<vmem>>, vector<256x64xbf16>
    tpu.vector_store %arg4[%swap3A, %swap3A_32], %convert_element_type3A_31 {strides = array<i32>} : memref<256x768xbf16, #tpu.memory_space<vmem>>, vector<256x64xbf16>,
    %slice3A_34 = vector.extract_strided_slice %mul3A_11 {offsets = [0, 64], sizes = [256, 64], strides = [1, 1]} : vector<256x768xbf16> to vector<256x64xbf16>
    %get3A_35 = arith.constant 0 : index
    %get3A_36 = arith.constant 64 : index
    %get3A_37 = vector.load %arg2[%get3A_35, %get3A_36] : memref<512x768xbf16, #tpu.memory_space<vmem>>, vector<512x64xbf16>
    %dot_general3A_38 = arith.constant dense<0.000000e+00> : vector<256x512xf32>
    %dot_general3A_39 = tpu.matmul %slice3A_34, %get3A_37, %dot_general3A_38 {dimension_numbers = #tpu.dot_dimension_numbers<[1], [1], [0], [0], [0, 0, 1, 0], [], []>, transpose_lhs_hint = false} : vector<256x64xbf16>, vector<512x64xbf16>, vector<256x512xf32> -> vector<256x512xf32>
    %add3A_40 = arith.addf %dot_general3A_39, %select_n3A : vector<256x512xf32>
    %reduce_max3A_41 = arith.constant dense<0xFF800000> : vector<256xf32>
    %reduce_max3A_42 = vector.multi_reduction <maximumf>, %add3A_40, %reduce_max3A_41 [1] : vector<256x512xf32> to vector<256xf32>
    %broadcast_in_dim3A_43 = vector.shape_cast %reduce_max3A_42 : vector<256xf32> to vector<256x1xf32>
    %sub3A_44 = vector.broadcast %broadcast_in_dim3A_43 : vector<256x1xf32> to vector<256x512xf32>
    %sub3A_45 = arith.subf %add3A_40, %sub3A_44 : vector<256x512xf32>
    %exp3A_46 = math.exp %sub3A_45 : vector<256x512xf32>
    %reduce_sum3A_47 = arith.constant dense<0.000000e+00> : vector<256xf32>
    %reduce_sum3A_48 = vector.multi_reduction <add>, %exp3A_46, %reduce_sum3A_47 [1] : vector<256x512xf32> to vector<256xf32>
    %broadcast_in_dim3A_49 = vector.shape_cast %reduce_sum3A_48 : vector<256xf32> to vector<256x1xf32>
    %div3A_50 = arith.constant 1.000000e+00 : f32
    %div3A_51 = vector.broadcast %div3A_50 : f32 to vector<256x1xf32>
    %div3A_52 = arith.divf %div3A_51, %broadcast_in_dim3A_49 : vector<256x1xf32>
    %mul3A_53 = vector.broadcast %div3A_52 : vector<256x1xf32> to vector<256x512xf32>
    %mul3A_54 = arith.mulf %exp3A_46, %mul3A_53 : vector<256x512xf32>
    %convert_element_type3A_55 = arith.truncf %mul3A_54 : vector<256x512xf32> to vector<256x512xbf16>
    %get3A_56 = arith.constant 0 : index
    %get3A_57 = arith.constant 64 : index
    %get3A_58 = vector.load %arg3[%get3A_56, %get3A_57] : memref<512x768xbf16, #tpu.memory_space<vmem>>, vector<512x64xbf16>
    %dot_general3A_59 = arith.constant dense<0.000000e+00> : vector<256x64xf32>
    %dot_general3A_60 = tpu.matmul %convert_element_type3A_55, %get3A_58, %dot_general3A_59 {dimension_numbers = #tpu.dot_dimension_numbers<[1], [0], [0], [1], [0, 0, 1, 1], [], []>, transpose_lhs_hint = false} : vector<256x512xbf16>, vector<512x64xbf16>, vector<256x64xf32> -> vector<256x64xf32>
    %convert_element_type3A_61 = arith.truncf %dot_general3A_60 : vector<256x64xf32> to vector<256x64xbf16>
    %swap3A_62 = arith.constant 0 : index
    %swap3A_63 = arith.constant 64 : index
    %swap3A_64 = vector.load %arg4[%swap3A_62, %swap3A_63] : memref<256x768xbf16, #tpu.memory_space<vmem>>, vector<256x64xbf16>
    tpu.vector_store %arg4[%swap3A_62, %swap3A_63], %convert_element_type3A_61 {strides = array<i32>} : memref<256x768xbf16, #tpu.memory_space<vmem>>, vector<256x64xbf16>,
    %slice3A_65 = vector.extract_strided_slice %mul3A_11 {offsets = [0, 128], sizes = [256, 64], strides = [1, 1]} : vector<256x768xbf16> to vector<256x64xbf16>
    %get3A_66 = arith.constant 0 : index
    %get3A_67 = arith.constant 128 : index
    %get3A_68 = vector.load %arg2[%get3A_66, %get3A_67] : memref<512x768xbf16, #tpu.memory_space<vmem>>, vector<512x64xbf16>
    %dot_general3A_69 = arith.constant dense<0.000000e+00> : vector<256x512xf32>
    %dot_general3A_70 = tpu.matmul %slice3A_65, %get3A_68, %dot_general3A_69 {dimension_numbers = #tpu.dot_dimension_numbers<[1], [1], [0], [0], [0, 0, 1, 0], [], []>, transpose_lhs_hint = false} : vector<256x64xbf16>, vector<512x64xbf16>, vector<256x512xf32> -> vector<256x512xf32>
    %add3A_71 = arith.addf %dot_general3A_70, %select_n3A : vector<256x512xf32>
    %reduce_max3A_72 = arith.constant dense<0xFF800000> : vector<256xf32>
    %reduce_max3A_73 = vector.multi_reduction <maximumf>, %add3A_71, %reduce_max3A_72 [1] : vector<256x512xf32> to vector<256xf32>
    %broadcast_in_dim3A_74 = vector.shape_cast %reduce_max3A_73 : vector<256xf32> to vector<256x1xf32>
    %sub3A_75 = vector.broadcast %broadcast_in_dim3A_74 : vector<256x1xf32> to vector<256x512xf32>
    %sub3A_76 = arith.subf %add3A_71, %sub3A_75 : vector<256x512xf32>
    %exp3A_77 = math.exp %sub3A_76 : vector<256x512xf32>
    %reduce_sum3A_78 = arith.constant dense<0.000000e+00> : vector<256xf32>
    %reduce_sum3A_79 = vector.multi_reduction <add>, %exp3A_77, %reduce_sum3A_78 [1] : vector<256x512xf32> to vector<256xf32>
    %broadcast_in_dim3A_80 = vector.shape_cast %reduce_sum3A_79 : vector<256xf32> to vector<256x1xf32>
    %div3A_81 = arith.constant 1.000000e+00 : f32
    %div3A_82 = vector.broadcast %div3A_81 : f32 to vector<256x1xf32>
    %div3A_83 = arith.divf %div3A_82, %broadcast_in_dim3A_80 : vector<256x1xf32>
    %mul3A_84 = vector.broadcast %div3A_83 : vector<256x1xf32> to vector<256x512xf32>
    %mul3A_85 = arith.mulf %exp3A_77, %mul3A_84 : vector<256x512xf32>
    %convert_element_type3A_86 = arith.truncf %mul3A_85 : vector<256x512xf32> to vector<256x512xbf16>
    %get3A_87 = arith.constant 0 : index
    %get3A_88 = arith.constant 128 : index
    %get3A_89 = vector.load %arg3[%get3A_87, %get3A_88] : memref<512x768xbf16, #tpu.memory_space<vmem>>, vector<512x64xbf16>
    %dot_general3A_90 = arith.constant dense<0.000000e+00> : vector<256x64xf32>
    %dot_general3A_91 = tpu.matmul %convert_element_type3A_86, %get3A_89, %dot_general3A_90 {dimension_numbers = #tpu.dot_dimension_numbers<[1], [0], [0], [1], [0, 0, 1, 1], [], []>, transpose_lhs_hint = false} : vector<256x512xbf16>, vector<512x64xbf16>, vector<256x64xf32> -> vector<256x64xf32>
    %convert_element_type3A_92 = arith.truncf %dot_general3A_91 : vector<256x64xf32> to vector<256x64xbf16>
    %swap3A_93 = arith.constant 0 : index
    %swap3A_94 = arith.constant 128 : index
    %swap3A_95 = vector.load %arg4[%swap3A_93, %swap3A_94] : memref<256x768xbf16, #tpu.memory_space<vmem>>, vector<256x64xbf16>
    tpu.vector_store %arg4[%swap3A_93, %swap3A_94], %convert_element_type3A_92 {strides = array<i32>} : memref<256x768xbf16, #tpu.memory_space<vmem>>, vector<256x64xbf16>,
    %slice3A_96 = vector.extract_strided_slice %mul3A_11 {offsets = [0, 192], sizes = [256, 64], strides = [1, 1]} : vector<256x768xbf16> to vector<256x64xbf16>
    %get3A_97 = arith.constant 0 : index
    %get3A_98 = arith.constant 192 : index
    %get3A_99 = vector.load %arg2[%get3A_97, %get3A_98] : memref<512x768xbf16, #tpu.memory_space<vmem>>, vector<512x64xbf16>
    %dot_general3A_100 = arith.constant dense<0.000000e+00> : vector<256x512xf32>
    %dot_general3A_101 = tpu.matmul %slice3A_96, %get3A_99, %dot_general3A_100 {dimension_numbers = #tpu.dot_dimension_numbers<[1], [1], [0], [0], [0, 0, 1, 0], [], []>, transpose_lhs_hint = false} : vector<256x64xbf16>, vector<512x64xbf16>, vector<256x512xf32> -> vector<256x512xf32>
    %add3A_102 = arith.addf %dot_general3A_101, %select_n3A : vector<256x512xf32>
    %reduce_max3A_103 = arith.constant dense<0xFF800000> : vector<256xf32>
    %reduce_max3A_104 = vector.multi_reduction <maximumf>, %add3A_102, %reduce_max3A_103 [1] : vector<256x512xf32> to vector<256xf32>
    %broadcast_in_dim3A_105 = vector.shape_cast %reduce_max3A_104 : vector<256xf32> to vector<256x1xf32>
    %sub3A_106 = vector.broadcast %broadcast_in_dim3A_105 : vector<256x1xf32> to vector<256x512xf32>
    %sub3A_107 = arith.subf %add3A_102, %sub3A_106 : vector<256x512xf32>
    %exp3A_108 = math.exp %sub3A_107 : vector<256x512xf32>
    %reduce_sum3A_109 = arith.constant dense<0.000000e+00> : vector<256xf32>
    %reduce_sum3A_110 = vector.multi_reduction <add>, %exp3A_108, %reduce_sum3A_109 [1] : vector<256x512xf32> to vector<256xf32>
    %broadcast_in_dim3A_111 = vector.shape_cast %reduce_sum3A_110 : vector<256xf32> to vector<256x1xf32>
    %div3A_112 = arith.constant 1.000000e+00 : f32
    %div3A_113 = vector.broadcast %div3A_112 : f32 to vector<256x1xf32>
    %div3A_114 = arith.divf %div3A_113, %broadcast_in_dim3A_111 : vector<256x1xf32>
    %mul3A_115 = vector.broadcast %div3A_114 : vector<256x1xf32> to vector<256x512xf32>
    %mul3A_116 = arith.mulf %exp3A_108, %mul3A_115 : vector<256x512xf32>
    %convert_element_type3A_117 = arith.truncf %mul3A_116 : vector<256x512xf32> to vector<256x512xbf16>
    %get3A_118 = arith.constant 0 : index
    %get3A_119 = arith.constant 192 : index
    %get3A_120 = vector.load %arg3[%get3A_118, %get3A_119] : memref<512x768xbf16, #tpu.memory_space<vmem>>, vector<512x64xbf16>
    %dot_general3A_121 = arith.constant dense<0.000000e+00> : vector<256x64xf32>
    %dot_general3A_122 = tpu.matmul %convert_element_type3A_117, %get3A_120, %dot_general3A_121 {dimension_numbers = #tpu.dot_dimension_numbers<[1], [0], [0], [1], [0, 0, 1, 1], [], []>, transpose_lhs_hint = false} : vector<256x512xbf16>, vector<512x64xbf16>, vector<256x64xf32> -> vector<256x64xf32>
    %convert_element_type3A_123 = arith.truncf %dot_general3A_122 : vector<256x64xf32> to vector<256x64xbf16>
    %swap3A_124 = arith.constant 0 : index
    %swap3A_125 = arith.constant 192 : index
    %swap3A_126 = vector.load %arg4[%swap3A_124, %swap3A_125] : memref<256x768xbf16, #tpu.memory_space<vmem>>, vector<256x64xbf16>
    tpu.vector_store %arg4[%swap3A_124, %swap3A_125], %convert_element_type3A_123 {strides = array<i32>} : memref<256x768xbf16, #tpu.memory_space<vmem>>, vector<256x64xbf16>,
    %slice3A_127 = vector.extract_strided_slice %mul3A_11 {offsets = [0, 256], sizes = [256, 64], strides = [1, 1]} : vector<256x768xbf16> to vector<256x64xbf16>
    %get3A_128 = arith.constant 0 : index
    %get3A_129 = arith.constant 256 : index
    %get3A_130 = vector.load %arg2[%get3A_128, %get3A_129] : memref<512x768xbf16, #tpu.memory_space<vmem>>, vector<512x64xbf16>
    %dot_general3A_131 = arith.constant dense<0.000000e+00> : vector<256x512xf32>
    %dot_general3A_132 = tpu.matmul %slice3A_127, %get3A_130, %dot_general3A_131 {dimension_numbers = #tpu.dot_dimension_numbers<[1], [1], [0], [0], [0, 0, 1, 0], [], []>, transpose_lhs_hint = false} : vector<256x64xbf16>, vector<512x64xbf16>, vector<256x512xf32> -> vector<256x512xf32>
    %add3A_133 = arith.addf %dot_general3A_132, %select_n3A : vector<256x512xf32>
    %reduce_max3A_134 = arith.constant dense<0xFF800000> : vector<256xf32>
    %reduce_max3A_135 = vector.multi_reduction <maximumf>, %add3A_133, %reduce_max3A_134 [1] : vector<256x512xf32> to vector<256xf32>
    %broadcast_in_dim3A_136 = vector.shape_cast %reduce_max3A_135 : vector<256xf32> to vector<256x1xf32>
    %sub3A_137 = vector.broadcast %broadcast_in_dim3A_136 : vector<256x1xf32> to vector<256x512xf32>
    %sub3A_138 = arith.subf %add3A_133, %sub3A_137 : vector<256x512xf32>
    %exp3A_139 = math.exp %sub3A_138 : vector<256x512xf32>
    %reduce_sum3A_140 = arith.constant dense<0.000000e+00> : vector<256xf32>
    %reduce_sum3A_141 = vector.multi_reduction <add>, %exp3A_139, %reduce_sum3A_140 [1] : vector<256x512xf32> to vector<256xf32>
    %broadcast_in_dim3A_142 = vector.shape_cast %reduce_sum3A_141 : vector<256xf32> to vector<256x1xf32>
    %div3A_143 = arith.constant 1.000000e+00 : f32
    %div3A_144 = vector.broadcast %div3A_143 : f32 to vector<256x1xf32>
    %div3A_145 = arith.divf %div3A_144, %broadcast_in_dim3A_142 : vector<256x1xf32>
    %mul3A_146 = vector.broadcast %div3A_145 : vector<256x1xf32> to vector<256x512xf32>
    %mul3A_147 = arith.mulf %exp3A_139, %mul3A_146 : vector<256x512xf32>
    %convert_element_type3A_148 = arith.truncf %mul3A_147 : vector<256x512xf32> to vector<256x512xbf16>
    %get3A_149 = arith.constant 0 : index
    %get3A_150 = arith.constant 256 : index
    %get3A_151 = vector.load %arg3[%get3A_149, %get3A_150] : memref<512x768xbf16, #tpu.memory_space<vmem>>, vector<512x64xbf16>
    %dot_general3A_152 = arith.constant dense<0.000000e+00> : vector<256x64xf32>
    %dot_general3A_153 = tpu.matmul %convert_element_type3A_148, %get3A_151, %dot_general3A_152 {dimension_numbers = #tpu.dot_dimension_numbers<[1], [0], [0], [1], [0, 0, 1, 1], [], []>, transpose_lhs_hint = false} : vector<256x512xbf16>, vector<512x64xbf16>, vector<256x64xf32> -> vector<256x64xf32>
    %convert_element_type3A_154 = arith.truncf %dot_general3A_153 : vector<256x64xf32> to vector<256x64xbf16>
    %swap3A_155 = arith.constant 0 : index
    %swap3A_156 = arith.constant 256 : index
    %swap3A_157 = vector.load %arg4[%swap3A_155, %swap3A_156] : memref<256x768xbf16, #tpu.memory_space<vmem>>, vector<256x64xbf16>
    tpu.vector_store %arg4[%swap3A_155, %swap3A_156], %convert_element_type3A_154 {strides = array<i32>} : memref<256x768xbf16, #tpu.memory_space<vmem>>, vector<256x64xbf16>,
    %slice3A_158 = vector.extract_strided_slice %mul3A_11 {offsets = [0, 320], sizes = [256, 64], strides = [1, 1]} : vector<256x768xbf16> to vector<256x64xbf16>
    %get3A_159 = arith.constant 0 : index
    %get3A_160 = arith.constant 320 : index
    %get3A_161 = vector.load %arg2[%get3A_159, %get3A_160] : memref<512x768xbf16, #tpu.memory_space<vmem>>, vector<512x64xbf16>
    %dot_general3A_162 = arith.constant dense<0.000000e+00> : vector<256x512xf32>
    %dot_general3A_163 = tpu.matmul %slice3A_158, %get3A_161, %dot_general3A_162 {dimension_numbers = #tpu.dot_dimension_numbers<[1], [1], [0], [0], [0, 0, 1, 0], [], []>, transpose_lhs_hint = false} : vector<256x64xbf16>, vector<512x64xbf16>, vector<256x512xf32> -> vector<256x512xf32>
    %add3A_164 = arith.addf %dot_general3A_163, %select_n3A : vector<256x512xf32>
    %reduce_max3A_165 = arith.constant dense<0xFF800000> : vector<256xf32>
    %reduce_max3A_166 = vector.multi_reduction <maximumf>, %add3A_164, %reduce_max3A_165 [1] : vector<256x512xf32> to vector<256xf32>
    %broadcast_in_dim3A_167 = vector.shape_cast %reduce_max3A_166 : vector<256xf32> to vector<256x1xf32>
    %sub3A_168 = vector.broadcast %broadcast_in_dim3A_167 : vector<256x1xf32> to vector<256x512xf32>
    %sub3A_169 = arith.subf %add3A_164, %sub3A_168 : vector<256x512xf32>
    %exp3A_170 = math.exp %sub3A_169 : vector<256x512xf32>
    %reduce_sum3A_171 = arith.constant dense<0.000000e+00> : vector<256xf32>
    %reduce_sum3A_172 = vector.multi_reduction <add>, %exp3A_170, %reduce_sum3A_171 [1] : vector<256x512xf32> to vector<256xf32>
    %broadcast_in_dim3A_173 = vector.shape_cast %reduce_sum3A_172 : vector<256xf32> to vector<256x1xf32>
    %div3A_174 = arith.constant 1.000000e+00 : f32
    %div3A_175 = vector.broadcast %div3A_174 : f32 to vector<256x1xf32>
    %div3A_176 = arith.divf %div3A_175, %broadcast_in_dim3A_173 : vector<256x1xf32>
    %mul3A_177 = vector.broadcast %div3A_176 : vector<256x1xf32> to vector<256x512xf32>
    %mul3A_178 = arith.mulf %exp3A_170, %mul3A_177 : vector<256x512xf32>
    %convert_element_type3A_179 = arith.truncf %mul3A_178 : vector<256x512xf32> to vector<256x512xbf16>
    %get3A_180 = arith.constant 0 : index
    %get3A_181 = arith.constant 320 : index
    %get3A_182 = vector.load %arg3[%get3A_180, %get3A_181] : memref<512x768xbf16, #tpu.memory_space<vmem>>, vector<512x64xbf16>
    %dot_general3A_183 = arith.constant dense<0.000000e+00> : vector<256x64xf32>
    %dot_general3A_184 = tpu.matmul %convert_element_type3A_179, %get3A_182, %dot_general3A_183 {dimension_numbers = #tpu.dot_dimension_numbers<[1], [0], [0], [1], [0, 0, 1, 1], [], []>, transpose_lhs_hint = false} : vector<256x512xbf16>, vector<512x64xbf16>, vector<256x64xf32> -> vector<256x64xf32>
    %convert_element_type3A_185 = arith.truncf %dot_general3A_184 : vector<256x64xf32> to vector<256x64xbf16>
    %swap3A_186 = arith.constant 0 : index
    %swap3A_187 = arith.constant 320 : index
    %swap3A_188 = vector.load %arg4[%swap3A_186, %swap3A_187] : memref<256x768xbf16, #tpu.memory_space<vmem>>, vector<256x64xbf16>
    tpu.vector_store %arg4[%swap3A_186, %swap3A_187], %convert_element_type3A_185 {strides = array<i32>} : memref<256x768xbf16, #tpu.memory_space<vmem>>, vector<256x64xbf16>,
    %slice3A_189 = vector.extract_strided_slice %mul3A_11 {offsets = [0, 384], sizes = [256, 64], strides = [1, 1]} : vector<256x768xbf16> to vector<256x64xbf16>
    %get3A_190 = arith.constant 0 : index
    %get3A_191 = arith.constant 384 : index
    %get3A_192 = vector.load %arg2[%get3A_190, %get3A_191] : memref<512x768xbf16, #tpu.memory_space<vmem>>, vector<512x64xbf16>
    %dot_general3A_193 = arith.constant dense<0.000000e+00> : vector<256x512xf32>
    %dot_general3A_194 = tpu.matmul %slice3A_189, %get3A_192, %dot_general3A_193 {dimension_numbers = #tpu.dot_dimension_numbers<[1], [1], [0], [0], [0, 0, 1, 0], [], []>, transpose_lhs_hint = false} : vector<256x64xbf16>, vector<512x64xbf16>, vector<256x512xf32> -> vector<256x512xf32>
    %add3A_195 = arith.addf %dot_general3A_194, %select_n3A : vector<256x512xf32>
    %reduce_max3A_196 = arith.constant dense<0xFF800000> : vector<256xf32>
    %reduce_max3A_197 = vector.multi_reduction <maximumf>, %add3A_195, %reduce_max3A_196 [1] : vector<256x512xf32> to vector<256xf32>
    %broadcast_in_dim3A_198 = vector.shape_cast %reduce_max3A_197 : vector<256xf32> to vector<256x1xf32>
    %sub3A_199 = vector.broadcast %broadcast_in_dim3A_198 : vector<256x1xf32> to vector<256x512xf32>
    %sub3A_200 = arith.subf %add3A_195, %sub3A_199 : vector<256x512xf32>
    %exp3A_201 = math.exp %sub3A_200 : vector<256x512xf32>
    %reduce_sum3A_202 = arith.constant dense<0.000000e+00> : vector<256xf32>
    %reduce_sum3A_203 = vector.multi_reduction <add>, %exp3A_201, %reduce_sum3A_202 [1] : vector<256x512xf32> to vector<256xf32>
    %broadcast_in_dim3A_204 = vector.shape_cast %reduce_sum3A_203 : vector<256xf32> to vector<256x1xf32>
    %div3A_205 = arith.constant 1.000000e+00 : f32
    %div3A_206 = vector.broadcast %div3A_205 : f32 to vector<256x1xf32>
    %div3A_207 = arith.divf %div3A_206, %broadcast_in_dim3A_204 : vector<256x1xf32>
    %mul3A_208 = vector.broadcast %div3A_207 : vector<256x1xf32> to vector<256x512xf32>
    %mul3A_209 = arith.mulf %exp3A_201, %mul3A_208 : vector<256x512xf32>
    %convert_element_type3A_210 = arith.truncf %mul3A_209 : vector<256x512xf32> to vector<256x512xbf16>
    %get3A_211 = arith.constant 0 : index
    %get3A_212 = arith.constant 384 : index
    %get3A_213 = vector.load %arg3[%get3A_211, %get3A_212] : memref<512x768xbf16, #tpu.memory_space<vmem>>, vector<512x64xbf16>
    %dot_general3A_214 = arith.constant dense<0.000000e+00> : vector<256x64xf32>
    %dot_general3A_215 = tpu.matmul %convert_element_type3A_210, %get3A_213, %dot_general3A_214 {dimension_numbers = #tpu.dot_dimension_numbers<[1], [0], [0], [1], [0, 0, 1, 1], [], []>, transpose_lhs_hint = false} : vector<256x512xbf16>, vector<512x64xbf16>, vector<256x64xf32> -> vector<256x64xf32>
    %convert_element_type3A_216 = arith.truncf %dot_general3A_215 : vector<256x64xf32> to vector<256x64xbf16>
    %swap3A_217 = arith.constant 0 : index
    %swap3A_218 = arith.constant 384 : index
    %swap3A_219 = vector.load %arg4[%swap3A_217, %swap3A_218] : memref<256x768xbf16, #tpu.memory_space<vmem>>, vector<256x64xbf16>
    tpu.vector_store %arg4[%swap3A_217, %swap3A_218], %convert_element_type3A_216 {strides = array<i32>} : memref<256x768xbf16, #tpu.memory_space<vmem>>, vector<256x64xbf16>,
    %slice3A_220 = vector.extract_strided_slice %mul3A_11 {offsets = [0, 448], sizes = [256, 64], strides = [1, 1]} : vector<256x768xbf16> to vector<256x64xbf16>
    %get3A_221 = arith.constant 0 : index
    %get3A_222 = arith.constant 448 : index
    %get3A_223 = vector.load %arg2[%get3A_221, %get3A_222] : memref<512x768xbf16, #tpu.memory_space<vmem>>, vector<512x64xbf16>
    %dot_general3A_224 = arith.constant dense<0.000000e+00> : vector<256x512xf32>
    %dot_general3A_225 = tpu.matmul %slice3A_220, %get3A_223, %dot_general3A_224 {dimension_numbers = #tpu.dot_dimension_numbers<[1], [1], [0], [0], [0, 0, 1, 0], [], []>, transpose_lhs_hint = false} : vector<256x64xbf16>, vector<512x64xbf16>, vector<256x512xf32> -> vector<256x512xf32>
    %add3A_226 = arith.addf %dot_general3A_225, %select_n3A : vector<256x512xf32>
    %reduce_max3A_227 = arith.constant dense<0xFF800000> : vector<256xf32>
    %reduce_max3A_228 = vector.multi_reduction <maximumf>, %add3A_226, %reduce_max3A_227 [1] : vector<256x512xf32> to vector<256xf32>
    %broadcast_in_dim3A_229 = vector.shape_cast %reduce_max3A_228 : vector<256xf32> to vector<256x1xf32>
    %sub3A_230 = vector.broadcast %broadcast_in_dim3A_229 : vector<256x1xf32> to vector<256x512xf32>
    %sub3A_231 = arith.subf %add3A_226, %sub3A_230 : vector<256x512xf32>
    %exp3A_232 = math.exp %sub3A_231 : vector<256x512xf32>
    %reduce_sum3A_233 = arith.constant dense<0.000000e+00> : vector<256xf32>
    %reduce_sum3A_234 = vector.multi_reduction <add>, %exp3A_232, %reduce_sum3A_233 [1] : vector<256x512xf32> to vector<256xf32>
    %broadcast_in_dim3A_235 = vector.shape_cast %reduce_sum3A_234 : vector<256xf32> to vector<256x1xf32>
    %div3A_236 = arith.constant 1.000000e+00 : f32
    %div3A_237 = vector.broadcast %div3A_236 : f32 to vector<256x1xf32>
    %div3A_238 = arith.divf %div3A_237, %broadcast_in_dim3A_235 : vector<256x1xf32>
    %mul3A_239 = vector.broadcast %div3A_238 : vector<256x1xf32> to vector<256x512xf32>
    %mul3A_240 = arith.mulf %exp3A_232, %mul3A_239 : vector<256x512xf32>
    %convert_element_type3A_241 = arith.truncf %mul3A_240 : vector<256x512xf32> to vector<256x512xbf16>
    %get3A_242 = arith.constant 0 : index
    %get3A_243 = arith.constant 448 : index
    %get3A_244 = vector.load %arg3[%get3A_242, %get3A_243] : memref<512x768xbf16, #tpu.memory_space<vmem>>, vector<512x64xbf16>
    %dot_general3A_245 = arith.constant dense<0.000000e+00> : vector<256x64xf32>
    %dot_general3A_246 = tpu.matmul %convert_element_type3A_241, %get3A_244, %dot_general3A_245 {dimension_numbers = #tpu.dot_dimension_numbers<[1], [0], [0], [1], [0, 0, 1, 1], [], []>, transpose_lhs_hint = false} : vector<256x512xbf16>, vector<512x64xbf16>, vector<256x64xf32> -> vector<256x64xf32>
    %convert_element_type3A_247 = arith.truncf %dot_general3A_246 : vector<256x64xf32> to vector<256x64xbf16>
    %swap3A_248 = arith.constant 0 : index
    %swap3A_249 = arith.constant 448 : index
    %swap3A_250 = vector.load %arg4[%swap3A_248, %swap3A_249] : memref<256x768xbf16, #tpu.memory_space<vmem>>, vector<256x64xbf16>
    tpu.vector_store %arg4[%swap3A_248, %swap3A_249], %convert_element_type3A_247 {strides = array<i32>} : memref<256x768xbf16, #tpu.memory_space<vmem>>, vector<256x64xbf16>,
    %slice3A_251 = vector.extract_strided_slice %mul3A_11 {offsets = [0, 512], sizes = [256, 64], strides = [1, 1]} : vector<256x768xbf16> to vector<256x64xbf16>
    %get3A_252 = arith.constant 0 : index
    %get3A_253 = arith.constant 512 : index
    %get3A_254 = vector.load %arg2[%get3A_252, %get3A_253] : memref<512x768xbf16, #tpu.memory_space<vmem>>, vector<512x64xbf16>
    %dot_general3A_255 = arith.constant dense<0.000000e+00> : vector<256x512xf32>
    %dot_general3A_256 = tpu.matmul %slice3A_251, %get3A_254, %dot_general3A_255 {dimension_numbers = #tpu.dot_dimension_numbers<[1], [1], [0], [0], [0, 0, 1, 0], [], []>, transpose_lhs_hint = false} : vector<256x64xbf16>, vector<512x64xbf16>, vector<256x512xf32> -> vector<256x512xf32>
    %add3A_257 = arith.addf %dot_general3A_256, %select_n3A : vector<256x512xf32>
    %reduce_max3A_258 = arith.constant dense<0xFF800000> : vector<256xf32>
    %reduce_max3A_259 = vector.multi_reduction <maximumf>, %add3A_257, %reduce_max3A_258 [1] : vector<256x512xf32> to vector<256xf32>
    %broadcast_in_dim3A_260 = vector.shape_cast %reduce_max3A_259 : vector<256xf32> to vector<256x1xf32>
    %sub3A_261 = vector.broadcast %broadcast_in_dim3A_260 : vector<256x1xf32> to vector<256x512xf32>
    %sub3A_262 = arith.subf %add3A_257, %sub3A_261 : vector<256x512xf32>
    %exp3A_263 = math.exp %sub3A_262 : vector<256x512xf32>
    %reduce_sum3A_264 = arith.constant dense<0.000000e+00> : vector<256xf32>
    %reduce_sum3A_265 = vector.multi_reduction <add>, %exp3A_263, %reduce_sum3A_264 [1] : vector<256x512xf32> to vector<256xf32>
    %broadcast_in_dim3A_266 = vector.shape_cast %reduce_sum3A_265 : vector<256xf32> to vector<256x1xf32>
    %div3A_267 = arith.constant 1.000000e+00 : f32
    %div3A_268 = vector.broadcast %div3A_267 : f32 to vector<256x1xf32>
    %div3A_269 = arith.divf %div3A_268, %broadcast_in_dim3A_266 : vector<256x1xf32>
    %mul3A_270 = vector.broadcast %div3A_269 : vector<256x1xf32> to vector<256x512xf32>
    %mul3A_271 = arith.mulf %exp3A_263, %mul3A_270 : vector<256x512xf32>
    %convert_element_type3A_272 = arith.truncf %mul3A_271 : vector<256x512xf32> to vector<256x512xbf16>
    %get3A_273 = arith.constant 0 : index
    %get3A_274 = arith.constant 512 : index
    %get3A_275 = vector.load %arg3[%get3A_273, %get3A_274] : memref<512x768xbf16, #tpu.memory_space<vmem>>, vector<512x64xbf16>
    %dot_general3A_276 = arith.constant dense<0.000000e+00> : vector<256x64xf32>
    %dot_general3A_277 = tpu.matmul %convert_element_type3A_272, %get3A_275, %dot_general3A_276 {dimension_numbers = #tpu.dot_dimension_numbers<[1], [0], [0], [1], [0, 0, 1, 1], [], []>, transpose_lhs_hint = false} : vector<256x512xbf16>, vector<512x64xbf16>, vector<256x64xf32> -> vector<256x64xf32>
    %convert_element_type3A_278 = arith.truncf %dot_general3A_277 : vector<256x64xf32> to vector<256x64xbf16>
    %swap3A_279 = arith.constant 0 : index
    %swap3A_280 = arith.constant 512 : index
    %swap3A_281 = vector.load %arg4[%swap3A_279, %swap3A_280] : memref<256x768xbf16, #tpu.memory_space<vmem>>, vector<256x64xbf16>
    tpu.vector_store %arg4[%swap3A_279, %swap3A_280], %convert_element_type3A_278 {strides = array<i32>} : memref<256x768xbf16, #tpu.memory_space<vmem>>, vector<256x64xbf16>,
    %slice3A_282 = vector.extract_strided_slice %mul3A_11 {offsets = [0, 576], sizes = [256, 64], strides = [1, 1]} : vector<256x768xbf16> to vector<256x64xbf16>
    %get3A_283 = arith.constant 0 : index
    %get3A_284 = arith.constant 576 : index
    %get3A_285 = vector.load %arg2[%get3A_283, %get3A_284] : memref<512x768xbf16, #tpu.memory_space<vmem>>, vector<512x64xbf16>
    %dot_general3A_286 = arith.constant dense<0.000000e+00> : vector<256x512xf32>
    %dot_general3A_287 = tpu.matmul %slice3A_282, %get3A_285, %dot_general3A_286 {dimension_numbers = #tpu.dot_dimension_numbers<[1], [1], [0], [0], [0, 0, 1, 0], [], []>, transpose_lhs_hint = false} : vector<256x64xbf16>, vector<512x64xbf16>, vector<256x512xf32> -> vector<256x512xf32>
    %add3A_288 = arith.addf %dot_general3A_287, %select_n3A : vector<256x512xf32>
    %reduce_max3A_289 = arith.constant dense<0xFF800000> : vector<256xf32>
    %reduce_max3A_290 = vector.multi_reduction <maximumf>, %add3A_288, %reduce_max3A_289 [1] : vector<256x512xf32> to vector<256xf32>
    %broadcast_in_dim3A_291 = vector.shape_cast %reduce_max3A_290 : vector<256xf32> to vector<256x1xf32>
    %sub3A_292 = vector.broadcast %broadcast_in_dim3A_291 : vector<256x1xf32> to vector<256x512xf32>
    %sub3A_293 = arith.subf %add3A_288, %sub3A_292 : vector<256x512xf32>
    %exp3A_294 = math.exp %sub3A_293 : vector<256x512xf32>
    %reduce_sum3A_295 = arith.constant dense<0.000000e+00> : vector<256xf32>
    %reduce_sum3A_296 = vector.multi_reduction <add>, %exp3A_294, %reduce_sum3A_295 [1] : vector<256x512xf32> to vector<256xf32>
    %broadcast_in_dim3A_297 = vector.shape_cast %reduce_sum3A_296 : vector<256xf32> to vector<256x1xf32>
    %div3A_298 = arith.constant 1.000000e+00 : f32
    %div3A_299 = vector.broadcast %div3A_298 : f32 to vector<256x1xf32>
    %div3A_300 = arith.divf %div3A_299, %broadcast_in_dim3A_297 : vector<256x1xf32>
    %mul3A_301 = vector.broadcast %div3A_300 : vector<256x1xf32> to vector<256x512xf32>
    %mul3A_302 = arith.mulf %exp3A_294, %mul3A_301 : vector<256x512xf32>
    %convert_element_type3A_303 = arith.truncf %mul3A_302 : vector<256x512xf32> to vector<256x512xbf16>
    %get3A_304 = arith.constant 0 : index
    %get3A_305 = arith.constant 576 : index
    %get3A_306 = vector.load %arg3[%get3A_304, %get3A_305] : memref<512x768xbf16, #tpu.memory_space<vmem>>, vector<512x64xbf16>
    %dot_general3A_307 = arith.constant dense<0.000000e+00> : vector<256x64xf32>
    %dot_general3A_308 = tpu.matmul %convert_element_type3A_303, %get3A_306, %dot_general3A_307 {dimension_numbers = #tpu.dot_dimension_numbers<[1], [0], [0], [1], [0, 0, 1, 1], [], []>, transpose_lhs_hint = false} : vector<256x512xbf16>, vector<512x64xbf16>, vector<256x64xf32> -> vector<256x64xf32>
    %convert_element_type3A_309 = arith.truncf %dot_general3A_308 : vector<256x64xf32> to vector<256x64xbf16>
    %swap3A_310 = arith.constant 0 : index
    %swap3A_311 = arith.constant 576 : index
    %swap3A_312 = vector.load %arg4[%swap3A_310, %swap3A_311] : memref<256x768xbf16, #tpu.memory_space<vmem>>, vector<256x64xbf16>
    tpu.vector_store %arg4[%swap3A_310, %swap3A_311], %convert_element_type3A_309 {strides = array<i32>} : memref<256x768xbf16, #tpu.memory_space<vmem>>, vector<256x64xbf16>,
    %slice3A_313 = vector.extract_strided_slice %mul3A_11 {offsets = [0, 640], sizes = [256, 64], strides = [1, 1]} : vector<256x768xbf16> to vector<256x64xbf16>
    %get3A_314 = arith.constant 0 : index
    %get3A_315 = arith.constant 640 : index
    %get3A_316 = vector.load %arg2[%get3A_314, %get3A_315] : memref<512x768xbf16, #tpu.memory_space<vmem>>, vector<512x64xbf16>
    %dot_general3A_317 = arith.constant dense<0.000000e+00> : vector<256x512xf32>
    %dot_general3A_318 = tpu.matmul %slice3A_313, %get3A_316, %dot_general3A_317 {dimension_numbers = #tpu.dot_dimension_numbers<[1], [1], [0], [0], [0, 0, 1, 0], [], []>, transpose_lhs_hint = false} : vector<256x64xbf16>, vector<512x64xbf16>, vector<256x512xf32> -> vector<256x512xf32>
    %add3A_319 = arith.addf %dot_general3A_318, %select_n3A : vector<256x512xf32>
    %reduce_max3A_320 = arith.constant dense<0xFF800000> : vector<256xf32>
    %reduce_max3A_321 = vector.multi_reduction <maximumf>, %add3A_319, %reduce_max3A_320 [1] : vector<256x512xf32> to vector<256xf32>
    %broadcast_in_dim3A_322 = vector.shape_cast %reduce_max3A_321 : vector<256xf32> to vector<256x1xf32>
    %sub3A_323 = vector.broadcast %broadcast_in_dim3A_322 : vector<256x1xf32> to vector<256x512xf32>
    %sub3A_324 = arith.subf %add3A_319, %sub3A_323 : vector<256x512xf32>
    %exp3A_325 = math.exp %sub3A_324 : vector<256x512xf32>
    %reduce_sum3A_326 = arith.constant dense<0.000000e+00> : vector<256xf32>
    %reduce_sum3A_327 = vector.multi_reduction <add>, %exp3A_325, %reduce_sum3A_326 [1] : vector<256x512xf32> to vector<256xf32>
    %broadcast_in_dim3A_328 = vector.shape_cast %reduce_sum3A_327 : vector<256xf32> to vector<256x1xf32>
    %div3A_329 = arith.constant 1.000000e+00 : f32
    %div3A_330 = vector.broadcast %div3A_329 : f32 to vector<256x1xf32>
    %div3A_331 = arith.divf %div3A_330, %broadcast_in_dim3A_328 : vector<256x1xf32>
    %mul3A_332 = vector.broadcast %div3A_331 : vector<256x1xf32> to vector<256x512xf32>
    %mul3A_333 = arith.mulf %exp3A_325, %mul3A_332 : vector<256x512xf32>
    %convert_element_type3A_334 = arith.truncf %mul3A_333 : vector<256x512xf32> to vector<256x512xbf16>
    %get3A_335 = arith.constant 0 : index
    %get3A_336 = arith.constant 640 : index
    %get3A_337 = vector.load %arg3[%get3A_335, %get3A_336] : memref<512x768xbf16, #tpu.memory_space<vmem>>, vector<512x64xbf16>
    %dot_general3A_338 = arith.constant dense<0.000000e+00> : vector<256x64xf32>
    %dot_general3A_339 = tpu.matmul %convert_element_type3A_334, %get3A_337, %dot_general3A_338 {dimension_numbers = #tpu.dot_dimension_numbers<[1], [0], [0], [1], [0, 0, 1, 1], [], []>, transpose_lhs_hint = false} : vector<256x512xbf16>, vector<512x64xbf16>, vector<256x64xf32> -> vector<256x64xf32>
    %convert_element_type3A_340 = arith.truncf %dot_general3A_339 : vector<256x64xf32> to vector<256x64xbf16>
    %swap3A_341 = arith.constant 0 : index
    %swap3A_342 = arith.constant 640 : index
    %swap3A_343 = vector.load %arg4[%swap3A_341, %swap3A_342] : memref<256x768xbf16, #tpu.memory_space<vmem>>, vector<256x64xbf16>
    tpu.vector_store %arg4[%swap3A_341, %swap3A_342], %convert_element_type3A_340 {strides = array<i32>} : memref<256x768xbf16, #tpu.memory_space<vmem>>, vector<256x64xbf16>,
    %slice3A_344 = vector.extract_strided_slice %mul3A_11 {offsets = [0, 704], sizes = [256, 64], strides = [1, 1]} : vector<256x768xbf16> to vector<256x64xbf16>
    %get3A_345 = arith.constant 0 : index
    %get3A_346 = arith.constant 704 : index
    %get3A_347 = vector.load %arg2[%get3A_345, %get3A_346] : memref<512x768xbf16, #tpu.memory_space<vmem>>, vector<512x64xbf16>
    %dot_general3A_348 = arith.constant dense<0.000000e+00> : vector<256x512xf32>
    %dot_general3A_349 = tpu.matmul %slice3A_344, %get3A_347, %dot_general3A_348 {dimension_numbers = #tpu.dot_dimension_numbers<[1], [1], [0], [0], [0, 0, 1, 0], [], []>, transpose_lhs_hint = false} : vector<256x64xbf16>, vector<512x64xbf16>, vector<256x512xf32> -> vector<256x512xf32>
    %add3A_350 = arith.addf %dot_general3A_349, %select_n3A : vector<256x512xf32>
    %reduce_max3A_351 = arith.constant dense<0xFF800000> : vector<256xf32>
    %reduce_max3A_352 = vector.multi_reduction <maximumf>, %add3A_350, %reduce_max3A_351 [1] : vector<256x512xf32> to vector<256xf32>
    %broadcast_in_dim3A_353 = vector.shape_cast %reduce_max3A_352 : vector<256xf32> to vector<256x1xf32>
    %sub3A_354 = vector.broadcast %broadcast_in_dim3A_353 : vector<256x1xf32> to vector<256x512xf32>
    %sub3A_355 = arith.subf %add3A_350, %sub3A_354 : vector<256x512xf32>
    %exp3A_356 = math.exp %sub3A_355 : vector<256x512xf32>
    %reduce_sum3A_357 = arith.constant dense<0.000000e+00> : vector<256xf32>
    %reduce_sum3A_358 = vector.multi_reduction <add>, %exp3A_356, %reduce_sum3A_357 [1] : vector<256x512xf32> to vector<256xf32>
    %broadcast_in_dim3A_359 = vector.shape_cast %reduce_sum3A_358 : vector<256xf32> to vector<256x1xf32>
    %div3A_360 = arith.constant 1.000000e+00 : f32
    %div3A_361 = vector.broadcast %div3A_360 : f32 to vector<256x1xf32>
    %div3A_362 = arith.divf %div3A_361, %broadcast_in_dim3A_359 : vector<256x1xf32>
    %mul3A_363 = vector.broadcast %div3A_362 : vector<256x1xf32> to vector<256x512xf32>
    %mul3A_364 = arith.mulf %exp3A_356, %mul3A_363 : vector<256x512xf32>
    %convert_element_type3A_365 = arith.truncf %mul3A_364 : vector<256x512xf32> to vector<256x512xbf16>
    %get3A_366 = arith.constant 0 : index
    %get3A_367 = arith.constant 704 : index
    %get3A_368 = vector.load %arg3[%get3A_366, %get3A_367] : memref<512x768xbf16, #tpu.memory_space<vmem>>, vector<512x64xbf16>
    %dot_general3A_369 = arith.constant dense<0.000000e+00> : vector<256x64xf32>
    %dot_general3A_370 = tpu.matmul %convert_element_type3A_365, %get3A_368, %dot_general3A_369 {dimension_numbers = #tpu.dot_dimension_numbers<[1], [0], [0], [1], [0, 0, 1, 1], [], []>, transpose_lhs_hint = false} : vector<256x512xbf16>, vector<512x64xbf16>, vector<256x64xf32> -> vector<256x64xf32>
    %convert_element_type3A_371 = arith.truncf %dot_general3A_370 : vector<256x64xf32> to vector<256x64xbf16>
    %swap3A_372 = arith.constant 0 : index
    %swap3A_373 = arith.constant 704 : index
    %swap3A_374 = vector.load %arg4[%swap3A_372, %swap3A_373] : memref<256x768xbf16, #tpu.memory_space<vmem>>, vector<256x64xbf16>
    tpu.vector_store %arg4[%swap3A_372, %swap3A_373], %convert_element_type3A_371 {strides = array<i32>} : memref<256x768xbf16, #tpu.memory_space<vmem>>, vector<256x64xbf16>,
    return
  }
  func.func @transform_0(%arg0: i32) -> (i32, i32) {
    %add3A = arith.constant 0 : i32
    %add3A_0 = arith.addi %add3A, %arg0 : i32
    %c0_i32 = arith.constant 0 : i32
    %c0_i32_1 = arith.constant 0 : i32
    return %add3A_0, %c0_i32 : i32, i32
  }
  func.func @transform_1(%arg0: i32) -> (i32, i32) {
    %c0_i32 = arith.constant 0 : i32
    %c0_i32_0 = arith.constant 0 : i32
    %c0_i32_1 = arith.constant 0 : i32
    return %c0_i32, %c0_i32_0 : i32, i32
  }
  func.func @transform_2(%arg0: i32) -> (i32, i32) {
    %c0_i32 = arith.constant 0 : i32
    %c0_i32_0 = arith.constant 0 : i32
    %c0_i32_1 = arith.constant 0 : i32
    return %c0_i32, %c0_i32_0 : i32, i32
  }
  func.func @transform_3(%arg0: i32) -> (i32, i32) {
    %c0_i32 = arith.constant 0 : i32
    %c0_i32_0 = arith.constant 0 : i32
    return %arg0, %c0_i32 : i32, i32
  }
}

module attributes {stable_mosaic.version = 14 : i64} {
  func.func @body(%arg0: i32, %arg1: memref<256x768xbf16, #tpu.memory_space<vmem>>, %arg2: memref<1024x768xbf16, #tpu.memory_space<vmem>>, %arg3: memref<1024x768xbf16, #tpu.memory_space<vmem>>, %arg4: memref<256x768xbf16, #tpu.memory_space<vmem>>) attributes {dimension_semantics = [#tpu.dimension_semantics<arbitrary>], iteration_bounds = array<i64: 2>, scalar_prefetch = 0 : i64, scratch_operands = 0 : i64, tpu.core_type = #tpu.core_type<tc>, window_params = [{transform_indices = @transform_0, window_bounds = array<i64: 256, 768>}, {transform_indices = @transform_1, window_bounds = array<i64: 1024, 768>}, {transform_indices = @transform_2, window_bounds = array<i64: 1024, 768>}, {transform_indices = @transform_3, window_bounds = array<i64: 256, 768>}]} {
    %add3A = arith.constant 2 : i32
    %add3A_0 = arith.addi %add3A, %arg0 : i32
    %mul3A = arith.constant 256 : i32
    %mul3A_1 = arith.muli %add3A_0, %mul3A : i32
    %iota3A = tpu.iota {dimensions = array<i32: 0>} : vector<256x1024xi32>
    %add3A_2 = vector.broadcast %mul3A_1 : i32 to vector<256x1024xi32>
    %add3A_3 = arith.addi %iota3A, %add3A_2 : vector<256x1024xi32>
    %iota3A_4 = tpu.iota {dimensions = array<i32: 1>} : vector<256x1024xi32>
    %gt3A = arith.cmpi sgt, %iota3A_4, %add3A_3 : vector<256x1024xi32>
    %jit3A = arith.constant 0xFF800000 : f32
    %jit3A_5 = arith.constant 0.000000e+00 : f32
    %broadcast_in_dim3A = vector.broadcast %jit3A : f32 to vector<256x1024xf32>
    %broadcast_in_dim3A_6 = vector.broadcast %jit3A_5 : f32 to vector<256x1024xf32>
    %select_n3A = arith.select %gt3A, %broadcast_in_dim3A, %broadcast_in_dim3A_6 : vector<256x1024xi1>, vector<256x1024xf32>
    %get3A = arith.constant 0 : index
    %get3A_7 = arith.constant 0 : index
    %get3A_8 = vector.load %arg1[%get3A, %get3A_7] : memref<256x768xbf16, #tpu.memory_space<vmem>>, vector<256x768xbf16>
    %mul3A_9 = arith.constant 1.250000e-01 : bf16
    %mul3A_10 = vector.broadcast %mul3A_9 : bf16 to vector<256x768xbf16>
    %mul3A_11 = arith.mulf %get3A_8, %mul3A_10 : vector<256x768xbf16>
    %slice3A = vector.extract_strided_slice %mul3A_11 {offsets = [0, 0], sizes = [256, 64], strides = [1, 1]} : vector<256x768xbf16> to vector<256x64xbf16>
    %get3A_12 = arith.constant 0 : index
    %get3A_13 = arith.constant 0 : index
    %get3A_14 = vector.load %arg2[%get3A_12, %get3A_13] : memref<1024x768xbf16, #tpu.memory_space<vmem>>, vector<1024x64xbf16>
    %dot_general3A = arith.constant dense<0.000000e+00> : vector<256x1024xf32>
    %dot_general3A_15 = tpu.matmul %slice3A, %get3A_14, %dot_general3A {dimension_numbers = #tpu.dot_dimension_numbers<[1], [1], [0], [0], [0, 0, 1, 0], [], []>, transpose_lhs_hint = false} : vector<256x64xbf16>, vector<1024x64xbf16>, vector<256x1024xf32> -> vector<256x1024xf32>
    %add3A_16 = arith.addf %dot_general3A_15, %select_n3A : vector<256x1024xf32>
    %reduce_max3A = arith.constant dense<0xFF800000> : vector<256xf32>
    %reduce_max3A_17 = vector.multi_reduction <maximumf>, %add3A_16, %reduce_max3A [1] : vector<256x1024xf32> to vector<256xf32>
    %broadcast_in_dim3A_18 = vector.shape_cast %reduce_max3A_17 : vector<256xf32> to vector<256x1xf32>
    %sub3A = vector.broadcast %broadcast_in_dim3A_18 : vector<256x1xf32> to vector<256x1024xf32>
    %sub3A_19 = arith.subf %add3A_16, %sub3A : vector<256x1024xf32>
    %exp3A = math.exp %sub3A_19 : vector<256x1024xf32>
    %reduce_sum3A = arith.constant dense<0.000000e+00> : vector<256xf32>
    %reduce_sum3A_20 = vector.multi_reduction <add>, %exp3A, %reduce_sum3A [1] : vector<256x1024xf32> to vector<256xf32>
    %broadcast_in_dim3A_21 = vector.shape_cast %reduce_sum3A_20 : vector<256xf32> to vector<256x1xf32>
    %div3A = arith.constant 1.000000e+00 : f32
    %div3A_22 = vector.broadcast %div3A : f32 to vector<256x1xf32>
    %div3A_23 = arith.divf %div3A_22, %broadcast_in_dim3A_21 : vector<256x1xf32>
    %mul3A_24 = vector.broadcast %div3A_23 : vector<256x1xf32> to vector<256x1024xf32>
    %mul3A_25 = arith.mulf %exp3A, %mul3A_24 : vector<256x1024xf32>
    %convert_element_type3A = arith.truncf %mul3A_25 : vector<256x1024xf32> to vector<256x1024xbf16>
    %get3A_26 = arith.constant 0 : index
    %get3A_27 = arith.constant 0 : index
    %get3A_28 = vector.load %arg3[%get3A_26, %get3A_27] : memref<1024x768xbf16, #tpu.memory_space<vmem>>, vector<1024x64xbf16>
    %dot_general3A_29 = arith.constant dense<0.000000e+00> : vector<256x64xf32>
    %dot_general3A_30 = tpu.matmul %convert_element_type3A, %get3A_28, %dot_general3A_29 {dimension_numbers = #tpu.dot_dimension_numbers<[1], [0], [0], [1], [0, 0, 1, 1], [], []>, transpose_lhs_hint = false} : vector<256x1024xbf16>, vector<1024x64xbf16>, vector<256x64xf32> -> vector<256x64xf32>
    %convert_element_type3A_31 = arith.truncf %dot_general3A_30 : vector<256x64xf32> to vector<256x64xbf16>
    %swap3A = arith.constant 0 : index
    %swap3A_32 = arith.constant 0 : index
    %swap3A_33 = vector.load %arg4[%swap3A, %swap3A_32] : memref<256x768xbf16, #tpu.memory_space<vmem>>, vector<256x64xbf16>
    tpu.vector_store %arg4[%swap3A, %swap3A_32], %convert_element_type3A_31 {strides = array<i32>} : memref<256x768xbf16, #tpu.memory_space<vmem>>, vector<256x64xbf16>,
    %slice3A_34 = vector.extract_strided_slice %mul3A_11 {offsets = [0, 64], sizes = [256, 64], strides = [1, 1]} : vector<256x768xbf16> to vector<256x64xbf16>
    %get3A_35 = arith.constant 0 : index
    %get3A_36 = arith.constant 64 : index
    %get3A_37 = vector.load %arg2[%get3A_35, %get3A_36] : memref<1024x768xbf16, #tpu.memory_space<vmem>>, vector<1024x64xbf16>
    %dot_general3A_38 = arith.constant dense<0.000000e+00> : vector<256x1024xf32>
    %dot_general3A_39 = tpu.matmul %slice3A_34, %get3A_37, %dot_general3A_38 {dimension_numbers = #tpu.dot_dimension_numbers<[1], [1], [0], [0], [0, 0, 1, 0], [], []>, transpose_lhs_hint = false} : vector<256x64xbf16>, vector<1024x64xbf16>, vector<256x1024xf32> -> vector<256x1024xf32>
    %add3A_40 = arith.addf %dot_general3A_39, %select_n3A : vector<256x1024xf32>
    %reduce_max3A_41 = arith.constant dense<0xFF800000> : vector<256xf32>
    %reduce_max3A_42 = vector.multi_reduction <maximumf>, %add3A_40, %reduce_max3A_41 [1] : vector<256x1024xf32> to vector<256xf32>
    %broadcast_in_dim3A_43 = vector.shape_cast %reduce_max3A_42 : vector<256xf32> to vector<256x1xf32>
    %sub3A_44 = vector.broadcast %broadcast_in_dim3A_43 : vector<256x1xf32> to vector<256x1024xf32>
    %sub3A_45 = arith.subf %add3A_40, %sub3A_44 : vector<256x1024xf32>
    %exp3A_46 = math.exp %sub3A_45 : vector<256x1024xf32>
    %reduce_sum3A_47 = arith.constant dense<0.000000e+00> : vector<256xf32>
    %reduce_sum3A_48 = vector.multi_reduction <add>, %exp3A_46, %reduce_sum3A_47 [1] : vector<256x1024xf32> to vector<256xf32>
    %broadcast_in_dim3A_49 = vector.shape_cast %reduce_sum3A_48 : vector<256xf32> to vector<256x1xf32>
    %div3A_50 = arith.constant 1.000000e+00 : f32
    %div3A_51 = vector.broadcast %div3A_50 : f32 to vector<256x1xf32>
    %div3A_52 = arith.divf %div3A_51, %broadcast_in_dim3A_49 : vector<256x1xf32>
    %mul3A_53 = vector.broadcast %div3A_52 : vector<256x1xf32> to vector<256x1024xf32>
    %mul3A_54 = arith.mulf %exp3A_46, %mul3A_53 : vector<256x1024xf32>
    %convert_element_type3A_55 = arith.truncf %mul3A_54 : vector<256x1024xf32> to vector<256x1024xbf16>
    %get3A_56 = arith.constant 0 : index
    %get3A_57 = arith.constant 64 : index
    %get3A_58 = vector.load %arg3[%get3A_56, %get3A_57] : memref<1024x768xbf16, #tpu.memory_space<vmem>>, vector<1024x64xbf16>
    %dot_general3A_59 = arith.constant dense<0.000000e+00> : vector<256x64xf32>
    %dot_general3A_60 = tpu.matmul %convert_element_type3A_55, %get3A_58, %dot_general3A_59 {dimension_numbers = #tpu.dot_dimension_numbers<[1], [0], [0], [1], [0, 0, 1, 1], [], []>, transpose_lhs_hint = false} : vector<256x1024xbf16>, vector<1024x64xbf16>, vector<256x64xf32> -> vector<256x64xf32>
    %convert_element_type3A_61 = arith.truncf %dot_general3A_60 : vector<256x64xf32> to vector<256x64xbf16>
    %swap3A_62 = arith.constant 0 : index
    %swap3A_63 = arith.constant 64 : index
    %swap3A_64 = vector.load %arg4[%swap3A_62, %swap3A_63] : memref<256x768xbf16, #tpu.memory_space<vmem>>, vector<256x64xbf16>
    tpu.vector_store %arg4[%swap3A_62, %swap3A_63], %convert_element_type3A_61 {strides = array<i32>} : memref<256x768xbf16, #tpu.memory_space<vmem>>, vector<256x64xbf16>,
    %slice3A_65 = vector.extract_strided_slice %mul3A_11 {offsets = [0, 128], sizes = [256, 64], strides = [1, 1]} : vector<256x768xbf16> to vector<256x64xbf16>
    %get3A_66 = arith.constant 0 : index
    %get3A_67 = arith.constant 128 : index
    %get3A_68 = vector.load %arg2[%get3A_66, %get3A_67] : memref<1024x768xbf16, #tpu.memory_space<vmem>>, vector<1024x64xbf16>
    %dot_general3A_69 = arith.constant dense<0.000000e+00> : vector<256x1024xf32>
    %dot_general3A_70 = tpu.matmul %slice3A_65, %get3A_68, %dot_general3A_69 {dimension_numbers = #tpu.dot_dimension_numbers<[1], [1], [0], [0], [0, 0, 1, 0], [], []>, transpose_lhs_hint = false} : vector<256x64xbf16>, vector<1024x64xbf16>, vector<256x1024xf32> -> vector<256x1024xf32>
    %add3A_71 = arith.addf %dot_general3A_70, %select_n3A : vector<256x1024xf32>
    %reduce_max3A_72 = arith.constant dense<0xFF800000> : vector<256xf32>
    %reduce_max3A_73 = vector.multi_reduction <maximumf>, %add3A_71, %reduce_max3A_72 [1] : vector<256x1024xf32> to vector<256xf32>
    %broadcast_in_dim3A_74 = vector.shape_cast %reduce_max3A_73 : vector<256xf32> to vector<256x1xf32>
    %sub3A_75 = vector.broadcast %broadcast_in_dim3A_74 : vector<256x1xf32> to vector<256x1024xf32>
    %sub3A_76 = arith.subf %add3A_71, %sub3A_75 : vector<256x1024xf32>
    %exp3A_77 = math.exp %sub3A_76 : vector<256x1024xf32>
    %reduce_sum3A_78 = arith.constant dense<0.000000e+00> : vector<256xf32>
    %reduce_sum3A_79 = vector.multi_reduction <add>, %exp3A_77, %reduce_sum3A_78 [1] : vector<256x1024xf32> to vector<256xf32>
    %broadcast_in_dim3A_80 = vector.shape_cast %reduce_sum3A_79 : vector<256xf32> to vector<256x1xf32>
    %div3A_81 = arith.constant 1.000000e+00 : f32
    %div3A_82 = vector.broadcast %div3A_81 : f32 to vector<256x1xf32>
    %div3A_83 = arith.divf %div3A_82, %broadcast_in_dim3A_80 : vector<256x1xf32>
    %mul3A_84 = vector.broadcast %div3A_83 : vector<256x1xf32> to vector<256x1024xf32>
    %mul3A_85 = arith.mulf %exp3A_77, %mul3A_84 : vector<256x1024xf32>
    %convert_element_type3A_86 = arith.truncf %mul3A_85 : vector<256x1024xf32> to vector<256x1024xbf16>
    %get3A_87 = arith.constant 0 : index
    %get3A_88 = arith.constant 128 : index
    %get3A_89 = vector.load %arg3[%get3A_87, %get3A_88] : memref<1024x768xbf16, #tpu.memory_space<vmem>>, vector<1024x64xbf16>
    %dot_general3A_90 = arith.constant dense<0.000000e+00> : vector<256x64xf32>
    %dot_general3A_91 = tpu.matmul %convert_element_type3A_86, %get3A_89, %dot_general3A_90 {dimension_numbers = #tpu.dot_dimension_numbers<[1], [0], [0], [1], [0, 0, 1, 1], [], []>, transpose_lhs_hint = false} : vector<256x1024xbf16>, vector<1024x64xbf16>, vector<256x64xf32> -> vector<256x64xf32>
    %convert_element_type3A_92 = arith.truncf %dot_general3A_91 : vector<256x64xf32> to vector<256x64xbf16>
    %swap3A_93 = arith.constant 0 : index
    %swap3A_94 = arith.constant 128 : index
    %swap3A_95 = vector.load %arg4[%swap3A_93, %swap3A_94] : memref<256x768xbf16, #tpu.memory_space<vmem>>, vector<256x64xbf16>
    tpu.vector_store %arg4[%swap3A_93, %swap3A_94], %convert_element_type3A_92 {strides = array<i32>} : memref<256x768xbf16, #tpu.memory_space<vmem>>, vector<256x64xbf16>,
    %slice3A_96 = vector.extract_strided_slice %mul3A_11 {offsets = [0, 192], sizes = [256, 64], strides = [1, 1]} : vector<256x768xbf16> to vector<256x64xbf16>
    %get3A_97 = arith.constant 0 : index
    %get3A_98 = arith.constant 192 : index
    %get3A_99 = vector.load %arg2[%get3A_97, %get3A_98] : memref<1024x768xbf16, #tpu.memory_space<vmem>>, vector<1024x64xbf16>
    %dot_general3A_100 = arith.constant dense<0.000000e+00> : vector<256x1024xf32>
    %dot_general3A_101 = tpu.matmul %slice3A_96, %get3A_99, %dot_general3A_100 {dimension_numbers = #tpu.dot_dimension_numbers<[1], [1], [0], [0], [0, 0, 1, 0], [], []>, transpose_lhs_hint = false} : vector<256x64xbf16>, vector<1024x64xbf16>, vector<256x1024xf32> -> vector<256x1024xf32>
    %add3A_102 = arith.addf %dot_general3A_101, %select_n3A : vector<256x1024xf32>
    %reduce_max3A_103 = arith.constant dense<0xFF800000> : vector<256xf32>
    %reduce_max3A_104 = vector.multi_reduction <maximumf>, %add3A_102, %reduce_max3A_103 [1] : vector<256x1024xf32> to vector<256xf32>
    %broadcast_in_dim3A_105 = vector.shape_cast %reduce_max3A_104 : vector<256xf32> to vector<256x1xf32>
    %sub3A_106 = vector.broadcast %broadcast_in_dim3A_105 : vector<256x1xf32> to vector<256x1024xf32>
    %sub3A_107 = arith.subf %add3A_102, %sub3A_106 : vector<256x1024xf32>
    %exp3A_108 = math.exp %sub3A_107 : vector<256x1024xf32>
    %reduce_sum3A_109 = arith.constant dense<0.000000e+00> : vector<256xf32>
    %reduce_sum3A_110 = vector.multi_reduction <add>, %exp3A_108, %reduce_sum3A_109 [1] : vector<256x1024xf32> to vector<256xf32>
    %broadcast_in_dim3A_111 = vector.shape_cast %reduce_sum3A_110 : vector<256xf32> to vector<256x1xf32>
    %div3A_112 = arith.constant 1.000000e+00 : f32
    %div3A_113 = vector.broadcast %div3A_112 : f32 to vector<256x1xf32>
    %div3A_114 = arith.divf %div3A_113, %broadcast_in_dim3A_111 : vector<256x1xf32>
    %mul3A_115 = vector.broadcast %div3A_114 : vector<256x1xf32> to vector<256x1024xf32>
    %mul3A_116 = arith.mulf %exp3A_108, %mul3A_115 : vector<256x1024xf32>
    %convert_element_type3A_117 = arith.truncf %mul3A_116 : vector<256x1024xf32> to vector<256x1024xbf16>
    %get3A_118 = arith.constant 0 : index
    %get3A_119 = arith.constant 192 : index
    %get3A_120 = vector.load %arg3[%get3A_118, %get3A_119] : memref<1024x768xbf16, #tpu.memory_space<vmem>>, vector<1024x64xbf16>
    %dot_general3A_121 = arith.constant dense<0.000000e+00> : vector<256x64xf32>
    %dot_general3A_122 = tpu.matmul %convert_element_type3A_117, %get3A_120, %dot_general3A_121 {dimension_numbers = #tpu.dot_dimension_numbers<[1], [0], [0], [1], [0, 0, 1, 1], [], []>, transpose_lhs_hint = false} : vector<256x1024xbf16>, vector<1024x64xbf16>, vector<256x64xf32> -> vector<256x64xf32>
    %convert_element_type3A_123 = arith.truncf %dot_general3A_122 : vector<256x64xf32> to vector<256x64xbf16>
    %swap3A_124 = arith.constant 0 : index
    %swap3A_125 = arith.constant 192 : index
    %swap3A_126 = vector.load %arg4[%swap3A_124, %swap3A_125] : memref<256x768xbf16, #tpu.memory_space<vmem>>, vector<256x64xbf16>
    tpu.vector_store %arg4[%swap3A_124, %swap3A_125], %convert_element_type3A_123 {strides = array<i32>} : memref<256x768xbf16, #tpu.memory_space<vmem>>, vector<256x64xbf16>,
    %slice3A_127 = vector.extract_strided_slice %mul3A_11 {offsets = [0, 256], sizes = [256, 64], strides = [1, 1]} : vector<256x768xbf16> to vector<256x64xbf16>
    %get3A_128 = arith.constant 0 : index
    %get3A_129 = arith.constant 256 : index
    %get3A_130 = vector.load %arg2[%get3A_128, %get3A_129] : memref<1024x768xbf16, #tpu.memory_space<vmem>>, vector<1024x64xbf16>
    %dot_general3A_131 = arith.constant dense<0.000000e+00> : vector<256x1024xf32>
    %dot_general3A_132 = tpu.matmul %slice3A_127, %get3A_130, %dot_general3A_131 {dimension_numbers = #tpu.dot_dimension_numbers<[1], [1], [0], [0], [0, 0, 1, 0], [], []>, transpose_lhs_hint = false} : vector<256x64xbf16>, vector<1024x64xbf16>, vector<256x1024xf32> -> vector<256x1024xf32>
    %add3A_133 = arith.addf %dot_general3A_132, %select_n3A : vector<256x1024xf32>
    %reduce_max3A_134 = arith.constant dense<0xFF800000> : vector<256xf32>
    %reduce_max3A_135 = vector.multi_reduction <maximumf>, %add3A_133, %reduce_max3A_134 [1] : vector<256x1024xf32> to vector<256xf32>
    %broadcast_in_dim3A_136 = vector.shape_cast %reduce_max3A_135 : vector<256xf32> to vector<256x1xf32>
    %sub3A_137 = vector.broadcast %broadcast_in_dim3A_136 : vector<256x1xf32> to vector<256x1024xf32>
    %sub3A_138 = arith.subf %add3A_133, %sub3A_137 : vector<256x1024xf32>
    %exp3A_139 = math.exp %sub3A_138 : vector<256x1024xf32>
    %reduce_sum3A_140 = arith.constant dense<0.000000e+00> : vector<256xf32>
    %reduce_sum3A_141 = vector.multi_reduction <add>, %exp3A_139, %reduce_sum3A_140 [1] : vector<256x1024xf32> to vector<256xf32>
    %broadcast_in_dim3A_142 = vector.shape_cast %reduce_sum3A_141 : vector<256xf32> to vector<256x1xf32>
    %div3A_143 = arith.constant 1.000000e+00 : f32
    %div3A_144 = vector.broadcast %div3A_143 : f32 to vector<256x1xf32>
    %div3A_145 = arith.divf %div3A_144, %broadcast_in_dim3A_142 : vector<256x1xf32>
    %mul3A_146 = vector.broadcast %div3A_145 : vector<256x1xf32> to vector<256x1024xf32>
    %mul3A_147 = arith.mulf %exp3A_139, %mul3A_146 : vector<256x1024xf32>
    %convert_element_type3A_148 = arith.truncf %mul3A_147 : vector<256x1024xf32> to vector<256x1024xbf16>
    %get3A_149 = arith.constant 0 : index
    %get3A_150 = arith.constant 256 : index
    %get3A_151 = vector.load %arg3[%get3A_149, %get3A_150] : memref<1024x768xbf16, #tpu.memory_space<vmem>>, vector<1024x64xbf16>
    %dot_general3A_152 = arith.constant dense<0.000000e+00> : vector<256x64xf32>
    %dot_general3A_153 = tpu.matmul %convert_element_type3A_148, %get3A_151, %dot_general3A_152 {dimension_numbers = #tpu.dot_dimension_numbers<[1], [0], [0], [1], [0, 0, 1, 1], [], []>, transpose_lhs_hint = false} : vector<256x1024xbf16>, vector<1024x64xbf16>, vector<256x64xf32> -> vector<256x64xf32>
    %convert_element_type3A_154 = arith.truncf %dot_general3A_153 : vector<256x64xf32> to vector<256x64xbf16>
    %swap3A_155 = arith.constant 0 : index
    %swap3A_156 = arith.constant 256 : index
    %swap3A_157 = vector.load %arg4[%swap3A_155, %swap3A_156] : memref<256x768xbf16, #tpu.memory_space<vmem>>, vector<256x64xbf16>
    tpu.vector_store %arg4[%swap3A_155, %swap3A_156], %convert_element_type3A_154 {strides = array<i32>} : memref<256x768xbf16, #tpu.memory_space<vmem>>, vector<256x64xbf16>,
    %slice3A_158 = vector.extract_strided_slice %mul3A_11 {offsets = [0, 320], sizes = [256, 64], strides = [1, 1]} : vector<256x768xbf16> to vector<256x64xbf16>
    %get3A_159 = arith.constant 0 : index
    %get3A_160 = arith.constant 320 : index
    %get3A_161 = vector.load %arg2[%get3A_159, %get3A_160] : memref<1024x768xbf16, #tpu.memory_space<vmem>>, vector<1024x64xbf16>
    %dot_general3A_162 = arith.constant dense<0.000000e+00> : vector<256x1024xf32>
    %dot_general3A_163 = tpu.matmul %slice3A_158, %get3A_161, %dot_general3A_162 {dimension_numbers = #tpu.dot_dimension_numbers<[1], [1], [0], [0], [0, 0, 1, 0], [], []>, transpose_lhs_hint = false} : vector<256x64xbf16>, vector<1024x64xbf16>, vector<256x1024xf32> -> vector<256x1024xf32>
    %add3A_164 = arith.addf %dot_general3A_163, %select_n3A : vector<256x1024xf32>
    %reduce_max3A_165 = arith.constant dense<0xFF800000> : vector<256xf32>
    %reduce_max3A_166 = vector.multi_reduction <maximumf>, %add3A_164, %reduce_max3A_165 [1] : vector<256x1024xf32> to vector<256xf32>
    %broadcast_in_dim3A_167 = vector.shape_cast %reduce_max3A_166 : vector<256xf32> to vector<256x1xf32>
    %sub3A_168 = vector.broadcast %broadcast_in_dim3A_167 : vector<256x1xf32> to vector<256x1024xf32>
    %sub3A_169 = arith.subf %add3A_164, %sub3A_168 : vector<256x1024xf32>
    %exp3A_170 = math.exp %sub3A_169 : vector<256x1024xf32>
    %reduce_sum3A_171 = arith.constant dense<0.000000e+00> : vector<256xf32>
    %reduce_sum3A_172 = vector.multi_reduction <add>, %exp3A_170, %reduce_sum3A_171 [1] : vector<256x1024xf32> to vector<256xf32>
    %broadcast_in_dim3A_173 = vector.shape_cast %reduce_sum3A_172 : vector<256xf32> to vector<256x1xf32>
    %div3A_174 = arith.constant 1.000000e+00 : f32
    %div3A_175 = vector.broadcast %div3A_174 : f32 to vector<256x1xf32>
    %div3A_176 = arith.divf %div3A_175, %broadcast_in_dim3A_173 : vector<256x1xf32>
    %mul3A_177 = vector.broadcast %div3A_176 : vector<256x1xf32> to vector<256x1024xf32>
    %mul3A_178 = arith.mulf %exp3A_170, %mul3A_177 : vector<256x1024xf32>
    %convert_element_type3A_179 = arith.truncf %mul3A_178 : vector<256x1024xf32> to vector<256x1024xbf16>
    %get3A_180 = arith.constant 0 : index
    %get3A_181 = arith.constant 320 : index
    %get3A_182 = vector.load %arg3[%get3A_180, %get3A_181] : memref<1024x768xbf16, #tpu.memory_space<vmem>>, vector<1024x64xbf16>
    %dot_general3A_183 = arith.constant dense<0.000000e+00> : vector<256x64xf32>
    %dot_general3A_184 = tpu.matmul %convert_element_type3A_179, %get3A_182, %dot_general3A_183 {dimension_numbers = #tpu.dot_dimension_numbers<[1], [0], [0], [1], [0, 0, 1, 1], [], []>, transpose_lhs_hint = false} : vector<256x1024xbf16>, vector<1024x64xbf16>, vector<256x64xf32> -> vector<256x64xf32>
    %convert_element_type3A_185 = arith.truncf %dot_general3A_184 : vector<256x64xf32> to vector<256x64xbf16>
    %swap3A_186 = arith.constant 0 : index
    %swap3A_187 = arith.constant 320 : index
    %swap3A_188 = vector.load %arg4[%swap3A_186, %swap3A_187] : memref<256x768xbf16, #tpu.memory_space<vmem>>, vector<256x64xbf16>
    tpu.vector_store %arg4[%swap3A_186, %swap3A_187], %convert_element_type3A_185 {strides = array<i32>} : memref<256x768xbf16, #tpu.memory_space<vmem>>, vector<256x64xbf16>,
    %slice3A_189 = vector.extract_strided_slice %mul3A_11 {offsets = [0, 384], sizes = [256, 64], strides = [1, 1]} : vector<256x768xbf16> to vector<256x64xbf16>
    %get3A_190 = arith.constant 0 : index
    %get3A_191 = arith.constant 384 : index
    %get3A_192 = vector.load %arg2[%get3A_190, %get3A_191] : memref<1024x768xbf16, #tpu.memory_space<vmem>>, vector<1024x64xbf16>
    %dot_general3A_193 = arith.constant dense<0.000000e+00> : vector<256x1024xf32>
    %dot_general3A_194 = tpu.matmul %slice3A_189, %get3A_192, %dot_general3A_193 {dimension_numbers = #tpu.dot_dimension_numbers<[1], [1], [0], [0], [0, 0, 1, 0], [], []>, transpose_lhs_hint = false} : vector<256x64xbf16>, vector<1024x64xbf16>, vector<256x1024xf32> -> vector<256x1024xf32>
    %add3A_195 = arith.addf %dot_general3A_194, %select_n3A : vector<256x1024xf32>
    %reduce_max3A_196 = arith.constant dense<0xFF800000> : vector<256xf32>
    %reduce_max3A_197 = vector.multi_reduction <maximumf>, %add3A_195, %reduce_max3A_196 [1] : vector<256x1024xf32> to vector<256xf32>
    %broadcast_in_dim3A_198 = vector.shape_cast %reduce_max3A_197 : vector<256xf32> to vector<256x1xf32>
    %sub3A_199 = vector.broadcast %broadcast_in_dim3A_198 : vector<256x1xf32> to vector<256x1024xf32>
    %sub3A_200 = arith.subf %add3A_195, %sub3A_199 : vector<256x1024xf32>
    %exp3A_201 = math.exp %sub3A_200 : vector<256x1024xf32>
    %reduce_sum3A_202 = arith.constant dense<0.000000e+00> : vector<256xf32>
    %reduce_sum3A_203 = vector.multi_reduction <add>, %exp3A_201, %reduce_sum3A_202 [1] : vector<256x1024xf32> to vector<256xf32>
    %broadcast_in_dim3A_204 = vector.shape_cast %reduce_sum3A_203 : vector<256xf32> to vector<256x1xf32>
    %div3A_205 = arith.constant 1.000000e+00 : f32
    %div3A_206 = vector.broadcast %div3A_205 : f32 to vector<256x1xf32>
    %div3A_207 = arith.divf %div3A_206, %broadcast_in_dim3A_204 : vector<256x1xf32>
    %mul3A_208 = vector.broadcast %div3A_207 : vector<256x1xf32> to vector<256x1024xf32>
    %mul3A_209 = arith.mulf %exp3A_201, %mul3A_208 : vector<256x1024xf32>
    %convert_element_type3A_210 = arith.truncf %mul3A_209 : vector<256x1024xf32> to vector<256x1024xbf16>
    %get3A_211 = arith.constant 0 : index
    %get3A_212 = arith.constant 384 : index
    %get3A_213 = vector.load %arg3[%get3A_211, %get3A_212] : memref<1024x768xbf16, #tpu.memory_space<vmem>>, vector<1024x64xbf16>
    %dot_general3A_214 = arith.constant dense<0.000000e+00> : vector<256x64xf32>
    %dot_general3A_215 = tpu.matmul %convert_element_type3A_210, %get3A_213, %dot_general3A_214 {dimension_numbers = #tpu.dot_dimension_numbers<[1], [0], [0], [1], [0, 0, 1, 1], [], []>, transpose_lhs_hint = false} : vector<256x1024xbf16>, vector<1024x64xbf16>, vector<256x64xf32> -> vector<256x64xf32>
    %convert_element_type3A_216 = arith.truncf %dot_general3A_215 : vector<256x64xf32> to vector<256x64xbf16>
    %swap3A_217 = arith.constant 0 : index
    %swap3A_218 = arith.constant 384 : index
    %swap3A_219 = vector.load %arg4[%swap3A_217, %swap3A_218] : memref<256x768xbf16, #tpu.memory_space<vmem>>, vector<256x64xbf16>
    tpu.vector_store %arg4[%swap3A_217, %swap3A_218], %convert_element_type3A_216 {strides = array<i32>} : memref<256x768xbf16, #tpu.memory_space<vmem>>, vector<256x64xbf16>,
    %slice3A_220 = vector.extract_strided_slice %mul3A_11 {offsets = [0, 448], sizes = [256, 64], strides = [1, 1]} : vector<256x768xbf16> to vector<256x64xbf16>
    %get3A_221 = arith.constant 0 : index
    %get3A_222 = arith.constant 448 : index
    %get3A_223 = vector.load %arg2[%get3A_221, %get3A_222] : memref<1024x768xbf16, #tpu.memory_space<vmem>>, vector<1024x64xbf16>
    %dot_general3A_224 = arith.constant dense<0.000000e+00> : vector<256x1024xf32>
    %dot_general3A_225 = tpu.matmul %slice3A_220, %get3A_223, %dot_general3A_224 {dimension_numbers = #tpu.dot_dimension_numbers<[1], [1], [0], [0], [0, 0, 1, 0], [], []>, transpose_lhs_hint = false} : vector<256x64xbf16>, vector<1024x64xbf16>, vector<256x1024xf32> -> vector<256x1024xf32>
    %add3A_226 = arith.addf %dot_general3A_225, %select_n3A : vector<256x1024xf32>
    %reduce_max3A_227 = arith.constant dense<0xFF800000> : vector<256xf32>
    %reduce_max3A_228 = vector.multi_reduction <maximumf>, %add3A_226, %reduce_max3A_227 [1] : vector<256x1024xf32> to vector<256xf32>
    %broadcast_in_dim3A_229 = vector.shape_cast %reduce_max3A_228 : vector<256xf32> to vector<256x1xf32>
    %sub3A_230 = vector.broadcast %broadcast_in_dim3A_229 : vector<256x1xf32> to vector<256x1024xf32>
    %sub3A_231 = arith.subf %add3A_226, %sub3A_230 : vector<256x1024xf32>
    %exp3A_232 = math.exp %sub3A_231 : vector<256x1024xf32>
    %reduce_sum3A_233 = arith.constant dense<0.000000e+00> : vector<256xf32>
    %reduce_sum3A_234 = vector.multi_reduction <add>, %exp3A_232, %reduce_sum3A_233 [1] : vector<256x1024xf32> to vector<256xf32>
    %broadcast_in_dim3A_235 = vector.shape_cast %reduce_sum3A_234 : vector<256xf32> to vector<256x1xf32>
    %div3A_236 = arith.constant 1.000000e+00 : f32
    %div3A_237 = vector.broadcast %div3A_236 : f32 to vector<256x1xf32>
    %div3A_238 = arith.divf %div3A_237, %broadcast_in_dim3A_235 : vector<256x1xf32>
    %mul3A_239 = vector.broadcast %div3A_238 : vector<256x1xf32> to vector<256x1024xf32>
    %mul3A_240 = arith.mulf %exp3A_232, %mul3A_239 : vector<256x1024xf32>
    %convert_element_type3A_241 = arith.truncf %mul3A_240 : vector<256x1024xf32> to vector<256x1024xbf16>
    %get3A_242 = arith.constant 0 : index
    %get3A_243 = arith.constant 448 : index
    %get3A_244 = vector.load %arg3[%get3A_242, %get3A_243] : memref<1024x768xbf16, #tpu.memory_space<vmem>>, vector<1024x64xbf16>
    %dot_general3A_245 = arith.constant dense<0.000000e+00> : vector<256x64xf32>
    %dot_general3A_246 = tpu.matmul %convert_element_type3A_241, %get3A_244, %dot_general3A_245 {dimension_numbers = #tpu.dot_dimension_numbers<[1], [0], [0], [1], [0, 0, 1, 1], [], []>, transpose_lhs_hint = false} : vector<256x1024xbf16>, vector<1024x64xbf16>, vector<256x64xf32> -> vector<256x64xf32>
    %convert_element_type3A_247 = arith.truncf %dot_general3A_246 : vector<256x64xf32> to vector<256x64xbf16>
    %swap3A_248 = arith.constant 0 : index
    %swap3A_249 = arith.constant 448 : index
    %swap3A_250 = vector.load %arg4[%swap3A_248, %swap3A_249] : memref<256x768xbf16, #tpu.memory_space<vmem>>, vector<256x64xbf16>
    tpu.vector_store %arg4[%swap3A_248, %swap3A_249], %convert_element_type3A_247 {strides = array<i32>} : memref<256x768xbf16, #tpu.memory_space<vmem>>, vector<256x64xbf16>,
    %slice3A_251 = vector.extract_strided_slice %mul3A_11 {offsets = [0, 512], sizes = [256, 64], strides = [1, 1]} : vector<256x768xbf16> to vector<256x64xbf16>
    %get3A_252 = arith.constant 0 : index
    %get3A_253 = arith.constant 512 : index
    %get3A_254 = vector.load %arg2[%get3A_252, %get3A_253] : memref<1024x768xbf16, #tpu.memory_space<vmem>>, vector<1024x64xbf16>
    %dot_general3A_255 = arith.constant dense<0.000000e+00> : vector<256x1024xf32>
    %dot_general3A_256 = tpu.matmul %slice3A_251, %get3A_254, %dot_general3A_255 {dimension_numbers = #tpu.dot_dimension_numbers<[1], [1], [0], [0], [0, 0, 1, 0], [], []>, transpose_lhs_hint = false} : vector<256x64xbf16>, vector<1024x64xbf16>, vector<256x1024xf32> -> vector<256x1024xf32>
    %add3A_257 = arith.addf %dot_general3A_256, %select_n3A : vector<256x1024xf32>
    %reduce_max3A_258 = arith.constant dense<0xFF800000> : vector<256xf32>
    %reduce_max3A_259 = vector.multi_reduction <maximumf>, %add3A_257, %reduce_max3A_258 [1] : vector<256x1024xf32> to vector<256xf32>
    %broadcast_in_dim3A_260 = vector.shape_cast %reduce_max3A_259 : vector<256xf32> to vector<256x1xf32>
    %sub3A_261 = vector.broadcast %broadcast_in_dim3A_260 : vector<256x1xf32> to vector<256x1024xf32>
    %sub3A_262 = arith.subf %add3A_257, %sub3A_261 : vector<256x1024xf32>
    %exp3A_263 = math.exp %sub3A_262 : vector<256x1024xf32>
    %reduce_sum3A_264 = arith.constant dense<0.000000e+00> : vector<256xf32>
    %reduce_sum3A_265 = vector.multi_reduction <add>, %exp3A_263, %reduce_sum3A_264 [1] : vector<256x1024xf32> to vector<256xf32>
    %broadcast_in_dim3A_266 = vector.shape_cast %reduce_sum3A_265 : vector<256xf32> to vector<256x1xf32>
    %div3A_267 = arith.constant 1.000000e+00 : f32
    %div3A_268 = vector.broadcast %div3A_267 : f32 to vector<256x1xf32>
    %div3A_269 = arith.divf %div3A_268, %broadcast_in_dim3A_266 : vector<256x1xf32>
    %mul3A_270 = vector.broadcast %div3A_269 : vector<256x1xf32> to vector<256x1024xf32>
    %mul3A_271 = arith.mulf %exp3A_263, %mul3A_270 : vector<256x1024xf32>
    %convert_element_type3A_272 = arith.truncf %mul3A_271 : vector<256x1024xf32> to vector<256x1024xbf16>
    %get3A_273 = arith.constant 0 : index
    %get3A_274 = arith.constant 512 : index
    %get3A_275 = vector.load %arg3[%get3A_273, %get3A_274] : memref<1024x768xbf16, #tpu.memory_space<vmem>>, vector<1024x64xbf16>
    %dot_general3A_276 = arith.constant dense<0.000000e+00> : vector<256x64xf32>
    %dot_general3A_277 = tpu.matmul %convert_element_type3A_272, %get3A_275, %dot_general3A_276 {dimension_numbers = #tpu.dot_dimension_numbers<[1], [0], [0], [1], [0, 0, 1, 1], [], []>, transpose_lhs_hint = false} : vector<256x1024xbf16>, vector<1024x64xbf16>, vector<256x64xf32> -> vector<256x64xf32>
    %convert_element_type3A_278 = arith.truncf %dot_general3A_277 : vector<256x64xf32> to vector<256x64xbf16>
    %swap3A_279 = arith.constant 0 : index
    %swap3A_280 = arith.constant 512 : index
    %swap3A_281 = vector.load %arg4[%swap3A_279, %swap3A_280] : memref<256x768xbf16, #tpu.memory_space<vmem>>, vector<256x64xbf16>
    tpu.vector_store %arg4[%swap3A_279, %swap3A_280], %convert_element_type3A_278 {strides = array<i32>} : memref<256x768xbf16, #tpu.memory_space<vmem>>, vector<256x64xbf16>,
    %slice3A_282 = vector.extract_strided_slice %mul3A_11 {offsets = [0, 576], sizes = [256, 64], strides = [1, 1]} : vector<256x768xbf16> to vector<256x64xbf16>
    %get3A_283 = arith.constant 0 : index
    %get3A_284 = arith.constant 576 : index
    %get3A_285 = vector.load %arg2[%get3A_283, %get3A_284] : memref<1024x768xbf16, #tpu.memory_space<vmem>>, vector<1024x64xbf16>
    %dot_general3A_286 = arith.constant dense<0.000000e+00> : vector<256x1024xf32>
    %dot_general3A_287 = tpu.matmul %slice3A_282, %get3A_285, %dot_general3A_286 {dimension_numbers = #tpu.dot_dimension_numbers<[1], [1], [0], [0], [0, 0, 1, 0], [], []>, transpose_lhs_hint = false} : vector<256x64xbf16>, vector<1024x64xbf16>, vector<256x1024xf32> -> vector<256x1024xf32>
    %add3A_288 = arith.addf %dot_general3A_287, %select_n3A : vector<256x1024xf32>
    %reduce_max3A_289 = arith.constant dense<0xFF800000> : vector<256xf32>
    %reduce_max3A_290 = vector.multi_reduction <maximumf>, %add3A_288, %reduce_max3A_289 [1] : vector<256x1024xf32> to vector<256xf32>
    %broadcast_in_dim3A_291 = vector.shape_cast %reduce_max3A_290 : vector<256xf32> to vector<256x1xf32>
    %sub3A_292 = vector.broadcast %broadcast_in_dim3A_291 : vector<256x1xf32> to vector<256x1024xf32>
    %sub3A_293 = arith.subf %add3A_288, %sub3A_292 : vector<256x1024xf32>
    %exp3A_294 = math.exp %sub3A_293 : vector<256x1024xf32>
    %reduce_sum3A_295 = arith.constant dense<0.000000e+00> : vector<256xf32>
    %reduce_sum3A_296 = vector.multi_reduction <add>, %exp3A_294, %reduce_sum3A_295 [1] : vector<256x1024xf32> to vector<256xf32>
    %broadcast_in_dim3A_297 = vector.shape_cast %reduce_sum3A_296 : vector<256xf32> to vector<256x1xf32>
    %div3A_298 = arith.constant 1.000000e+00 : f32
    %div3A_299 = vector.broadcast %div3A_298 : f32 to vector<256x1xf32>
    %div3A_300 = arith.divf %div3A_299, %broadcast_in_dim3A_297 : vector<256x1xf32>
    %mul3A_301 = vector.broadcast %div3A_300 : vector<256x1xf32> to vector<256x1024xf32>
    %mul3A_302 = arith.mulf %exp3A_294, %mul3A_301 : vector<256x1024xf32>
    %convert_element_type3A_303 = arith.truncf %mul3A_302 : vector<256x1024xf32> to vector<256x1024xbf16>
    %get3A_304 = arith.constant 0 : index
    %get3A_305 = arith.constant 576 : index
    %get3A_306 = vector.load %arg3[%get3A_304, %get3A_305] : memref<1024x768xbf16, #tpu.memory_space<vmem>>, vector<1024x64xbf16>
    %dot_general3A_307 = arith.constant dense<0.000000e+00> : vector<256x64xf32>
    %dot_general3A_308 = tpu.matmul %convert_element_type3A_303, %get3A_306, %dot_general3A_307 {dimension_numbers = #tpu.dot_dimension_numbers<[1], [0], [0], [1], [0, 0, 1, 1], [], []>, transpose_lhs_hint = false} : vector<256x1024xbf16>, vector<1024x64xbf16>, vector<256x64xf32> -> vector<256x64xf32>
    %convert_element_type3A_309 = arith.truncf %dot_general3A_308 : vector<256x64xf32> to vector<256x64xbf16>
    %swap3A_310 = arith.constant 0 : index
    %swap3A_311 = arith.constant 576 : index
    %swap3A_312 = vector.load %arg4[%swap3A_310, %swap3A_311] : memref<256x768xbf16, #tpu.memory_space<vmem>>, vector<256x64xbf16>
    tpu.vector_store %arg4[%swap3A_310, %swap3A_311], %convert_element_type3A_309 {strides = array<i32>} : memref<256x768xbf16, #tpu.memory_space<vmem>>, vector<256x64xbf16>,
    %slice3A_313 = vector.extract_strided_slice %mul3A_11 {offsets = [0, 640], sizes = [256, 64], strides = [1, 1]} : vector<256x768xbf16> to vector<256x64xbf16>
    %get3A_314 = arith.constant 0 : index
    %get3A_315 = arith.constant 640 : index
    %get3A_316 = vector.load %arg2[%get3A_314, %get3A_315] : memref<1024x768xbf16, #tpu.memory_space<vmem>>, vector<1024x64xbf16>
    %dot_general3A_317 = arith.constant dense<0.000000e+00> : vector<256x1024xf32>
    %dot_general3A_318 = tpu.matmul %slice3A_313, %get3A_316, %dot_general3A_317 {dimension_numbers = #tpu.dot_dimension_numbers<[1], [1], [0], [0], [0, 0, 1, 0], [], []>, transpose_lhs_hint = false} : vector<256x64xbf16>, vector<1024x64xbf16>, vector<256x1024xf32> -> vector<256x1024xf32>
    %add3A_319 = arith.addf %dot_general3A_318, %select_n3A : vector<256x1024xf32>
    %reduce_max3A_320 = arith.constant dense<0xFF800000> : vector<256xf32>
    %reduce_max3A_321 = vector.multi_reduction <maximumf>, %add3A_319, %reduce_max3A_320 [1] : vector<256x1024xf32> to vector<256xf32>
    %broadcast_in_dim3A_322 = vector.shape_cast %reduce_max3A_321 : vector<256xf32> to vector<256x1xf32>
    %sub3A_323 = vector.broadcast %broadcast_in_dim3A_322 : vector<256x1xf32> to vector<256x1024xf32>
    %sub3A_324 = arith.subf %add3A_319, %sub3A_323 : vector<256x1024xf32>
    %exp3A_325 = math.exp %sub3A_324 : vector<256x1024xf32>
    %reduce_sum3A_326 = arith.constant dense<0.000000e+00> : vector<256xf32>
    %reduce_sum3A_327 = vector.multi_reduction <add>, %exp3A_325, %reduce_sum3A_326 [1] : vector<256x1024xf32> to vector<256xf32>
    %broadcast_in_dim3A_328 = vector.shape_cast %reduce_sum3A_327 : vector<256xf32> to vector<256x1xf32>
    %div3A_329 = arith.constant 1.000000e+00 : f32
    %div3A_330 = vector.broadcast %div3A_329 : f32 to vector<256x1xf32>
    %div3A_331 = arith.divf %div3A_330, %broadcast_in_dim3A_328 : vector<256x1xf32>
    %mul3A_332 = vector.broadcast %div3A_331 : vector<256x1xf32> to vector<256x1024xf32>
    %mul3A_333 = arith.mulf %exp3A_325, %mul3A_332 : vector<256x1024xf32>
    %convert_element_type3A_334 = arith.truncf %mul3A_333 : vector<256x1024xf32> to vector<256x1024xbf16>
    %get3A_335 = arith.constant 0 : index
    %get3A_336 = arith.constant 640 : index
    %get3A_337 = vector.load %arg3[%get3A_335, %get3A_336] : memref<1024x768xbf16, #tpu.memory_space<vmem>>, vector<1024x64xbf16>
    %dot_general3A_338 = arith.constant dense<0.000000e+00> : vector<256x64xf32>
    %dot_general3A_339 = tpu.matmul %convert_element_type3A_334, %get3A_337, %dot_general3A_338 {dimension_numbers = #tpu.dot_dimension_numbers<[1], [0], [0], [1], [0, 0, 1, 1], [], []>, transpose_lhs_hint = false} : vector<256x1024xbf16>, vector<1024x64xbf16>, vector<256x64xf32> -> vector<256x64xf32>
    %convert_element_type3A_340 = arith.truncf %dot_general3A_339 : vector<256x64xf32> to vector<256x64xbf16>
    %swap3A_341 = arith.constant 0 : index
    %swap3A_342 = arith.constant 640 : index
    %swap3A_343 = vector.load %arg4[%swap3A_341, %swap3A_342] : memref<256x768xbf16, #tpu.memory_space<vmem>>, vector<256x64xbf16>
    tpu.vector_store %arg4[%swap3A_341, %swap3A_342], %convert_element_type3A_340 {strides = array<i32>} : memref<256x768xbf16, #tpu.memory_space<vmem>>, vector<256x64xbf16>,
    %slice3A_344 = vector.extract_strided_slice %mul3A_11 {offsets = [0, 704], sizes = [256, 64], strides = [1, 1]} : vector<256x768xbf16> to vector<256x64xbf16>
    %get3A_345 = arith.constant 0 : index
    %get3A_346 = arith.constant 704 : index
    %get3A_347 = vector.load %arg2[%get3A_345, %get3A_346] : memref<1024x768xbf16, #tpu.memory_space<vmem>>, vector<1024x64xbf16>
    %dot_general3A_348 = arith.constant dense<0.000000e+00> : vector<256x1024xf32>
    %dot_general3A_349 = tpu.matmul %slice3A_344, %get3A_347, %dot_general3A_348 {dimension_numbers = #tpu.dot_dimension_numbers<[1], [1], [0], [0], [0, 0, 1, 0], [], []>, transpose_lhs_hint = false} : vector<256x64xbf16>, vector<1024x64xbf16>, vector<256x1024xf32> -> vector<256x1024xf32>
    %add3A_350 = arith.addf %dot_general3A_349, %select_n3A : vector<256x1024xf32>
    %reduce_max3A_351 = arith.constant dense<0xFF800000> : vector<256xf32>
    %reduce_max3A_352 = vector.multi_reduction <maximumf>, %add3A_350, %reduce_max3A_351 [1] : vector<256x1024xf32> to vector<256xf32>
    %broadcast_in_dim3A_353 = vector.shape_cast %reduce_max3A_352 : vector<256xf32> to vector<256x1xf32>
    %sub3A_354 = vector.broadcast %broadcast_in_dim3A_353 : vector<256x1xf32> to vector<256x1024xf32>
    %sub3A_355 = arith.subf %add3A_350, %sub3A_354 : vector<256x1024xf32>
    %exp3A_356 = math.exp %sub3A_355 : vector<256x1024xf32>
    %reduce_sum3A_357 = arith.constant dense<0.000000e+00> : vector<256xf32>
    %reduce_sum3A_358 = vector.multi_reduction <add>, %exp3A_356, %reduce_sum3A_357 [1] : vector<256x1024xf32> to vector<256xf32>
    %broadcast_in_dim3A_359 = vector.shape_cast %reduce_sum3A_358 : vector<256xf32> to vector<256x1xf32>
    %div3A_360 = arith.constant 1.000000e+00 : f32
    %div3A_361 = vector.broadcast %div3A_360 : f32 to vector<256x1xf32>
    %div3A_362 = arith.divf %div3A_361, %broadcast_in_dim3A_359 : vector<256x1xf32>
    %mul3A_363 = vector.broadcast %div3A_362 : vector<256x1xf32> to vector<256x1024xf32>
    %mul3A_364 = arith.mulf %exp3A_356, %mul3A_363 : vector<256x1024xf32>
    %convert_element_type3A_365 = arith.truncf %mul3A_364 : vector<256x1024xf32> to vector<256x1024xbf16>
    %get3A_366 = arith.constant 0 : index
    %get3A_367 = arith.constant 704 : index
    %get3A_368 = vector.load %arg3[%get3A_366, %get3A_367] : memref<1024x768xbf16, #tpu.memory_space<vmem>>, vector<1024x64xbf16>
    %dot_general3A_369 = arith.constant dense<0.000000e+00> : vector<256x64xf32>
    %dot_general3A_370 = tpu.matmul %convert_element_type3A_365, %get3A_368, %dot_general3A_369 {dimension_numbers = #tpu.dot_dimension_numbers<[1], [0], [0], [1], [0, 0, 1, 1], [], []>, transpose_lhs_hint = false} : vector<256x1024xbf16>, vector<1024x64xbf16>, vector<256x64xf32> -> vector<256x64xf32>
    %convert_element_type3A_371 = arith.truncf %dot_general3A_370 : vector<256x64xf32> to vector<256x64xbf16>
    %swap3A_372 = arith.constant 0 : index
    %swap3A_373 = arith.constant 704 : index
    %swap3A_374 = vector.load %arg4[%swap3A_372, %swap3A_373] : memref<256x768xbf16, #tpu.memory_space<vmem>>, vector<256x64xbf16>
    tpu.vector_store %arg4[%swap3A_372, %swap3A_373], %convert_element_type3A_371 {strides = array<i32>} : memref<256x768xbf16, #tpu.memory_space<vmem>>, vector<256x64xbf16>,
    return
  }
  func.func @transform_0(%arg0: i32) -> (i32, i32) {
    %add3A = arith.constant 2 : i32
    %add3A_0 = arith.addi %add3A, %arg0 : i32
    %c0_i32 = arith.constant 0 : i32
    %c0_i32_1 = arith.constant 0 : i32
    return %add3A_0, %c0_i32 : i32, i32
  }
  func.func @transform_1(%arg0: i32) -> (i32, i32) {
    %c0_i32 = arith.constant 0 : i32
    %c0_i32_0 = arith.constant 0 : i32
    %c0_i32_1 = arith.constant 0 : i32
    return %c0_i32, %c0_i32_0 : i32, i32
  }
  func.func @transform_2(%arg0: i32) -> (i32, i32) {
    %c0_i32 = arith.constant 0 : i32
    %c0_i32_0 = arith.constant 0 : i32
    %c0_i32_1 = arith.constant 0 : i32
    return %c0_i32, %c0_i32_0 : i32, i32
  }
  func.func @transform_3(%arg0: i32) -> (i32, i32) {
    %c0_i32 = arith.constant 0 : i32
    %c0_i32_0 = arith.constant 0 : i32
    return %arg0, %c0_i32 : i32, i32
  }
}

module attributes {stable_mosaic.version = 14 : i64} {
  func.func @body(%arg0: i32, %arg1: memref<256x768xbf16, #tpu.memory_space<vmem>>, %arg2: memref<1536x768xbf16, #tpu.memory_space<vmem>>, %arg3: memref<1536x768xbf16, #tpu.memory_space<vmem>>, %arg4: memref<256x768xbf16, #tpu.memory_space<vmem>>) attributes {dimension_semantics = [#tpu.dimension_semantics<arbitrary>], iteration_bounds = array<i64: 2>, scalar_prefetch = 0 : i64, scratch_operands = 0 : i64, tpu.core_type = #tpu.core_type<tc>, window_params = [{transform_indices = @transform_0, window_bounds = array<i64: 256, 768>}, {transform_indices = @transform_1, window_bounds = array<i64: 1536, 768>}, {transform_indices = @transform_2, window_bounds = array<i64: 1536, 768>}, {transform_indices = @transform_3, window_bounds = array<i64: 256, 768>}]} {
    %add3A = arith.constant 4 : i32
    %add3A_0 = arith.addi %add3A, %arg0 : i32
    %mul3A = arith.constant 256 : i32
    %mul3A_1 = arith.muli %add3A_0, %mul3A : i32
    %iota3A = tpu.iota {dimensions = array<i32: 0>} : vector<256x1536xi32>
    %add3A_2 = vector.broadcast %mul3A_1 : i32 to vector<256x1536xi32>
    %add3A_3 = arith.addi %iota3A, %add3A_2 : vector<256x1536xi32>
    %iota3A_4 = tpu.iota {dimensions = array<i32: 1>} : vector<256x1536xi32>
    %gt3A = arith.cmpi sgt, %iota3A_4, %add3A_3 : vector<256x1536xi32>
    %jit3A = arith.constant 0xFF800000 : f32
    %jit3A_5 = arith.constant 0.000000e+00 : f32
    %broadcast_in_dim3A = vector.broadcast %jit3A : f32 to vector<256x1536xf32>
    %broadcast_in_dim3A_6 = vector.broadcast %jit3A_5 : f32 to vector<256x1536xf32>
    %select_n3A = arith.select %gt3A, %broadcast_in_dim3A, %broadcast_in_dim3A_6 : vector<256x1536xi1>, vector<256x1536xf32>
    %get3A = arith.constant 0 : index
    %get3A_7 = arith.constant 0 : index
    %get3A_8 = vector.load %arg1[%get3A, %get3A_7] : memref<256x768xbf16, #tpu.memory_space<vmem>>, vector<256x768xbf16>
    %mul3A_9 = arith.constant 1.250000e-01 : bf16
    %mul3A_10 = vector.broadcast %mul3A_9 : bf16 to vector<256x768xbf16>
    %mul3A_11 = arith.mulf %get3A_8, %mul3A_10 : vector<256x768xbf16>
    %slice3A = vector.extract_strided_slice %mul3A_11 {offsets = [0, 0], sizes = [256, 64], strides = [1, 1]} : vector<256x768xbf16> to vector<256x64xbf16>
    %get3A_12 = arith.constant 0 : index
    %get3A_13 = arith.constant 0 : index
    %get3A_14 = vector.load %arg2[%get3A_12, %get3A_13] : memref<1536x768xbf16, #tpu.memory_space<vmem>>, vector<1536x64xbf16>
    %dot_general3A = arith.constant dense<0.000000e+00> : vector<256x1536xf32>
    %dot_general3A_15 = tpu.matmul %slice3A, %get3A_14, %dot_general3A {dimension_numbers = #tpu.dot_dimension_numbers<[1], [1], [0], [0], [0, 0, 1, 0], [], []>, transpose_lhs_hint = false} : vector<256x64xbf16>, vector<1536x64xbf16>, vector<256x1536xf32> -> vector<256x1536xf32>
    %add3A_16 = arith.addf %dot_general3A_15, %select_n3A : vector<256x1536xf32>
    %reduce_max3A = arith.constant dense<0xFF800000> : vector<256xf32>
    %reduce_max3A_17 = vector.multi_reduction <maximumf>, %add3A_16, %reduce_max3A [1] : vector<256x1536xf32> to vector<256xf32>
    %broadcast_in_dim3A_18 = vector.shape_cast %reduce_max3A_17 : vector<256xf32> to vector<256x1xf32>
    %sub3A = vector.broadcast %broadcast_in_dim3A_18 : vector<256x1xf32> to vector<256x1536xf32>
    %sub3A_19 = arith.subf %add3A_16, %sub3A : vector<256x1536xf32>
    %exp3A = math.exp %sub3A_19 : vector<256x1536xf32>
    %reduce_sum3A = arith.constant dense<0.000000e+00> : vector<256xf32>
    %reduce_sum3A_20 = vector.multi_reduction <add>, %exp3A, %reduce_sum3A [1] : vector<256x1536xf32> to vector<256xf32>
    %broadcast_in_dim3A_21 = vector.shape_cast %reduce_sum3A_20 : vector<256xf32> to vector<256x1xf32>
    %div3A = arith.constant 1.000000e+00 : f32
    %div3A_22 = vector.broadcast %div3A : f32 to vector<256x1xf32>
    %div3A_23 = arith.divf %div3A_22, %broadcast_in_dim3A_21 : vector<256x1xf32>
    %mul3A_24 = vector.broadcast %div3A_23 : vector<256x1xf32> to vector<256x1536xf32>
    %mul3A_25 = arith.mulf %exp3A, %mul3A_24 : vector<256x1536xf32>
    %convert_element_type3A = arith.truncf %mul3A_25 : vector<256x1536xf32> to vector<256x1536xbf16>
    %get3A_26 = arith.constant 0 : index
    %get3A_27 = arith.constant 0 : index
    %get3A_28 = vector.load %arg3[%get3A_26, %get3A_27] : memref<1536x768xbf16, #tpu.memory_space<vmem>>, vector<1536x64xbf16>
    %dot_general3A_29 = arith.constant dense<0.000000e+00> : vector<256x64xf32>
    %dot_general3A_30 = tpu.matmul %convert_element_type3A, %get3A_28, %dot_general3A_29 {dimension_numbers = #tpu.dot_dimension_numbers<[1], [0], [0], [1], [0, 0, 1, 1], [], []>, transpose_lhs_hint = false} : vector<256x1536xbf16>, vector<1536x64xbf16>, vector<256x64xf32> -> vector<256x64xf32>
    %convert_element_type3A_31 = arith.truncf %dot_general3A_30 : vector<256x64xf32> to vector<256x64xbf16>
    %swap3A = arith.constant 0 : index
    %swap3A_32 = arith.constant 0 : index
    %swap3A_33 = vector.load %arg4[%swap3A, %swap3A_32] : memref<256x768xbf16, #tpu.memory_space<vmem>>, vector<256x64xbf16>
    tpu.vector_store %arg4[%swap3A, %swap3A_32], %convert_element_type3A_31 {strides = array<i32>} : memref<256x768xbf16, #tpu.memory_space<vmem>>, vector<256x64xbf16>,
    %slice3A_34 = vector.extract_strided_slice %mul3A_11 {offsets = [0, 64], sizes = [256, 64], strides = [1, 1]} : vector<256x768xbf16> to vector<256x64xbf16>
    %get3A_35 = arith.constant 0 : index
    %get3A_36 = arith.constant 64 : index
    %get3A_37 = vector.load %arg2[%get3A_35, %get3A_36] : memref<1536x768xbf16, #tpu.memory_space<vmem>>, vector<1536x64xbf16>
    %dot_general3A_38 = arith.constant dense<0.000000e+00> : vector<256x1536xf32>
    %dot_general3A_39 = tpu.matmul %slice3A_34, %get3A_37, %dot_general3A_38 {dimension_numbers = #tpu.dot_dimension_numbers<[1], [1], [0], [0], [0, 0, 1, 0], [], []>, transpose_lhs_hint = false} : vector<256x64xbf16>, vector<1536x64xbf16>, vector<256x1536xf32> -> vector<256x1536xf32>
    %add3A_40 = arith.addf %dot_general3A_39, %select_n3A : vector<256x1536xf32>
    %reduce_max3A_41 = arith.constant dense<0xFF800000> : vector<256xf32>
    %reduce_max3A_42 = vector.multi_reduction <maximumf>, %add3A_40, %reduce_max3A_41 [1] : vector<256x1536xf32> to vector<256xf32>
    %broadcast_in_dim3A_43 = vector.shape_cast %reduce_max3A_42 : vector<256xf32> to vector<256x1xf32>
    %sub3A_44 = vector.broadcast %broadcast_in_dim3A_43 : vector<256x1xf32> to vector<256x1536xf32>
    %sub3A_45 = arith.subf %add3A_40, %sub3A_44 : vector<256x1536xf32>
    %exp3A_46 = math.exp %sub3A_45 : vector<256x1536xf32>
    %reduce_sum3A_47 = arith.constant dense<0.000000e+00> : vector<256xf32>
    %reduce_sum3A_48 = vector.multi_reduction <add>, %exp3A_46, %reduce_sum3A_47 [1] : vector<256x1536xf32> to vector<256xf32>
    %broadcast_in_dim3A_49 = vector.shape_cast %reduce_sum3A_48 : vector<256xf32> to vector<256x1xf32>
    %div3A_50 = arith.constant 1.000000e+00 : f32
    %div3A_51 = vector.broadcast %div3A_50 : f32 to vector<256x1xf32>
    %div3A_52 = arith.divf %div3A_51, %broadcast_in_dim3A_49 : vector<256x1xf32>
    %mul3A_53 = vector.broadcast %div3A_52 : vector<256x1xf32> to vector<256x1536xf32>
    %mul3A_54 = arith.mulf %exp3A_46, %mul3A_53 : vector<256x1536xf32>
    %convert_element_type3A_55 = arith.truncf %mul3A_54 : vector<256x1536xf32> to vector<256x1536xbf16>
    %get3A_56 = arith.constant 0 : index
    %get3A_57 = arith.constant 64 : index
    %get3A_58 = vector.load %arg3[%get3A_56, %get3A_57] : memref<1536x768xbf16, #tpu.memory_space<vmem>>, vector<1536x64xbf16>
    %dot_general3A_59 = arith.constant dense<0.000000e+00> : vector<256x64xf32>
    %dot_general3A_60 = tpu.matmul %convert_element_type3A_55, %get3A_58, %dot_general3A_59 {dimension_numbers = #tpu.dot_dimension_numbers<[1], [0], [0], [1], [0, 0, 1, 1], [], []>, transpose_lhs_hint = false} : vector<256x1536xbf16>, vector<1536x64xbf16>, vector<256x64xf32> -> vector<256x64xf32>
    %convert_element_type3A_61 = arith.truncf %dot_general3A_60 : vector<256x64xf32> to vector<256x64xbf16>
    %swap3A_62 = arith.constant 0 : index
    %swap3A_63 = arith.constant 64 : index
    %swap3A_64 = vector.load %arg4[%swap3A_62, %swap3A_63] : memref<256x768xbf16, #tpu.memory_space<vmem>>, vector<256x64xbf16>
    tpu.vector_store %arg4[%swap3A_62, %swap3A_63], %convert_element_type3A_61 {strides = array<i32>} : memref<256x768xbf16, #tpu.memory_space<vmem>>, vector<256x64xbf16>,
    %slice3A_65 = vector.extract_strided_slice %mul3A_11 {offsets = [0, 128], sizes = [256, 64], strides = [1, 1]} : vector<256x768xbf16> to vector<256x64xbf16>
    %get3A_66 = arith.constant 0 : index
    %get3A_67 = arith.constant 128 : index
    %get3A_68 = vector.load %arg2[%get3A_66, %get3A_67] : memref<1536x768xbf16, #tpu.memory_space<vmem>>, vector<1536x64xbf16>
    %dot_general3A_69 = arith.constant dense<0.000000e+00> : vector<256x1536xf32>
    %dot_general3A_70 = tpu.matmul %slice3A_65, %get3A_68, %dot_general3A_69 {dimension_numbers = #tpu.dot_dimension_numbers<[1], [1], [0], [0], [0, 0, 1, 0], [], []>, transpose_lhs_hint = false} : vector<256x64xbf16>, vector<1536x64xbf16>, vector<256x1536xf32> -> vector<256x1536xf32>
    %add3A_71 = arith.addf %dot_general3A_70, %select_n3A : vector<256x1536xf32>
    %reduce_max3A_72 = arith.constant dense<0xFF800000> : vector<256xf32>
    %reduce_max3A_73 = vector.multi_reduction <maximumf>, %add3A_71, %reduce_max3A_72 [1] : vector<256x1536xf32> to vector<256xf32>
    %broadcast_in_dim3A_74 = vector.shape_cast %reduce_max3A_73 : vector<256xf32> to vector<256x1xf32>
    %sub3A_75 = vector.broadcast %broadcast_in_dim3A_74 : vector<256x1xf32> to vector<256x1536xf32>
    %sub3A_76 = arith.subf %add3A_71, %sub3A_75 : vector<256x1536xf32>
    %exp3A_77 = math.exp %sub3A_76 : vector<256x1536xf32>
    %reduce_sum3A_78 = arith.constant dense<0.000000e+00> : vector<256xf32>
    %reduce_sum3A_79 = vector.multi_reduction <add>, %exp3A_77, %reduce_sum3A_78 [1] : vector<256x1536xf32> to vector<256xf32>
    %broadcast_in_dim3A_80 = vector.shape_cast %reduce_sum3A_79 : vector<256xf32> to vector<256x1xf32>
    %div3A_81 = arith.constant 1.000000e+00 : f32
    %div3A_82 = vector.broadcast %div3A_81 : f32 to vector<256x1xf32>
    %div3A_83 = arith.divf %div3A_82, %broadcast_in_dim3A_80 : vector<256x1xf32>
    %mul3A_84 = vector.broadcast %div3A_83 : vector<256x1xf32> to vector<256x1536xf32>
    %mul3A_85 = arith.mulf %exp3A_77, %mul3A_84 : vector<256x1536xf32>
    %convert_element_type3A_86 = arith.truncf %mul3A_85 : vector<256x1536xf32> to vector<256x1536xbf16>
    %get3A_87 = arith.constant 0 : index
    %get3A_88 = arith.constant 128 : index
    %get3A_89 = vector.load %arg3[%get3A_87, %get3A_88] : memref<1536x768xbf16, #tpu.memory_space<vmem>>, vector<1536x64xbf16>
    %dot_general3A_90 = arith.constant dense<0.000000e+00> : vector<256x64xf32>
    %dot_general3A_91 = tpu.matmul %convert_element_type3A_86, %get3A_89, %dot_general3A_90 {dimension_numbers = #tpu.dot_dimension_numbers<[1], [0], [0], [1], [0, 0, 1, 1], [], []>, transpose_lhs_hint = false} : vector<256x1536xbf16>, vector<1536x64xbf16>, vector<256x64xf32> -> vector<256x64xf32>
    %convert_element_type3A_92 = arith.truncf %dot_general3A_91 : vector<256x64xf32> to vector<256x64xbf16>
    %swap3A_93 = arith.constant 0 : index
    %swap3A_94 = arith.constant 128 : index
    %swap3A_95 = vector.load %arg4[%swap3A_93, %swap3A_94] : memref<256x768xbf16, #tpu.memory_space<vmem>>, vector<256x64xbf16>
    tpu.vector_store %arg4[%swap3A_93, %swap3A_94], %convert_element_type3A_92 {strides = array<i32>} : memref<256x768xbf16, #tpu.memory_space<vmem>>, vector<256x64xbf16>,
    %slice3A_96 = vector.extract_strided_slice %mul3A_11 {offsets = [0, 192], sizes = [256, 64], strides = [1, 1]} : vector<256x768xbf16> to vector<256x64xbf16>
    %get3A_97 = arith.constant 0 : index
    %get3A_98 = arith.constant 192 : index
    %get3A_99 = vector.load %arg2[%get3A_97, %get3A_98] : memref<1536x768xbf16, #tpu.memory_space<vmem>>, vector<1536x64xbf16>
    %dot_general3A_100 = arith.constant dense<0.000000e+00> : vector<256x1536xf32>
    %dot_general3A_101 = tpu.matmul %slice3A_96, %get3A_99, %dot_general3A_100 {dimension_numbers = #tpu.dot_dimension_numbers<[1], [1], [0], [0], [0, 0, 1, 0], [], []>, transpose_lhs_hint = false} : vector<256x64xbf16>, vector<1536x64xbf16>, vector<256x1536xf32> -> vector<256x1536xf32>
    %add3A_102 = arith.addf %dot_general3A_101, %select_n3A : vector<256x1536xf32>
    %reduce_max3A_103 = arith.constant dense<0xFF800000> : vector<256xf32>
    %reduce_max3A_104 = vector.multi_reduction <maximumf>, %add3A_102, %reduce_max3A_103 [1] : vector<256x1536xf32> to vector<256xf32>
    %broadcast_in_dim3A_105 = vector.shape_cast %reduce_max3A_104 : vector<256xf32> to vector<256x1xf32>
    %sub3A_106 = vector.broadcast %broadcast_in_dim3A_105 : vector<256x1xf32> to vector<256x1536xf32>
    %sub3A_107 = arith.subf %add3A_102, %sub3A_106 : vector<256x1536xf32>
    %exp3A_108 = math.exp %sub3A_107 : vector<256x1536xf32>
    %reduce_sum3A_109 = arith.constant dense<0.000000e+00> : vector<256xf32>
    %reduce_sum3A_110 = vector.multi_reduction <add>, %exp3A_108, %reduce_sum3A_109 [1] : vector<256x1536xf32> to vector<256xf32>
    %broadcast_in_dim3A_111 = vector.shape_cast %reduce_sum3A_110 : vector<256xf32> to vector<256x1xf32>
    %div3A_112 = arith.constant 1.000000e+00 : f32
    %div3A_113 = vector.broadcast %div3A_112 : f32 to vector<256x1xf32>
    %div3A_114 = arith.divf %div3A_113, %broadcast_in_dim3A_111 : vector<256x1xf32>
    %mul3A_115 = vector.broadcast %div3A_114 : vector<256x1xf32> to vector<256x1536xf32>
    %mul3A_116 = arith.mulf %exp3A_108, %mul3A_115 : vector<256x1536xf32>
    %convert_element_type3A_117 = arith.truncf %mul3A_116 : vector<256x1536xf32> to vector<256x1536xbf16>
    %get3A_118 = arith.constant 0 : index
    %get3A_119 = arith.constant 192 : index
    %get3A_120 = vector.load %arg3[%get3A_118, %get3A_119] : memref<1536x768xbf16, #tpu.memory_space<vmem>>, vector<1536x64xbf16>
    %dot_general3A_121 = arith.constant dense<0.000000e+00> : vector<256x64xf32>
    %dot_general3A_122 = tpu.matmul %convert_element_type3A_117, %get3A_120, %dot_general3A_121 {dimension_numbers = #tpu.dot_dimension_numbers<[1], [0], [0], [1], [0, 0, 1, 1], [], []>, transpose_lhs_hint = false} : vector<256x1536xbf16>, vector<1536x64xbf16>, vector<256x64xf32> -> vector<256x64xf32>
    %convert_element_type3A_123 = arith.truncf %dot_general3A_122 : vector<256x64xf32> to vector<256x64xbf16>
    %swap3A_124 = arith.constant 0 : index
    %swap3A_125 = arith.constant 192 : index
    %swap3A_126 = vector.load %arg4[%swap3A_124, %swap3A_125] : memref<256x768xbf16, #tpu.memory_space<vmem>>, vector<256x64xbf16>
    tpu.vector_store %arg4[%swap3A_124, %swap3A_125], %convert_element_type3A_123 {strides = array<i32>} : memref<256x768xbf16, #tpu.memory_space<vmem>>, vector<256x64xbf16>,
    %slice3A_127 = vector.extract_strided_slice %mul3A_11 {offsets = [0, 256], sizes = [256, 64], strides = [1, 1]} : vector<256x768xbf16> to vector<256x64xbf16>
    %get3A_128 = arith.constant 0 : index
    %get3A_129 = arith.constant 256 : index
    %get3A_130 = vector.load %arg2[%get3A_128, %get3A_129] : memref<1536x768xbf16, #tpu.memory_space<vmem>>, vector<1536x64xbf16>
    %dot_general3A_131 = arith.constant dense<0.000000e+00> : vector<256x1536xf32>
    %dot_general3A_132 = tpu.matmul %slice3A_127, %get3A_130, %dot_general3A_131 {dimension_numbers = #tpu.dot_dimension_numbers<[1], [1], [0], [0], [0, 0, 1, 0], [], []>, transpose_lhs_hint = false} : vector<256x64xbf16>, vector<1536x64xbf16>, vector<256x1536xf32> -> vector<256x1536xf32>
    %add3A_133 = arith.addf %dot_general3A_132, %select_n3A : vector<256x1536xf32>
    %reduce_max3A_134 = arith.constant dense<0xFF800000> : vector<256xf32>
    %reduce_max3A_135 = vector.multi_reduction <maximumf>, %add3A_133, %reduce_max3A_134 [1] : vector<256x1536xf32> to vector<256xf32>
    %broadcast_in_dim3A_136 = vector.shape_cast %reduce_max3A_135 : vector<256xf32> to vector<256x1xf32>
    %sub3A_137 = vector.broadcast %broadcast_in_dim3A_136 : vector<256x1xf32> to vector<256x1536xf32>
    %sub3A_138 = arith.subf %add3A_133, %sub3A_137 : vector<256x1536xf32>
    %exp3A_139 = math.exp %sub3A_138 : vector<256x1536xf32>
    %reduce_sum3A_140 = arith.constant dense<0.000000e+00> : vector<256xf32>
    %reduce_sum3A_141 = vector.multi_reduction <add>, %exp3A_139, %reduce_sum3A_140 [1] : vector<256x1536xf32> to vector<256xf32>
    %broadcast_in_dim3A_142 = vector.shape_cast %reduce_sum3A_141 : vector<256xf32> to vector<256x1xf32>
    %div3A_143 = arith.constant 1.000000e+00 : f32
    %div3A_144 = vector.broadcast %div3A_143 : f32 to vector<256x1xf32>
    %div3A_145 = arith.divf %div3A_144, %broadcast_in_dim3A_142 : vector<256x1xf32>
    %mul3A_146 = vector.broadcast %div3A_145 : vector<256x1xf32> to vector<256x1536xf32>
    %mul3A_147 = arith.mulf %exp3A_139, %mul3A_146 : vector<256x1536xf32>
    %convert_element_type3A_148 = arith.truncf %mul3A_147 : vector<256x1536xf32> to vector<256x1536xbf16>
    %get3A_149 = arith.constant 0 : index
    %get3A_150 = arith.constant 256 : index
    %get3A_151 = vector.load %arg3[%get3A_149, %get3A_150] : memref<1536x768xbf16, #tpu.memory_space<vmem>>, vector<1536x64xbf16>
    %dot_general3A_152 = arith.constant dense<0.000000e+00> : vector<256x64xf32>
    %dot_general3A_153 = tpu.matmul %convert_element_type3A_148, %get3A_151, %dot_general3A_152 {dimension_numbers = #tpu.dot_dimension_numbers<[1], [0], [0], [1], [0, 0, 1, 1], [], []>, transpose_lhs_hint = false} : vector<256x1536xbf16>, vector<1536x64xbf16>, vector<256x64xf32> -> vector<256x64xf32>
    %convert_element_type3A_154 = arith.truncf %dot_general3A_153 : vector<256x64xf32> to vector<256x64xbf16>
    %swap3A_155 = arith.constant 0 : index
    %swap3A_156 = arith.constant 256 : index
    %swap3A_157 = vector.load %arg4[%swap3A_155, %swap3A_156] : memref<256x768xbf16, #tpu.memory_space<vmem>>, vector<256x64xbf16>
    tpu.vector_store %arg4[%swap3A_155, %swap3A_156], %convert_element_type3A_154 {strides = array<i32>} : memref<256x768xbf16, #tpu.memory_space<vmem>>, vector<256x64xbf16>,
    %slice3A_158 = vector.extract_strided_slice %mul3A_11 {offsets = [0, 320], sizes = [256, 64], strides = [1, 1]} : vector<256x768xbf16> to vector<256x64xbf16>
    %get3A_159 = arith.constant 0 : index
    %get3A_160 = arith.constant 320 : index
    %get3A_161 = vector.load %arg2[%get3A_159, %get3A_160] : memref<1536x768xbf16, #tpu.memory_space<vmem>>, vector<1536x64xbf16>
    %dot_general3A_162 = arith.constant dense<0.000000e+00> : vector<256x1536xf32>
    %dot_general3A_163 = tpu.matmul %slice3A_158, %get3A_161, %dot_general3A_162 {dimension_numbers = #tpu.dot_dimension_numbers<[1], [1], [0], [0], [0, 0, 1, 0], [], []>, transpose_lhs_hint = false} : vector<256x64xbf16>, vector<1536x64xbf16>, vector<256x1536xf32> -> vector<256x1536xf32>
    %add3A_164 = arith.addf %dot_general3A_163, %select_n3A : vector<256x1536xf32>
    %reduce_max3A_165 = arith.constant dense<0xFF800000> : vector<256xf32>
    %reduce_max3A_166 = vector.multi_reduction <maximumf>, %add3A_164, %reduce_max3A_165 [1] : vector<256x1536xf32> to vector<256xf32>
    %broadcast_in_dim3A_167 = vector.shape_cast %reduce_max3A_166 : vector<256xf32> to vector<256x1xf32>
    %sub3A_168 = vector.broadcast %broadcast_in_dim3A_167 : vector<256x1xf32> to vector<256x1536xf32>
    %sub3A_169 = arith.subf %add3A_164, %sub3A_168 : vector<256x1536xf32>
    %exp3A_170 = math.exp %sub3A_169 : vector<256x1536xf32>
    %reduce_sum3A_171 = arith.constant dense<0.000000e+00> : vector<256xf32>
    %reduce_sum3A_172 = vector.multi_reduction <add>, %exp3A_170, %reduce_sum3A_171 [1] : vector<256x1536xf32> to vector<256xf32>
    %broadcast_in_dim3A_173 = vector.shape_cast %reduce_sum3A_172 : vector<256xf32> to vector<256x1xf32>
    %div3A_174 = arith.constant 1.000000e+00 : f32
    %div3A_175 = vector.broadcast %div3A_174 : f32 to vector<256x1xf32>
    %div3A_176 = arith.divf %div3A_175, %broadcast_in_dim3A_173 : vector<256x1xf32>
    %mul3A_177 = vector.broadcast %div3A_176 : vector<256x1xf32> to vector<256x1536xf32>
    %mul3A_178 = arith.mulf %exp3A_170, %mul3A_177 : vector<256x1536xf32>
    %convert_element_type3A_179 = arith.truncf %mul3A_178 : vector<256x1536xf32> to vector<256x1536xbf16>
    %get3A_180 = arith.constant 0 : index
    %get3A_181 = arith.constant 320 : index
    %get3A_182 = vector.load %arg3[%get3A_180, %get3A_181] : memref<1536x768xbf16, #tpu.memory_space<vmem>>, vector<1536x64xbf16>
    %dot_general3A_183 = arith.constant dense<0.000000e+00> : vector<256x64xf32>
    %dot_general3A_184 = tpu.matmul %convert_element_type3A_179, %get3A_182, %dot_general3A_183 {dimension_numbers = #tpu.dot_dimension_numbers<[1], [0], [0], [1], [0, 0, 1, 1], [], []>, transpose_lhs_hint = false} : vector<256x1536xbf16>, vector<1536x64xbf16>, vector<256x64xf32> -> vector<256x64xf32>
    %convert_element_type3A_185 = arith.truncf %dot_general3A_184 : vector<256x64xf32> to vector<256x64xbf16>
    %swap3A_186 = arith.constant 0 : index
    %swap3A_187 = arith.constant 320 : index
    %swap3A_188 = vector.load %arg4[%swap3A_186, %swap3A_187] : memref<256x768xbf16, #tpu.memory_space<vmem>>, vector<256x64xbf16>
    tpu.vector_store %arg4[%swap3A_186, %swap3A_187], %convert_element_type3A_185 {strides = array<i32>} : memref<256x768xbf16, #tpu.memory_space<vmem>>, vector<256x64xbf16>,
    %slice3A_189 = vector.extract_strided_slice %mul3A_11 {offsets = [0, 384], sizes = [256, 64], strides = [1, 1]} : vector<256x768xbf16> to vector<256x64xbf16>
    %get3A_190 = arith.constant 0 : index
    %get3A_191 = arith.constant 384 : index
    %get3A_192 = vector.load %arg2[%get3A_190, %get3A_191] : memref<1536x768xbf16, #tpu.memory_space<vmem>>, vector<1536x64xbf16>
    %dot_general3A_193 = arith.constant dense<0.000000e+00> : vector<256x1536xf32>
    %dot_general3A_194 = tpu.matmul %slice3A_189, %get3A_192, %dot_general3A_193 {dimension_numbers = #tpu.dot_dimension_numbers<[1], [1], [0], [0], [0, 0, 1, 0], [], []>, transpose_lhs_hint = false} : vector<256x64xbf16>, vector<1536x64xbf16>, vector<256x1536xf32> -> vector<256x1536xf32>
    %add3A_195 = arith.addf %dot_general3A_194, %select_n3A : vector<256x1536xf32>
    %reduce_max3A_196 = arith.constant dense<0xFF800000> : vector<256xf32>
    %reduce_max3A_197 = vector.multi_reduction <maximumf>, %add3A_195, %reduce_max3A_196 [1] : vector<256x1536xf32> to vector<256xf32>
    %broadcast_in_dim3A_198 = vector.shape_cast %reduce_max3A_197 : vector<256xf32> to vector<256x1xf32>
    %sub3A_199 = vector.broadcast %broadcast_in_dim3A_198 : vector<256x1xf32> to vector<256x1536xf32>
    %sub3A_200 = arith.subf %add3A_195, %sub3A_199 : vector<256x1536xf32>
    %exp3A_201 = math.exp %sub3A_200 : vector<256x1536xf32>
    %reduce_sum3A_202 = arith.constant dense<0.000000e+00> : vector<256xf32>
    %reduce_sum3A_203 = vector.multi_reduction <add>, %exp3A_201, %reduce_sum3A_202 [1] : vector<256x1536xf32> to vector<256xf32>
    %broadcast_in_dim3A_204 = vector.shape_cast %reduce_sum3A_203 : vector<256xf32> to vector<256x1xf32>
    %div3A_205 = arith.constant 1.000000e+00 : f32
    %div3A_206 = vector.broadcast %div3A_205 : f32 to vector<256x1xf32>
    %div3A_207 = arith.divf %div3A_206, %broadcast_in_dim3A_204 : vector<256x1xf32>
    %mul3A_208 = vector.broadcast %div3A_207 : vector<256x1xf32> to vector<256x1536xf32>
    %mul3A_209 = arith.mulf %exp3A_201, %mul3A_208 : vector<256x1536xf32>
    %convert_element_type3A_210 = arith.truncf %mul3A_209 : vector<256x1536xf32> to vector<256x1536xbf16>
    %get3A_211 = arith.constant 0 : index
    %get3A_212 = arith.constant 384 : index
    %get3A_213 = vector.load %arg3[%get3A_211, %get3A_212] : memref<1536x768xbf16, #tpu.memory_space<vmem>>, vector<1536x64xbf16>
    %dot_general3A_214 = arith.constant dense<0.000000e+00> : vector<256x64xf32>
    %dot_general3A_215 = tpu.matmul %convert_element_type3A_210, %get3A_213, %dot_general3A_214 {dimension_numbers = #tpu.dot_dimension_numbers<[1], [0], [0], [1], [0, 0, 1, 1], [], []>, transpose_lhs_hint = false} : vector<256x1536xbf16>, vector<1536x64xbf16>, vector<256x64xf32> -> vector<256x64xf32>
    %convert_element_type3A_216 = arith.truncf %dot_general3A_215 : vector<256x64xf32> to vector<256x64xbf16>
    %swap3A_217 = arith.constant 0 : index
    %swap3A_218 = arith.constant 384 : index
    %swap3A_219 = vector.load %arg4[%swap3A_217, %swap3A_218] : memref<256x768xbf16, #tpu.memory_space<vmem>>, vector<256x64xbf16>
    tpu.vector_store %arg4[%swap3A_217, %swap3A_218], %convert_element_type3A_216 {strides = array<i32>} : memref<256x768xbf16, #tpu.memory_space<vmem>>, vector<256x64xbf16>,
    %slice3A_220 = vector.extract_strided_slice %mul3A_11 {offsets = [0, 448], sizes = [256, 64], strides = [1, 1]} : vector<256x768xbf16> to vector<256x64xbf16>
    %get3A_221 = arith.constant 0 : index
    %get3A_222 = arith.constant 448 : index
    %get3A_223 = vector.load %arg2[%get3A_221, %get3A_222] : memref<1536x768xbf16, #tpu.memory_space<vmem>>, vector<1536x64xbf16>
    %dot_general3A_224 = arith.constant dense<0.000000e+00> : vector<256x1536xf32>
    %dot_general3A_225 = tpu.matmul %slice3A_220, %get3A_223, %dot_general3A_224 {dimension_numbers = #tpu.dot_dimension_numbers<[1], [1], [0], [0], [0, 0, 1, 0], [], []>, transpose_lhs_hint = false} : vector<256x64xbf16>, vector<1536x64xbf16>, vector<256x1536xf32> -> vector<256x1536xf32>
    %add3A_226 = arith.addf %dot_general3A_225, %select_n3A : vector<256x1536xf32>
    %reduce_max3A_227 = arith.constant dense<0xFF800000> : vector<256xf32>
    %reduce_max3A_228 = vector.multi_reduction <maximumf>, %add3A_226, %reduce_max3A_227 [1] : vector<256x1536xf32> to vector<256xf32>
    %broadcast_in_dim3A_229 = vector.shape_cast %reduce_max3A_228 : vector<256xf32> to vector<256x1xf32>
    %sub3A_230 = vector.broadcast %broadcast_in_dim3A_229 : vector<256x1xf32> to vector<256x1536xf32>
    %sub3A_231 = arith.subf %add3A_226, %sub3A_230 : vector<256x1536xf32>
    %exp3A_232 = math.exp %sub3A_231 : vector<256x1536xf32>
    %reduce_sum3A_233 = arith.constant dense<0.000000e+00> : vector<256xf32>
    %reduce_sum3A_234 = vector.multi_reduction <add>, %exp3A_232, %reduce_sum3A_233 [1] : vector<256x1536xf32> to vector<256xf32>
    %broadcast_in_dim3A_235 = vector.shape_cast %reduce_sum3A_234 : vector<256xf32> to vector<256x1xf32>
    %div3A_236 = arith.constant 1.000000e+00 : f32
    %div3A_237 = vector.broadcast %div3A_236 : f32 to vector<256x1xf32>
    %div3A_238 = arith.divf %div3A_237, %broadcast_in_dim3A_235 : vector<256x1xf32>
    %mul3A_239 = vector.broadcast %div3A_238 : vector<256x1xf32> to vector<256x1536xf32>
    %mul3A_240 = arith.mulf %exp3A_232, %mul3A_239 : vector<256x1536xf32>
    %convert_element_type3A_241 = arith.truncf %mul3A_240 : vector<256x1536xf32> to vector<256x1536xbf16>
    %get3A_242 = arith.constant 0 : index
    %get3A_243 = arith.constant 448 : index
    %get3A_244 = vector.load %arg3[%get3A_242, %get3A_243] : memref<1536x768xbf16, #tpu.memory_space<vmem>>, vector<1536x64xbf16>
    %dot_general3A_245 = arith.constant dense<0.000000e+00> : vector<256x64xf32>
    %dot_general3A_246 = tpu.matmul %convert_element_type3A_241, %get3A_244, %dot_general3A_245 {dimension_numbers = #tpu.dot_dimension_numbers<[1], [0], [0], [1], [0, 0, 1, 1], [], []>, transpose_lhs_hint = false} : vector<256x1536xbf16>, vector<1536x64xbf16>, vector<256x64xf32> -> vector<256x64xf32>
    %convert_element_type3A_247 = arith.truncf %dot_general3A_246 : vector<256x64xf32> to vector<256x64xbf16>
    %swap3A_248 = arith.constant 0 : index
    %swap3A_249 = arith.constant 448 : index
    %swap3A_250 = vector.load %arg4[%swap3A_248, %swap3A_249] : memref<256x768xbf16, #tpu.memory_space<vmem>>, vector<256x64xbf16>
    tpu.vector_store %arg4[%swap3A_248, %swap3A_249], %convert_element_type3A_247 {strides = array<i32>} : memref<256x768xbf16, #tpu.memory_space<vmem>>, vector<256x64xbf16>,
    %slice3A_251 = vector.extract_strided_slice %mul3A_11 {offsets = [0, 512], sizes = [256, 64], strides = [1, 1]} : vector<256x768xbf16> to vector<256x64xbf16>
    %get3A_252 = arith.constant 0 : index
    %get3A_253 = arith.constant 512 : index
    %get3A_254 = vector.load %arg2[%get3A_252, %get3A_253] : memref<1536x768xbf16, #tpu.memory_space<vmem>>, vector<1536x64xbf16>
    %dot_general3A_255 = arith.constant dense<0.000000e+00> : vector<256x1536xf32>
    %dot_general3A_256 = tpu.matmul %slice3A_251, %get3A_254, %dot_general3A_255 {dimension_numbers = #tpu.dot_dimension_numbers<[1], [1], [0], [0], [0, 0, 1, 0], [], []>, transpose_lhs_hint = false} : vector<256x64xbf16>, vector<1536x64xbf16>, vector<256x1536xf32> -> vector<256x1536xf32>
    %add3A_257 = arith.addf %dot_general3A_256, %select_n3A : vector<256x1536xf32>
    %reduce_max3A_258 = arith.constant dense<0xFF800000> : vector<256xf32>
    %reduce_max3A_259 = vector.multi_reduction <maximumf>, %add3A_257, %reduce_max3A_258 [1] : vector<256x1536xf32> to vector<256xf32>
    %broadcast_in_dim3A_260 = vector.shape_cast %reduce_max3A_259 : vector<256xf32> to vector<256x1xf32>
    %sub3A_261 = vector.broadcast %broadcast_in_dim3A_260 : vector<256x1xf32> to vector<256x1536xf32>
    %sub3A_262 = arith.subf %add3A_257, %sub3A_261 : vector<256x1536xf32>
    %exp3A_263 = math.exp %sub3A_262 : vector<256x1536xf32>
    %reduce_sum3A_264 = arith.constant dense<0.000000e+00> : vector<256xf32>
    %reduce_sum3A_265 = vector.multi_reduction <add>, %exp3A_263, %reduce_sum3A_264 [1] : vector<256x1536xf32> to vector<256xf32>
    %broadcast_in_dim3A_266 = vector.shape_cast %reduce_sum3A_265 : vector<256xf32> to vector<256x1xf32>
    %div3A_267 = arith.constant 1.000000e+00 : f32
    %div3A_268 = vector.broadcast %div3A_267 : f32 to vector<256x1xf32>
    %div3A_269 = arith.divf %div3A_268, %broadcast_in_dim3A_266 : vector<256x1xf32>
    %mul3A_270 = vector.broadcast %div3A_269 : vector<256x1xf32> to vector<256x1536xf32>
    %mul3A_271 = arith.mulf %exp3A_263, %mul3A_270 : vector<256x1536xf32>
    %convert_element_type3A_272 = arith.truncf %mul3A_271 : vector<256x1536xf32> to vector<256x1536xbf16>
    %get3A_273 = arith.constant 0 : index
    %get3A_274 = arith.constant 512 : index
    %get3A_275 = vector.load %arg3[%get3A_273, %get3A_274] : memref<1536x768xbf16, #tpu.memory_space<vmem>>, vector<1536x64xbf16>
    %dot_general3A_276 = arith.constant dense<0.000000e+00> : vector<256x64xf32>
    %dot_general3A_277 = tpu.matmul %convert_element_type3A_272, %get3A_275, %dot_general3A_276 {dimension_numbers = #tpu.dot_dimension_numbers<[1], [0], [0], [1], [0, 0, 1, 1], [], []>, transpose_lhs_hint = false} : vector<256x1536xbf16>, vector<1536x64xbf16>, vector<256x64xf32> -> vector<256x64xf32>
    %convert_element_type3A_278 = arith.truncf %dot_general3A_277 : vector<256x64xf32> to vector<256x64xbf16>
    %swap3A_279 = arith.constant 0 : index
    %swap3A_280 = arith.constant 512 : index
    %swap3A_281 = vector.load %arg4[%swap3A_279, %swap3A_280] : memref<256x768xbf16, #tpu.memory_space<vmem>>, vector<256x64xbf16>
    tpu.vector_store %arg4[%swap3A_279, %swap3A_280], %convert_element_type3A_278 {strides = array<i32>} : memref<256x768xbf16, #tpu.memory_space<vmem>>, vector<256x64xbf16>,
    %slice3A_282 = vector.extract_strided_slice %mul3A_11 {offsets = [0, 576], sizes = [256, 64], strides = [1, 1]} : vector<256x768xbf16> to vector<256x64xbf16>
    %get3A_283 = arith.constant 0 : index
    %get3A_284 = arith.constant 576 : index
    %get3A_285 = vector.load %arg2[%get3A_283, %get3A_284] : memref<1536x768xbf16, #tpu.memory_space<vmem>>, vector<1536x64xbf16>
    %dot_general3A_286 = arith.constant dense<0.000000e+00> : vector<256x1536xf32>
    %dot_general3A_287 = tpu.matmul %slice3A_282, %get3A_285, %dot_general3A_286 {dimension_numbers = #tpu.dot_dimension_numbers<[1], [1], [0], [0], [0, 0, 1, 0], [], []>, transpose_lhs_hint = false} : vector<256x64xbf16>, vector<1536x64xbf16>, vector<256x1536xf32> -> vector<256x1536xf32>
    %add3A_288 = arith.addf %dot_general3A_287, %select_n3A : vector<256x1536xf32>
    %reduce_max3A_289 = arith.constant dense<0xFF800000> : vector<256xf32>
    %reduce_max3A_290 = vector.multi_reduction <maximumf>, %add3A_288, %reduce_max3A_289 [1] : vector<256x1536xf32> to vector<256xf32>
    %broadcast_in_dim3A_291 = vector.shape_cast %reduce_max3A_290 : vector<256xf32> to vector<256x1xf32>
    %sub3A_292 = vector.broadcast %broadcast_in_dim3A_291 : vector<256x1xf32> to vector<256x1536xf32>
    %sub3A_293 = arith.subf %add3A_288, %sub3A_292 : vector<256x1536xf32>
    %exp3A_294 = math.exp %sub3A_293 : vector<256x1536xf32>
    %reduce_sum3A_295 = arith.constant dense<0.000000e+00> : vector<256xf32>
    %reduce_sum3A_296 = vector.multi_reduction <add>, %exp3A_294, %reduce_sum3A_295 [1] : vector<256x1536xf32> to vector<256xf32>
    %broadcast_in_dim3A_297 = vector.shape_cast %reduce_sum3A_296 : vector<256xf32> to vector<256x1xf32>
    %div3A_298 = arith.constant 1.000000e+00 : f32
    %div3A_299 = vector.broadcast %div3A_298 : f32 to vector<256x1xf32>
    %div3A_300 = arith.divf %div3A_299, %broadcast_in_dim3A_297 : vector<256x1xf32>
    %mul3A_301 = vector.broadcast %div3A_300 : vector<256x1xf32> to vector<256x1536xf32>
    %mul3A_302 = arith.mulf %exp3A_294, %mul3A_301 : vector<256x1536xf32>
    %convert_element_type3A_303 = arith.truncf %mul3A_302 : vector<256x1536xf32> to vector<256x1536xbf16>
    %get3A_304 = arith.constant 0 : index
    %get3A_305 = arith.constant 576 : index
    %get3A_306 = vector.load %arg3[%get3A_304, %get3A_305] : memref<1536x768xbf16, #tpu.memory_space<vmem>>, vector<1536x64xbf16>
    %dot_general3A_307 = arith.constant dense<0.000000e+00> : vector<256x64xf32>
    %dot_general3A_308 = tpu.matmul %convert_element_type3A_303, %get3A_306, %dot_general3A_307 {dimension_numbers = #tpu.dot_dimension_numbers<[1], [0], [0], [1], [0, 0, 1, 1], [], []>, transpose_lhs_hint = false} : vector<256x1536xbf16>, vector<1536x64xbf16>, vector<256x64xf32> -> vector<256x64xf32>
    %convert_element_type3A_309 = arith.truncf %dot_general3A_308 : vector<256x64xf32> to vector<256x64xbf16>
    %swap3A_310 = arith.constant 0 : index
    %swap3A_311 = arith.constant 576 : index
    %swap3A_312 = vector.load %arg4[%swap3A_310, %swap3A_311] : memref<256x768xbf16, #tpu.memory_space<vmem>>, vector<256x64xbf16>
    tpu.vector_store %arg4[%swap3A_310, %swap3A_311], %convert_element_type3A_309 {strides = array<i32>} : memref<256x768xbf16, #tpu.memory_space<vmem>>, vector<256x64xbf16>,
    %slice3A_313 = vector.extract_strided_slice %mul3A_11 {offsets = [0, 640], sizes = [256, 64], strides = [1, 1]} : vector<256x768xbf16> to vector<256x64xbf16>
    %get3A_314 = arith.constant 0 : index
    %get3A_315 = arith.constant 640 : index
    %get3A_316 = vector.load %arg2[%get3A_314, %get3A_315] : memref<1536x768xbf16, #tpu.memory_space<vmem>>, vector<1536x64xbf16>
    %dot_general3A_317 = arith.constant dense<0.000000e+00> : vector<256x1536xf32>
    %dot_general3A_318 = tpu.matmul %slice3A_313, %get3A_316, %dot_general3A_317 {dimension_numbers = #tpu.dot_dimension_numbers<[1], [1], [0], [0], [0, 0, 1, 0], [], []>, transpose_lhs_hint = false} : vector<256x64xbf16>, vector<1536x64xbf16>, vector<256x1536xf32> -> vector<256x1536xf32>
    %add3A_319 = arith.addf %dot_general3A_318, %select_n3A : vector<256x1536xf32>
    %reduce_max3A_320 = arith.constant dense<0xFF800000> : vector<256xf32>
    %reduce_max3A_321 = vector.multi_reduction <maximumf>, %add3A_319, %reduce_max3A_320 [1] : vector<256x1536xf32> to vector<256xf32>
    %broadcast_in_dim3A_322 = vector.shape_cast %reduce_max3A_321 : vector<256xf32> to vector<256x1xf32>
    %sub3A_323 = vector.broadcast %broadcast_in_dim3A_322 : vector<256x1xf32> to vector<256x1536xf32>
    %sub3A_324 = arith.subf %add3A_319, %sub3A_323 : vector<256x1536xf32>
    %exp3A_325 = math.exp %sub3A_324 : vector<256x1536xf32>
    %reduce_sum3A_326 = arith.constant dense<0.000000e+00> : vector<256xf32>
    %reduce_sum3A_327 = vector.multi_reduction <add>, %exp3A_325, %reduce_sum3A_326 [1] : vector<256x1536xf32> to vector<256xf32>
    %broadcast_in_dim3A_328 = vector.shape_cast %reduce_sum3A_327 : vector<256xf32> to vector<256x1xf32>
    %div3A_329 = arith.constant 1.000000e+00 : f32
    %div3A_330 = vector.broadcast %div3A_329 : f32 to vector<256x1xf32>
    %div3A_331 = arith.divf %div3A_330, %broadcast_in_dim3A_328 : vector<256x1xf32>
    %mul3A_332 = vector.broadcast %div3A_331 : vector<256x1xf32> to vector<256x1536xf32>
    %mul3A_333 = arith.mulf %exp3A_325, %mul3A_332 : vector<256x1536xf32>
    %convert_element_type3A_334 = arith.truncf %mul3A_333 : vector<256x1536xf32> to vector<256x1536xbf16>
    %get3A_335 = arith.constant 0 : index
    %get3A_336 = arith.constant 640 : index
    %get3A_337 = vector.load %arg3[%get3A_335, %get3A_336] : memref<1536x768xbf16, #tpu.memory_space<vmem>>, vector<1536x64xbf16>
    %dot_general3A_338 = arith.constant dense<0.000000e+00> : vector<256x64xf32>
    %dot_general3A_339 = tpu.matmul %convert_element_type3A_334, %get3A_337, %dot_general3A_338 {dimension_numbers = #tpu.dot_dimension_numbers<[1], [0], [0], [1], [0, 0, 1, 1], [], []>, transpose_lhs_hint = false} : vector<256x1536xbf16>, vector<1536x64xbf16>, vector<256x64xf32> -> vector<256x64xf32>
    %convert_element_type3A_340 = arith.truncf %dot_general3A_339 : vector<256x64xf32> to vector<256x64xbf16>
    %swap3A_341 = arith.constant 0 : index
    %swap3A_342 = arith.constant 640 : index
    %swap3A_343 = vector.load %arg4[%swap3A_341, %swap3A_342] : memref<256x768xbf16, #tpu.memory_space<vmem>>, vector<256x64xbf16>
    tpu.vector_store %arg4[%swap3A_341, %swap3A_342], %convert_element_type3A_340 {strides = array<i32>} : memref<256x768xbf16, #tpu.memory_space<vmem>>, vector<256x64xbf16>,
    %slice3A_344 = vector.extract_strided_slice %mul3A_11 {offsets = [0, 704], sizes = [256, 64], strides = [1, 1]} : vector<256x768xbf16> to vector<256x64xbf16>
    %get3A_345 = arith.constant 0 : index
    %get3A_346 = arith.constant 704 : index
    %get3A_347 = vector.load %arg2[%get3A_345, %get3A_346] : memref<1536x768xbf16, #tpu.memory_space<vmem>>, vector<1536x64xbf16>
    %dot_general3A_348 = arith.constant dense<0.000000e+00> : vector<256x1536xf32>
    %dot_general3A_349 = tpu.matmul %slice3A_344, %get3A_347, %dot_general3A_348 {dimension_numbers = #tpu.dot_dimension_numbers<[1], [1], [0], [0], [0, 0, 1, 0], [], []>, transpose_lhs_hint = false} : vector<256x64xbf16>, vector<1536x64xbf16>, vector<256x1536xf32> -> vector<256x1536xf32>
    %add3A_350 = arith.addf %dot_general3A_349, %select_n3A : vector<256x1536xf32>
    %reduce_max3A_351 = arith.constant dense<0xFF800000> : vector<256xf32>
    %reduce_max3A_352 = vector.multi_reduction <maximumf>, %add3A_350, %reduce_max3A_351 [1] : vector<256x1536xf32> to vector<256xf32>
    %broadcast_in_dim3A_353 = vector.shape_cast %reduce_max3A_352 : vector<256xf32> to vector<256x1xf32>
    %sub3A_354 = vector.broadcast %broadcast_in_dim3A_353 : vector<256x1xf32> to vector<256x1536xf32>
    %sub3A_355 = arith.subf %add3A_350, %sub3A_354 : vector<256x1536xf32>
    %exp3A_356 = math.exp %sub3A_355 : vector<256x1536xf32>
    %reduce_sum3A_357 = arith.constant dense<0.000000e+00> : vector<256xf32>
    %reduce_sum3A_358 = vector.multi_reduction <add>, %exp3A_356, %reduce_sum3A_357 [1] : vector<256x1536xf32> to vector<256xf32>
    %broadcast_in_dim3A_359 = vector.shape_cast %reduce_sum3A_358 : vector<256xf32> to vector<256x1xf32>
    %div3A_360 = arith.constant 1.000000e+00 : f32
    %div3A_361 = vector.broadcast %div3A_360 : f32 to vector<256x1xf32>
    %div3A_362 = arith.divf %div3A_361, %broadcast_in_dim3A_359 : vector<256x1xf32>
    %mul3A_363 = vector.broadcast %div3A_362 : vector<256x1xf32> to vector<256x1536xf32>
    %mul3A_364 = arith.mulf %exp3A_356, %mul3A_363 : vector<256x1536xf32>
    %convert_element_type3A_365 = arith.truncf %mul3A_364 : vector<256x1536xf32> to vector<256x1536xbf16>
    %get3A_366 = arith.constant 0 : index
    %get3A_367 = arith.constant 704 : index
    %get3A_368 = vector.load %arg3[%get3A_366, %get3A_367] : memref<1536x768xbf16, #tpu.memory_space<vmem>>, vector<1536x64xbf16>
    %dot_general3A_369 = arith.constant dense<0.000000e+00> : vector<256x64xf32>
    %dot_general3A_370 = tpu.matmul %convert_element_type3A_365, %get3A_368, %dot_general3A_369 {dimension_numbers = #tpu.dot_dimension_numbers<[1], [0], [0], [1], [0, 0, 1, 1], [], []>, transpose_lhs_hint = false} : vector<256x1536xbf16>, vector<1536x64xbf16>, vector<256x64xf32> -> vector<256x64xf32>
    %convert_element_type3A_371 = arith.truncf %dot_general3A_370 : vector<256x64xf32> to vector<256x64xbf16>
    %swap3A_372 = arith.constant 0 : index
    %swap3A_373 = arith.constant 704 : index
    %swap3A_374 = vector.load %arg4[%swap3A_372, %swap3A_373] : memref<256x768xbf16, #tpu.memory_space<vmem>>, vector<256x64xbf16>
    tpu.vector_store %arg4[%swap3A_372, %swap3A_373], %convert_element_type3A_371 {strides = array<i32>} : memref<256x768xbf16, #tpu.memory_space<vmem>>, vector<256x64xbf16>,
    return
  }
  func.func @transform_0(%arg0: i32) -> (i32, i32) {
    %add3A = arith.constant 4 : i32
    %add3A_0 = arith.addi %add3A, %arg0 : i32
    %c0_i32 = arith.constant 0 : i32
    %c0_i32_1 = arith.constant 0 : i32
    return %add3A_0, %c0_i32 : i32, i32
  }
  func.func @transform_1(%arg0: i32) -> (i32, i32) {
    %c0_i32 = arith.constant 0 : i32
    %c0_i32_0 = arith.constant 0 : i32
    %c0_i32_1 = arith.constant 0 : i32
    return %c0_i32, %c0_i32_0 : i32, i32
  }
  func.func @transform_2(%arg0: i32) -> (i32, i32) {
    %c0_i32 = arith.constant 0 : i32
    %c0_i32_0 = arith.constant 0 : i32
    %c0_i32_1 = arith.constant 0 : i32
    return %c0_i32, %c0_i32_0 : i32, i32
  }
  func.func @transform_3(%arg0: i32) -> (i32, i32) {
    %c0_i32 = arith.constant 0 : i32
    %c0_i32_0 = arith.constant 0 : i32
    return %arg0, %c0_i32 : i32, i32
  }
}

module attributes {stable_mosaic.version = 14 : i64} {
  func.func @body(%arg0: i32, %arg1: memref<256x768xbf16, #tpu.memory_space<vmem>>, %arg2: memref<2048x768xbf16, #tpu.memory_space<vmem>>, %arg3: memref<2048x768xbf16, #tpu.memory_space<vmem>>, %arg4: memref<256x768xbf16, #tpu.memory_space<vmem>>) attributes {dimension_semantics = [#tpu.dimension_semantics<arbitrary>], iteration_bounds = array<i64: 2>, scalar_prefetch = 0 : i64, scratch_operands = 0 : i64, tpu.core_type = #tpu.core_type<tc>, window_params = [{transform_indices = @transform_0, window_bounds = array<i64: 256, 768>}, {pipeline_mode = #tpu.pipeline_mode<synchronous>, transform_indices = @transform_1, window_bounds = array<i64: 2048, 768>}, {pipeline_mode = #tpu.pipeline_mode<synchronous>, transform_indices = @transform_2, window_bounds = array<i64: 2048, 768>}, {transform_indices = @transform_3, window_bounds = array<i64: 256, 768>}]} {
    %add3A = arith.constant 6 : i32
    %add3A_0 = arith.addi %add3A, %arg0 : i32
    %mul3A = arith.constant 256 : i32
    %mul3A_1 = arith.muli %add3A_0, %mul3A : i32
    %iota3A = tpu.iota {dimensions = array<i32: 0>} : vector<256x2048xi32>
    %add3A_2 = vector.broadcast %mul3A_1 : i32 to vector<256x2048xi32>
    %add3A_3 = arith.addi %iota3A, %add3A_2 : vector<256x2048xi32>
    %iota3A_4 = tpu.iota {dimensions = array<i32: 1>} : vector<256x2048xi32>
    %gt3A = arith.cmpi sgt, %iota3A_4, %add3A_3 : vector<256x2048xi32>
    %jit3A = arith.constant 0xFF800000 : f32
    %jit3A_5 = arith.constant 0.000000e+00 : f32
    %broadcast_in_dim3A = vector.broadcast %jit3A : f32 to vector<256x2048xf32>
    %broadcast_in_dim3A_6 = vector.broadcast %jit3A_5 : f32 to vector<256x2048xf32>
    %select_n3A = arith.select %gt3A, %broadcast_in_dim3A, %broadcast_in_dim3A_6 : vector<256x2048xi1>, vector<256x2048xf32>
    %get3A = arith.constant 0 : index
    %get3A_7 = arith.constant 0 : index
    %get3A_8 = vector.load %arg1[%get3A, %get3A_7] : memref<256x768xbf16, #tpu.memory_space<vmem>>, vector<256x768xbf16>
    %mul3A_9 = arith.constant 1.250000e-01 : bf16
    %mul3A_10 = vector.broadcast %mul3A_9 : bf16 to vector<256x768xbf16>
    %mul3A_11 = arith.mulf %get3A_8, %mul3A_10 : vector<256x768xbf16>
    %slice3A = vector.extract_strided_slice %mul3A_11 {offsets = [0, 0], sizes = [256, 64], strides = [1, 1]} : vector<256x768xbf16> to vector<256x64xbf16>
    %get3A_12 = arith.constant 0 : index
    %get3A_13 = arith.constant 0 : index
    %get3A_14 = vector.load %arg2[%get3A_12, %get3A_13] : memref<2048x768xbf16, #tpu.memory_space<vmem>>, vector<2048x64xbf16>
    %dot_general3A = arith.constant dense<0.000000e+00> : vector<256x2048xf32>
    %dot_general3A_15 = tpu.matmul %slice3A, %get3A_14, %dot_general3A {dimension_numbers = #tpu.dot_dimension_numbers<[1], [1], [0], [0], [0, 0, 1, 0], [], []>, transpose_lhs_hint = false} : vector<256x64xbf16>, vector<2048x64xbf16>, vector<256x2048xf32> -> vector<256x2048xf32>
    %add3A_16 = arith.addf %dot_general3A_15, %select_n3A : vector<256x2048xf32>
    %reduce_max3A = arith.constant dense<0xFF800000> : vector<256xf32>
    %reduce_max3A_17 = vector.multi_reduction <maximumf>, %add3A_16, %reduce_max3A [1] : vector<256x2048xf32> to vector<256xf32>
    %broadcast_in_dim3A_18 = vector.shape_cast %reduce_max3A_17 : vector<256xf32> to vector<256x1xf32>
    %sub3A = vector.broadcast %broadcast_in_dim3A_18 : vector<256x1xf32> to vector<256x2048xf32>
    %sub3A_19 = arith.subf %add3A_16, %sub3A : vector<256x2048xf32>
    %exp3A = math.exp %sub3A_19 : vector<256x2048xf32>
    %reduce_sum3A = arith.constant dense<0.000000e+00> : vector<256xf32>
    %reduce_sum3A_20 = vector.multi_reduction <add>, %exp3A, %reduce_sum3A [1] : vector<256x2048xf32> to vector<256xf32>
    %broadcast_in_dim3A_21 = vector.shape_cast %reduce_sum3A_20 : vector<256xf32> to vector<256x1xf32>
    %div3A = arith.constant 1.000000e+00 : f32
    %div3A_22 = vector.broadcast %div3A : f32 to vector<256x1xf32>
    %div3A_23 = arith.divf %div3A_22, %broadcast_in_dim3A_21 : vector<256x1xf32>
    %mul3A_24 = vector.broadcast %div3A_23 : vector<256x1xf32> to vector<256x2048xf32>
    %mul3A_25 = arith.mulf %exp3A, %mul3A_24 : vector<256x2048xf32>
    %convert_element_type3A = arith.truncf %mul3A_25 : vector<256x2048xf32> to vector<256x2048xbf16>
    %get3A_26 = arith.constant 0 : index
    %get3A_27 = arith.constant 0 : index
    %get3A_28 = vector.load %arg3[%get3A_26, %get3A_27] : memref<2048x768xbf16, #tpu.memory_space<vmem>>, vector<2048x64xbf16>
    %dot_general3A_29 = arith.constant dense<0.000000e+00> : vector<256x64xf32>
    %dot_general3A_30 = tpu.matmul %convert_element_type3A, %get3A_28, %dot_general3A_29 {dimension_numbers = #tpu.dot_dimension_numbers<[1], [0], [0], [1], [0, 0, 1, 1], [], []>, transpose_lhs_hint = false} : vector<256x2048xbf16>, vector<2048x64xbf16>, vector<256x64xf32> -> vector<256x64xf32>
    %convert_element_type3A_31 = arith.truncf %dot_general3A_30 : vector<256x64xf32> to vector<256x64xbf16>
    %swap3A = arith.constant 0 : index
    %swap3A_32 = arith.constant 0 : index
    %swap3A_33 = vector.load %arg4[%swap3A, %swap3A_32] : memref<256x768xbf16, #tpu.memory_space<vmem>>, vector<256x64xbf16>
    tpu.vector_store %arg4[%swap3A, %swap3A_32], %convert_element_type3A_31 {strides = array<i32>} : memref<256x768xbf16, #tpu.memory_space<vmem>>, vector<256x64xbf16>,
    %slice3A_34 = vector.extract_strided_slice %mul3A_11 {offsets = [0, 64], sizes = [256, 64], strides = [1, 1]} : vector<256x768xbf16> to vector<256x64xbf16>
    %get3A_35 = arith.constant 0 : index
    %get3A_36 = arith.constant 64 : index
    %get3A_37 = vector.load %arg2[%get3A_35, %get3A_36] : memref<2048x768xbf16, #tpu.memory_space<vmem>>, vector<2048x64xbf16>
    %dot_general3A_38 = arith.constant dense<0.000000e+00> : vector<256x2048xf32>
    %dot_general3A_39 = tpu.matmul %slice3A_34, %get3A_37, %dot_general3A_38 {dimension_numbers = #tpu.dot_dimension_numbers<[1], [1], [0], [0], [0, 0, 1, 0], [], []>, transpose_lhs_hint = false} : vector<256x64xbf16>, vector<2048x64xbf16>, vector<256x2048xf32> -> vector<256x2048xf32>
    %add3A_40 = arith.addf %dot_general3A_39, %select_n3A : vector<256x2048xf32>
    %reduce_max3A_41 = arith.constant dense<0xFF800000> : vector<256xf32>
    %reduce_max3A_42 = vector.multi_reduction <maximumf>, %add3A_40, %reduce_max3A_41 [1] : vector<256x2048xf32> to vector<256xf32>
    %broadcast_in_dim3A_43 = vector.shape_cast %reduce_max3A_42 : vector<256xf32> to vector<256x1xf32>
    %sub3A_44 = vector.broadcast %broadcast_in_dim3A_43 : vector<256x1xf32> to vector<256x2048xf32>
    %sub3A_45 = arith.subf %add3A_40, %sub3A_44 : vector<256x2048xf32>
    %exp3A_46 = math.exp %sub3A_45 : vector<256x2048xf32>
    %reduce_sum3A_47 = arith.constant dense<0.000000e+00> : vector<256xf32>
    %reduce_sum3A_48 = vector.multi_reduction <add>, %exp3A_46, %reduce_sum3A_47 [1] : vector<256x2048xf32> to vector<256xf32>
    %broadcast_in_dim3A_49 = vector.shape_cast %reduce_sum3A_48 : vector<256xf32> to vector<256x1xf32>
    %div3A_50 = arith.constant 1.000000e+00 : f32
    %div3A_51 = vector.broadcast %div3A_50 : f32 to vector<256x1xf32>
    %div3A_52 = arith.divf %div3A_51, %broadcast_in_dim3A_49 : vector<256x1xf32>
    %mul3A_53 = vector.broadcast %div3A_52 : vector<256x1xf32> to vector<256x2048xf32>
    %mul3A_54 = arith.mulf %exp3A_46, %mul3A_53 : vector<256x2048xf32>
    %convert_element_type3A_55 = arith.truncf %mul3A_54 : vector<256x2048xf32> to vector<256x2048xbf16>
    %get3A_56 = arith.constant 0 : index
    %get3A_57 = arith.constant 64 : index
    %get3A_58 = vector.load %arg3[%get3A_56, %get3A_57] : memref<2048x768xbf16, #tpu.memory_space<vmem>>, vector<2048x64xbf16>
    %dot_general3A_59 = arith.constant dense<0.000000e+00> : vector<256x64xf32>
    %dot_general3A_60 = tpu.matmul %convert_element_type3A_55, %get3A_58, %dot_general3A_59 {dimension_numbers = #tpu.dot_dimension_numbers<[1], [0], [0], [1], [0, 0, 1, 1], [], []>, transpose_lhs_hint = false} : vector<256x2048xbf16>, vector<2048x64xbf16>, vector<256x64xf32> -> vector<256x64xf32>
    %convert_element_type3A_61 = arith.truncf %dot_general3A_60 : vector<256x64xf32> to vector<256x64xbf16>
    %swap3A_62 = arith.constant 0 : index
    %swap3A_63 = arith.constant 64 : index
    %swap3A_64 = vector.load %arg4[%swap3A_62, %swap3A_63] : memref<256x768xbf16, #tpu.memory_space<vmem>>, vector<256x64xbf16>
    tpu.vector_store %arg4[%swap3A_62, %swap3A_63], %convert_element_type3A_61 {strides = array<i32>} : memref<256x768xbf16, #tpu.memory_space<vmem>>, vector<256x64xbf16>,
    %slice3A_65 = vector.extract_strided_slice %mul3A_11 {offsets = [0, 128], sizes = [256, 64], strides = [1, 1]} : vector<256x768xbf16> to vector<256x64xbf16>
    %get3A_66 = arith.constant 0 : index
    %get3A_67 = arith.constant 128 : index
    %get3A_68 = vector.load %arg2[%get3A_66, %get3A_67] : memref<2048x768xbf16, #tpu.memory_space<vmem>>, vector<2048x64xbf16>
    %dot_general3A_69 = arith.constant dense<0.000000e+00> : vector<256x2048xf32>
    %dot_general3A_70 = tpu.matmul %slice3A_65, %get3A_68, %dot_general3A_69 {dimension_numbers = #tpu.dot_dimension_numbers<[1], [1], [0], [0], [0, 0, 1, 0], [], []>, transpose_lhs_hint = false} : vector<256x64xbf16>, vector<2048x64xbf16>, vector<256x2048xf32> -> vector<256x2048xf32>
    %add3A_71 = arith.addf %dot_general3A_70, %select_n3A : vector<256x2048xf32>
    %reduce_max3A_72 = arith.constant dense<0xFF800000> : vector<256xf32>
    %reduce_max3A_73 = vector.multi_reduction <maximumf>, %add3A_71, %reduce_max3A_72 [1] : vector<256x2048xf32> to vector<256xf32>
    %broadcast_in_dim3A_74 = vector.shape_cast %reduce_max3A_73 : vector<256xf32> to vector<256x1xf32>
    %sub3A_75 = vector.broadcast %broadcast_in_dim3A_74 : vector<256x1xf32> to vector<256x2048xf32>
    %sub3A_76 = arith.subf %add3A_71, %sub3A_75 : vector<256x2048xf32>
    %exp3A_77 = math.exp %sub3A_76 : vector<256x2048xf32>
    %reduce_sum3A_78 = arith.constant dense<0.000000e+00> : vector<256xf32>
    %reduce_sum3A_79 = vector.multi_reduction <add>, %exp3A_77, %reduce_sum3A_78 [1] : vector<256x2048xf32> to vector<256xf32>
    %broadcast_in_dim3A_80 = vector.shape_cast %reduce_sum3A_79 : vector<256xf32> to vector<256x1xf32>
    %div3A_81 = arith.constant 1.000000e+00 : f32
    %div3A_82 = vector.broadcast %div3A_81 : f32 to vector<256x1xf32>
    %div3A_83 = arith.divf %div3A_82, %broadcast_in_dim3A_80 : vector<256x1xf32>
    %mul3A_84 = vector.broadcast %div3A_83 : vector<256x1xf32> to vector<256x2048xf32>
    %mul3A_85 = arith.mulf %exp3A_77, %mul3A_84 : vector<256x2048xf32>
    %convert_element_type3A_86 = arith.truncf %mul3A_85 : vector<256x2048xf32> to vector<256x2048xbf16>
    %get3A_87 = arith.constant 0 : index
    %get3A_88 = arith.constant 128 : index
    %get3A_89 = vector.load %arg3[%get3A_87, %get3A_88] : memref<2048x768xbf16, #tpu.memory_space<vmem>>, vector<2048x64xbf16>
    %dot_general3A_90 = arith.constant dense<0.000000e+00> : vector<256x64xf32>
    %dot_general3A_91 = tpu.matmul %convert_element_type3A_86, %get3A_89, %dot_general3A_90 {dimension_numbers = #tpu.dot_dimension_numbers<[1], [0], [0], [1], [0, 0, 1, 1], [], []>, transpose_lhs_hint = false} : vector<256x2048xbf16>, vector<2048x64xbf16>, vector<256x64xf32> -> vector<256x64xf32>
    %convert_element_type3A_92 = arith.truncf %dot_general3A_91 : vector<256x64xf32> to vector<256x64xbf16>
    %swap3A_93 = arith.constant 0 : index
    %swap3A_94 = arith.constant 128 : index
    %swap3A_95 = vector.load %arg4[%swap3A_93, %swap3A_94] : memref<256x768xbf16, #tpu.memory_space<vmem>>, vector<256x64xbf16>
    tpu.vector_store %arg4[%swap3A_93, %swap3A_94], %convert_element_type3A_92 {strides = array<i32>} : memref<256x768xbf16, #tpu.memory_space<vmem>>, vector<256x64xbf16>,
    %slice3A_96 = vector.extract_strided_slice %mul3A_11 {offsets = [0, 192], sizes = [256, 64], strides = [1, 1]} : vector<256x768xbf16> to vector<256x64xbf16>
    %get3A_97 = arith.constant 0 : index
    %get3A_98 = arith.constant 192 : index
    %get3A_99 = vector.load %arg2[%get3A_97, %get3A_98] : memref<2048x768xbf16, #tpu.memory_space<vmem>>, vector<2048x64xbf16>
    %dot_general3A_100 = arith.constant dense<0.000000e+00> : vector<256x2048xf32>
    %dot_general3A_101 = tpu.matmul %slice3A_96, %get3A_99, %dot_general3A_100 {dimension_numbers = #tpu.dot_dimension_numbers<[1], [1], [0], [0], [0, 0, 1, 0], [], []>, transpose_lhs_hint = false} : vector<256x64xbf16>, vector<2048x64xbf16>, vector<256x2048xf32> -> vector<256x2048xf32>
    %add3A_102 = arith.addf %dot_general3A_101, %select_n3A : vector<256x2048xf32>
    %reduce_max3A_103 = arith.constant dense<0xFF800000> : vector<256xf32>
    %reduce_max3A_104 = vector.multi_reduction <maximumf>, %add3A_102, %reduce_max3A_103 [1] : vector<256x2048xf32> to vector<256xf32>
    %broadcast_in_dim3A_105 = vector.shape_cast %reduce_max3A_104 : vector<256xf32> to vector<256x1xf32>
    %sub3A_106 = vector.broadcast %broadcast_in_dim3A_105 : vector<256x1xf32> to vector<256x2048xf32>
    %sub3A_107 = arith.subf %add3A_102, %sub3A_106 : vector<256x2048xf32>
    %exp3A_108 = math.exp %sub3A_107 : vector<256x2048xf32>
    %reduce_sum3A_109 = arith.constant dense<0.000000e+00> : vector<256xf32>
    %reduce_sum3A_110 = vector.multi_reduction <add>, %exp3A_108, %reduce_sum3A_109 [1] : vector<256x2048xf32> to vector<256xf32>
    %broadcast_in_dim3A_111 = vector.shape_cast %reduce_sum3A_110 : vector<256xf32> to vector<256x1xf32>
    %div3A_112 = arith.constant 1.000000e+00 : f32
    %div3A_113 = vector.broadcast %div3A_112 : f32 to vector<256x1xf32>
    %div3A_114 = arith.divf %div3A_113, %broadcast_in_dim3A_111 : vector<256x1xf32>
    %mul3A_115 = vector.broadcast %div3A_114 : vector<256x1xf32> to vector<256x2048xf32>
    %mul3A_116 = arith.mulf %exp3A_108, %mul3A_115 : vector<256x2048xf32>
    %convert_element_type3A_117 = arith.truncf %mul3A_116 : vector<256x2048xf32> to vector<256x2048xbf16>
    %get3A_118 = arith.constant 0 : index
    %get3A_119 = arith.constant 192 : index
    %get3A_120 = vector.load %arg3[%get3A_118, %get3A_119] : memref<2048x768xbf16, #tpu.memory_space<vmem>>, vector<2048x64xbf16>
    %dot_general3A_121 = arith.constant dense<0.000000e+00> : vector<256x64xf32>
    %dot_general3A_122 = tpu.matmul %convert_element_type3A_117, %get3A_120, %dot_general3A_121 {dimension_numbers = #tpu.dot_dimension_numbers<[1], [0], [0], [1], [0, 0, 1, 1], [], []>, transpose_lhs_hint = false} : vector<256x2048xbf16>, vector<2048x64xbf16>, vector<256x64xf32> -> vector<256x64xf32>
    %convert_element_type3A_123 = arith.truncf %dot_general3A_122 : vector<256x64xf32> to vector<256x64xbf16>
    %swap3A_124 = arith.constant 0 : index
    %swap3A_125 = arith.constant 192 : index
    %swap3A_126 = vector.load %arg4[%swap3A_124, %swap3A_125] : memref<256x768xbf16, #tpu.memory_space<vmem>>, vector<256x64xbf16>
    tpu.vector_store %arg4[%swap3A_124, %swap3A_125], %convert_element_type3A_123 {strides = array<i32>} : memref<256x768xbf16, #tpu.memory_space<vmem>>, vector<256x64xbf16>,
    %slice3A_127 = vector.extract_strided_slice %mul3A_11 {offsets = [0, 256], sizes = [256, 64], strides = [1, 1]} : vector<256x768xbf16> to vector<256x64xbf16>
    %get3A_128 = arith.constant 0 : index
    %get3A_129 = arith.constant 256 : index
    %get3A_130 = vector.load %arg2[%get3A_128, %get3A_129] : memref<2048x768xbf16, #tpu.memory_space<vmem>>, vector<2048x64xbf16>
    %dot_general3A_131 = arith.constant dense<0.000000e+00> : vector<256x2048xf32>
    %dot_general3A_132 = tpu.matmul %slice3A_127, %get3A_130, %dot_general3A_131 {dimension_numbers = #tpu.dot_dimension_numbers<[1], [1], [0], [0], [0, 0, 1, 0], [], []>, transpose_lhs_hint = false} : vector<256x64xbf16>, vector<2048x64xbf16>, vector<256x2048xf32> -> vector<256x2048xf32>
    %add3A_133 = arith.addf %dot_general3A_132, %select_n3A : vector<256x2048xf32>
    %reduce_max3A_134 = arith.constant dense<0xFF800000> : vector<256xf32>
    %reduce_max3A_135 = vector.multi_reduction <maximumf>, %add3A_133, %reduce_max3A_134 [1] : vector<256x2048xf32> to vector<256xf32>
    %broadcast_in_dim3A_136 = vector.shape_cast %reduce_max3A_135 : vector<256xf32> to vector<256x1xf32>
    %sub3A_137 = vector.broadcast %broadcast_in_dim3A_136 : vector<256x1xf32> to vector<256x2048xf32>
    %sub3A_138 = arith.subf %add3A_133, %sub3A_137 : vector<256x2048xf32>
    %exp3A_139 = math.exp %sub3A_138 : vector<256x2048xf32>
    %reduce_sum3A_140 = arith.constant dense<0.000000e+00> : vector<256xf32>
    %reduce_sum3A_141 = vector.multi_reduction <add>, %exp3A_139, %reduce_sum3A_140 [1] : vector<256x2048xf32> to vector<256xf32>
    %broadcast_in_dim3A_142 = vector.shape_cast %reduce_sum3A_141 : vector<256xf32> to vector<256x1xf32>
    %div3A_143 = arith.constant 1.000000e+00 : f32
    %div3A_144 = vector.broadcast %div3A_143 : f32 to vector<256x1xf32>
    %div3A_145 = arith.divf %div3A_144, %broadcast_in_dim3A_142 : vector<256x1xf32>
    %mul3A_146 = vector.broadcast %div3A_145 : vector<256x1xf32> to vector<256x2048xf32>
    %mul3A_147 = arith.mulf %exp3A_139, %mul3A_146 : vector<256x2048xf32>
    %convert_element_type3A_148 = arith.truncf %mul3A_147 : vector<256x2048xf32> to vector<256x2048xbf16>
    %get3A_149 = arith.constant 0 : index
    %get3A_150 = arith.constant 256 : index
    %get3A_151 = vector.load %arg3[%get3A_149, %get3A_150] : memref<2048x768xbf16, #tpu.memory_space<vmem>>, vector<2048x64xbf16>
    %dot_general3A_152 = arith.constant dense<0.000000e+00> : vector<256x64xf32>
    %dot_general3A_153 = tpu.matmul %convert_element_type3A_148, %get3A_151, %dot_general3A_152 {dimension_numbers = #tpu.dot_dimension_numbers<[1], [0], [0], [1], [0, 0, 1, 1], [], []>, transpose_lhs_hint = false} : vector<256x2048xbf16>, vector<2048x64xbf16>, vector<256x64xf32> -> vector<256x64xf32>
    %convert_element_type3A_154 = arith.truncf %dot_general3A_153 : vector<256x64xf32> to vector<256x64xbf16>
    %swap3A_155 = arith.constant 0 : index
    %swap3A_156 = arith.constant 256 : index
    %swap3A_157 = vector.load %arg4[%swap3A_155, %swap3A_156] : memref<256x768xbf16, #tpu.memory_space<vmem>>, vector<256x64xbf16>
    tpu.vector_store %arg4[%swap3A_155, %swap3A_156], %convert_element_type3A_154 {strides = array<i32>} : memref<256x768xbf16, #tpu.memory_space<vmem>>, vector<256x64xbf16>,
    %slice3A_158 = vector.extract_strided_slice %mul3A_11 {offsets = [0, 320], sizes = [256, 64], strides = [1, 1]} : vector<256x768xbf16> to vector<256x64xbf16>
    %get3A_159 = arith.constant 0 : index
    %get3A_160 = arith.constant 320 : index
    %get3A_161 = vector.load %arg2[%get3A_159, %get3A_160] : memref<2048x768xbf16, #tpu.memory_space<vmem>>, vector<2048x64xbf16>
    %dot_general3A_162 = arith.constant dense<0.000000e+00> : vector<256x2048xf32>
    %dot_general3A_163 = tpu.matmul %slice3A_158, %get3A_161, %dot_general3A_162 {dimension_numbers = #tpu.dot_dimension_numbers<[1], [1], [0], [0], [0, 0, 1, 0], [], []>, transpose_lhs_hint = false} : vector<256x64xbf16>, vector<2048x64xbf16>, vector<256x2048xf32> -> vector<256x2048xf32>
    %add3A_164 = arith.addf %dot_general3A_163, %select_n3A : vector<256x2048xf32>
    %reduce_max3A_165 = arith.constant dense<0xFF800000> : vector<256xf32>
    %reduce_max3A_166 = vector.multi_reduction <maximumf>, %add3A_164, %reduce_max3A_165 [1] : vector<256x2048xf32> to vector<256xf32>
    %broadcast_in_dim3A_167 = vector.shape_cast %reduce_max3A_166 : vector<256xf32> to vector<256x1xf32>
    %sub3A_168 = vector.broadcast %broadcast_in_dim3A_167 : vector<256x1xf32> to vector<256x2048xf32>
    %sub3A_169 = arith.subf %add3A_164, %sub3A_168 : vector<256x2048xf32>
    %exp3A_170 = math.exp %sub3A_169 : vector<256x2048xf32>
    %reduce_sum3A_171 = arith.constant dense<0.000000e+00> : vector<256xf32>
    %reduce_sum3A_172 = vector.multi_reduction <add>, %exp3A_170, %reduce_sum3A_171 [1] : vector<256x2048xf32> to vector<256xf32>
    %broadcast_in_dim3A_173 = vector.shape_cast %reduce_sum3A_172 : vector<256xf32> to vector<256x1xf32>
    %div3A_174 = arith.constant 1.000000e+00 : f32
    %div3A_175 = vector.broadcast %div3A_174 : f32 to vector<256x1xf32>
    %div3A_176 = arith.divf %div3A_175, %broadcast_in_dim3A_173 : vector<256x1xf32>
    %mul3A_177 = vector.broadcast %div3A_176 : vector<256x1xf32> to vector<256x2048xf32>
    %mul3A_178 = arith.mulf %exp3A_170, %mul3A_177 : vector<256x2048xf32>
    %convert_element_type3A_179 = arith.truncf %mul3A_178 : vector<256x2048xf32> to vector<256x2048xbf16>
    %get3A_180 = arith.constant 0 : index
    %get3A_181 = arith.constant 320 : index
    %get3A_182 = vector.load %arg3[%get3A_180, %get3A_181] : memref<2048x768xbf16, #tpu.memory_space<vmem>>, vector<2048x64xbf16>
    %dot_general3A_183 = arith.constant dense<0.000000e+00> : vector<256x64xf32>
    %dot_general3A_184 = tpu.matmul %convert_element_type3A_179, %get3A_182, %dot_general3A_183 {dimension_numbers = #tpu.dot_dimension_numbers<[1], [0], [0], [1], [0, 0, 1, 1], [], []>, transpose_lhs_hint = false} : vector<256x2048xbf16>, vector<2048x64xbf16>, vector<256x64xf32> -> vector<256x64xf32>
    %convert_element_type3A_185 = arith.truncf %dot_general3A_184 : vector<256x64xf32> to vector<256x64xbf16>
    %swap3A_186 = arith.constant 0 : index
    %swap3A_187 = arith.constant 320 : index
    %swap3A_188 = vector.load %arg4[%swap3A_186, %swap3A_187] : memref<256x768xbf16, #tpu.memory_space<vmem>>, vector<256x64xbf16>
    tpu.vector_store %arg4[%swap3A_186, %swap3A_187], %convert_element_type3A_185 {strides = array<i32>} : memref<256x768xbf16, #tpu.memory_space<vmem>>, vector<256x64xbf16>,
    %slice3A_189 = vector.extract_strided_slice %mul3A_11 {offsets = [0, 384], sizes = [256, 64], strides = [1, 1]} : vector<256x768xbf16> to vector<256x64xbf16>
    %get3A_190 = arith.constant 0 : index
    %get3A_191 = arith.constant 384 : index
    %get3A_192 = vector.load %arg2[%get3A_190, %get3A_191] : memref<2048x768xbf16, #tpu.memory_space<vmem>>, vector<2048x64xbf16>
    %dot_general3A_193 = arith.constant dense<0.000000e+00> : vector<256x2048xf32>
    %dot_general3A_194 = tpu.matmul %slice3A_189, %get3A_192, %dot_general3A_193 {dimension_numbers = #tpu.dot_dimension_numbers<[1], [1], [0], [0], [0, 0, 1, 0], [], []>, transpose_lhs_hint = false} : vector<256x64xbf16>, vector<2048x64xbf16>, vector<256x2048xf32> -> vector<256x2048xf32>
    %add3A_195 = arith.addf %dot_general3A_194, %select_n3A : vector<256x2048xf32>
    %reduce_max3A_196 = arith.constant dense<0xFF800000> : vector<256xf32>
    %reduce_max3A_197 = vector.multi_reduction <maximumf>, %add3A_195, %reduce_max3A_196 [1] : vector<256x2048xf32> to vector<256xf32>
    %broadcast_in_dim3A_198 = vector.shape_cast %reduce_max3A_197 : vector<256xf32> to vector<256x1xf32>
    %sub3A_199 = vector.broadcast %broadcast_in_dim3A_198 : vector<256x1xf32> to vector<256x2048xf32>
    %sub3A_200 = arith.subf %add3A_195, %sub3A_199 : vector<256x2048xf32>
    %exp3A_201 = math.exp %sub3A_200 : vector<256x2048xf32>
    %reduce_sum3A_202 = arith.constant dense<0.000000e+00> : vector<256xf32>
    %reduce_sum3A_203 = vector.multi_reduction <add>, %exp3A_201, %reduce_sum3A_202 [1] : vector<256x2048xf32> to vector<256xf32>
    %broadcast_in_dim3A_204 = vector.shape_cast %reduce_sum3A_203 : vector<256xf32> to vector<256x1xf32>
    %div3A_205 = arith.constant 1.000000e+00 : f32
    %div3A_206 = vector.broadcast %div3A_205 : f32 to vector<256x1xf32>
    %div3A_207 = arith.divf %div3A_206, %broadcast_in_dim3A_204 : vector<256x1xf32>
    %mul3A_208 = vector.broadcast %div3A_207 : vector<256x1xf32> to vector<256x2048xf32>
    %mul3A_209 = arith.mulf %exp3A_201, %mul3A_208 : vector<256x2048xf32>
    %convert_element_type3A_210 = arith.truncf %mul3A_209 : vector<256x2048xf32> to vector<256x2048xbf16>
    %get3A_211 = arith.constant 0 : index
    %get3A_212 = arith.constant 384 : index
    %get3A_213 = vector.load %arg3[%get3A_211, %get3A_212] : memref<2048x768xbf16, #tpu.memory_space<vmem>>, vector<2048x64xbf16>
    %dot_general3A_214 = arith.constant dense<0.000000e+00> : vector<256x64xf32>
    %dot_general3A_215 = tpu.matmul %convert_element_type3A_210, %get3A_213, %dot_general3A_214 {dimension_numbers = #tpu.dot_dimension_numbers<[1], [0], [0], [1], [0, 0, 1, 1], [], []>, transpose_lhs_hint = false} : vector<256x2048xbf16>, vector<2048x64xbf16>, vector<256x64xf32> -> vector<256x64xf32>
    %convert_element_type3A_216 = arith.truncf %dot_general3A_215 : vector<256x64xf32> to vector<256x64xbf16>
    %swap3A_217 = arith.constant 0 : index
    %swap3A_218 = arith.constant 384 : index
    %swap3A_219 = vector.load %arg4[%swap3A_217, %swap3A_218] : memref<256x768xbf16, #tpu.memory_space<vmem>>, vector<256x64xbf16>
    tpu.vector_store %arg4[%swap3A_217, %swap3A_218], %convert_element_type3A_216 {strides = array<i32>} : memref<256x768xbf16, #tpu.memory_space<vmem>>, vector<256x64xbf16>,
    %slice3A_220 = vector.extract_strided_slice %mul3A_11 {offsets = [0, 448], sizes = [256, 64], strides = [1, 1]} : vector<256x768xbf16> to vector<256x64xbf16>
    %get3A_221 = arith.constant 0 : index
    %get3A_222 = arith.constant 448 : index
    %get3A_223 = vector.load %arg2[%get3A_221, %get3A_222] : memref<2048x768xbf16, #tpu.memory_space<vmem>>, vector<2048x64xbf16>
    %dot_general3A_224 = arith.constant dense<0.000000e+00> : vector<256x2048xf32>
    %dot_general3A_225 = tpu.matmul %slice3A_220, %get3A_223, %dot_general3A_224 {dimension_numbers = #tpu.dot_dimension_numbers<[1], [1], [0], [0], [0, 0, 1, 0], [], []>, transpose_lhs_hint = false} : vector<256x64xbf16>, vector<2048x64xbf16>, vector<256x2048xf32> -> vector<256x2048xf32>
    %add3A_226 = arith.addf %dot_general3A_225, %select_n3A : vector<256x2048xf32>
    %reduce_max3A_227 = arith.constant dense<0xFF800000> : vector<256xf32>
    %reduce_max3A_228 = vector.multi_reduction <maximumf>, %add3A_226, %reduce_max3A_227 [1] : vector<256x2048xf32> to vector<256xf32>
    %broadcast_in_dim3A_229 = vector.shape_cast %reduce_max3A_228 : vector<256xf32> to vector<256x1xf32>
    %sub3A_230 = vector.broadcast %broadcast_in_dim3A_229 : vector<256x1xf32> to vector<256x2048xf32>
    %sub3A_231 = arith.subf %add3A_226, %sub3A_230 : vector<256x2048xf32>
    %exp3A_232 = math.exp %sub3A_231 : vector<256x2048xf32>
    %reduce_sum3A_233 = arith.constant dense<0.000000e+00> : vector<256xf32>
    %reduce_sum3A_234 = vector.multi_reduction <add>, %exp3A_232, %reduce_sum3A_233 [1] : vector<256x2048xf32> to vector<256xf32>
    %broadcast_in_dim3A_235 = vector.shape_cast %reduce_sum3A_234 : vector<256xf32> to vector<256x1xf32>
    %div3A_236 = arith.constant 1.000000e+00 : f32
    %div3A_237 = vector.broadcast %div3A_236 : f32 to vector<256x1xf32>
    %div3A_238 = arith.divf %div3A_237, %broadcast_in_dim3A_235 : vector<256x1xf32>
    %mul3A_239 = vector.broadcast %div3A_238 : vector<256x1xf32> to vector<256x2048xf32>
    %mul3A_240 = arith.mulf %exp3A_232, %mul3A_239 : vector<256x2048xf32>
    %convert_element_type3A_241 = arith.truncf %mul3A_240 : vector<256x2048xf32> to vector<256x2048xbf16>
    %get3A_242 = arith.constant 0 : index
    %get3A_243 = arith.constant 448 : index
    %get3A_244 = vector.load %arg3[%get3A_242, %get3A_243] : memref<2048x768xbf16, #tpu.memory_space<vmem>>, vector<2048x64xbf16>
    %dot_general3A_245 = arith.constant dense<0.000000e+00> : vector<256x64xf32>
    %dot_general3A_246 = tpu.matmul %convert_element_type3A_241, %get3A_244, %dot_general3A_245 {dimension_numbers = #tpu.dot_dimension_numbers<[1], [0], [0], [1], [0, 0, 1, 1], [], []>, transpose_lhs_hint = false} : vector<256x2048xbf16>, vector<2048x64xbf16>, vector<256x64xf32> -> vector<256x64xf32>
    %convert_element_type3A_247 = arith.truncf %dot_general3A_246 : vector<256x64xf32> to vector<256x64xbf16>
    %swap3A_248 = arith.constant 0 : index
    %swap3A_249 = arith.constant 448 : index
    %swap3A_250 = vector.load %arg4[%swap3A_248, %swap3A_249] : memref<256x768xbf16, #tpu.memory_space<vmem>>, vector<256x64xbf16>
    tpu.vector_store %arg4[%swap3A_248, %swap3A_249], %convert_element_type3A_247 {strides = array<i32>} : memref<256x768xbf16, #tpu.memory_space<vmem>>, vector<256x64xbf16>,
    %slice3A_251 = vector.extract_strided_slice %mul3A_11 {offsets = [0, 512], sizes = [256, 64], strides = [1, 1]} : vector<256x768xbf16> to vector<256x64xbf16>
    %get3A_252 = arith.constant 0 : index
    %get3A_253 = arith.constant 512 : index
    %get3A_254 = vector.load %arg2[%get3A_252, %get3A_253] : memref<2048x768xbf16, #tpu.memory_space<vmem>>, vector<2048x64xbf16>
    %dot_general3A_255 = arith.constant dense<0.000000e+00> : vector<256x2048xf32>
    %dot_general3A_256 = tpu.matmul %slice3A_251, %get3A_254, %dot_general3A_255 {dimension_numbers = #tpu.dot_dimension_numbers<[1], [1], [0], [0], [0, 0, 1, 0], [], []>, transpose_lhs_hint = false} : vector<256x64xbf16>, vector<2048x64xbf16>, vector<256x2048xf32> -> vector<256x2048xf32>
    %add3A_257 = arith.addf %dot_general3A_256, %select_n3A : vector<256x2048xf32>
    %reduce_max3A_258 = arith.constant dense<0xFF800000> : vector<256xf32>
    %reduce_max3A_259 = vector.multi_reduction <maximumf>, %add3A_257, %reduce_max3A_258 [1] : vector<256x2048xf32> to vector<256xf32>
    %broadcast_in_dim3A_260 = vector.shape_cast %reduce_max3A_259 : vector<256xf32> to vector<256x1xf32>
    %sub3A_261 = vector.broadcast %broadcast_in_dim3A_260 : vector<256x1xf32> to vector<256x2048xf32>
    %sub3A_262 = arith.subf %add3A_257, %sub3A_261 : vector<256x2048xf32>
    %exp3A_263 = math.exp %sub3A_262 : vector<256x2048xf32>
    %reduce_sum3A_264 = arith.constant dense<0.000000e+00> : vector<256xf32>
    %reduce_sum3A_265 = vector.multi_reduction <add>, %exp3A_263, %reduce_sum3A_264 [1] : vector<256x2048xf32> to vector<256xf32>
    %broadcast_in_dim3A_266 = vector.shape_cast %reduce_sum3A_265 : vector<256xf32> to vector<256x1xf32>
    %div3A_267 = arith.constant 1.000000e+00 : f32
    %div3A_268 = vector.broadcast %div3A_267 : f32 to vector<256x1xf32>
    %div3A_269 = arith.divf %div3A_268, %broadcast_in_dim3A_266 : vector<256x1xf32>
    %mul3A_270 = vector.broadcast %div3A_269 : vector<256x1xf32> to vector<256x2048xf32>
    %mul3A_271 = arith.mulf %exp3A_263, %mul3A_270 : vector<256x2048xf32>
    %convert_element_type3A_272 = arith.truncf %mul3A_271 : vector<256x2048xf32> to vector<256x2048xbf16>
    %get3A_273 = arith.constant 0 : index
    %get3A_274 = arith.constant 512 : index
    %get3A_275 = vector.load %arg3[%get3A_273, %get3A_274] : memref<2048x768xbf16, #tpu.memory_space<vmem>>, vector<2048x64xbf16>
    %dot_general3A_276 = arith.constant dense<0.000000e+00> : vector<256x64xf32>
    %dot_general3A_277 = tpu.matmul %convert_element_type3A_272, %get3A_275, %dot_general3A_276 {dimension_numbers = #tpu.dot_dimension_numbers<[1], [0], [0], [1], [0, 0, 1, 1], [], []>, transpose_lhs_hint = false} : vector<256x2048xbf16>, vector<2048x64xbf16>, vector<256x64xf32> -> vector<256x64xf32>
    %convert_element_type3A_278 = arith.truncf %dot_general3A_277 : vector<256x64xf32> to vector<256x64xbf16>
    %swap3A_279 = arith.constant 0 : index
    %swap3A_280 = arith.constant 512 : index
    %swap3A_281 = vector.load %arg4[%swap3A_279, %swap3A_280] : memref<256x768xbf16, #tpu.memory_space<vmem>>, vector<256x64xbf16>
    tpu.vector_store %arg4[%swap3A_279, %swap3A_280], %convert_element_type3A_278 {strides = array<i32>} : memref<256x768xbf16, #tpu.memory_space<vmem>>, vector<256x64xbf16>,
    %slice3A_282 = vector.extract_strided_slice %mul3A_11 {offsets = [0, 576], sizes = [256, 64], strides = [1, 1]} : vector<256x768xbf16> to vector<256x64xbf16>
    %get3A_283 = arith.constant 0 : index
    %get3A_284 = arith.constant 576 : index
    %get3A_285 = vector.load %arg2[%get3A_283, %get3A_284] : memref<2048x768xbf16, #tpu.memory_space<vmem>>, vector<2048x64xbf16>
    %dot_general3A_286 = arith.constant dense<0.000000e+00> : vector<256x2048xf32>
    %dot_general3A_287 = tpu.matmul %slice3A_282, %get3A_285, %dot_general3A_286 {dimension_numbers = #tpu.dot_dimension_numbers<[1], [1], [0], [0], [0, 0, 1, 0], [], []>, transpose_lhs_hint = false} : vector<256x64xbf16>, vector<2048x64xbf16>, vector<256x2048xf32> -> vector<256x2048xf32>
    %add3A_288 = arith.addf %dot_general3A_287, %select_n3A : vector<256x2048xf32>
    %reduce_max3A_289 = arith.constant dense<0xFF800000> : vector<256xf32>
    %reduce_max3A_290 = vector.multi_reduction <maximumf>, %add3A_288, %reduce_max3A_289 [1] : vector<256x2048xf32> to vector<256xf32>
    %broadcast_in_dim3A_291 = vector.shape_cast %reduce_max3A_290 : vector<256xf32> to vector<256x1xf32>
    %sub3A_292 = vector.broadcast %broadcast_in_dim3A_291 : vector<256x1xf32> to vector<256x2048xf32>
    %sub3A_293 = arith.subf %add3A_288, %sub3A_292 : vector<256x2048xf32>
    %exp3A_294 = math.exp %sub3A_293 : vector<256x2048xf32>
    %reduce_sum3A_295 = arith.constant dense<0.000000e+00> : vector<256xf32>
    %reduce_sum3A_296 = vector.multi_reduction <add>, %exp3A_294, %reduce_sum3A_295 [1] : vector<256x2048xf32> to vector<256xf32>
    %broadcast_in_dim3A_297 = vector.shape_cast %reduce_sum3A_296 : vector<256xf32> to vector<256x1xf32>
    %div3A_298 = arith.constant 1.000000e+00 : f32
    %div3A_299 = vector.broadcast %div3A_298 : f32 to vector<256x1xf32>
    %div3A_300 = arith.divf %div3A_299, %broadcast_in_dim3A_297 : vector<256x1xf32>
    %mul3A_301 = vector.broadcast %div3A_300 : vector<256x1xf32> to vector<256x2048xf32>
    %mul3A_302 = arith.mulf %exp3A_294, %mul3A_301 : vector<256x2048xf32>
    %convert_element_type3A_303 = arith.truncf %mul3A_302 : vector<256x2048xf32> to vector<256x2048xbf16>
    %get3A_304 = arith.constant 0 : index
    %get3A_305 = arith.constant 576 : index
    %get3A_306 = vector.load %arg3[%get3A_304, %get3A_305] : memref<2048x768xbf16, #tpu.memory_space<vmem>>, vector<2048x64xbf16>
    %dot_general3A_307 = arith.constant dense<0.000000e+00> : vector<256x64xf32>
    %dot_general3A_308 = tpu.matmul %convert_element_type3A_303, %get3A_306, %dot_general3A_307 {dimension_numbers = #tpu.dot_dimension_numbers<[1], [0], [0], [1], [0, 0, 1, 1], [], []>, transpose_lhs_hint = false} : vector<256x2048xbf16>, vector<2048x64xbf16>, vector<256x64xf32> -> vector<256x64xf32>
    %convert_element_type3A_309 = arith.truncf %dot_general3A_308 : vector<256x64xf32> to vector<256x64xbf16>
    %swap3A_310 = arith.constant 0 : index
    %swap3A_311 = arith.constant 576 : index
    %swap3A_312 = vector.load %arg4[%swap3A_310, %swap3A_311] : memref<256x768xbf16, #tpu.memory_space<vmem>>, vector<256x64xbf16>
    tpu.vector_store %arg4[%swap3A_310, %swap3A_311], %convert_element_type3A_309 {strides = array<i32>} : memref<256x768xbf16, #tpu.memory_space<vmem>>, vector<256x64xbf16>,
    %slice3A_313 = vector.extract_strided_slice %mul3A_11 {offsets = [0, 640], sizes = [256, 64], strides = [1, 1]} : vector<256x768xbf16> to vector<256x64xbf16>
    %get3A_314 = arith.constant 0 : index
    %get3A_315 = arith.constant 640 : index
    %get3A_316 = vector.load %arg2[%get3A_314, %get3A_315] : memref<2048x768xbf16, #tpu.memory_space<vmem>>, vector<2048x64xbf16>
    %dot_general3A_317 = arith.constant dense<0.000000e+00> : vector<256x2048xf32>
    %dot_general3A_318 = tpu.matmul %slice3A_313, %get3A_316, %dot_general3A_317 {dimension_numbers = #tpu.dot_dimension_numbers<[1], [1], [0], [0], [0, 0, 1, 0], [], []>, transpose_lhs_hint = false} : vector<256x64xbf16>, vector<2048x64xbf16>, vector<256x2048xf32> -> vector<256x2048xf32>
    %add3A_319 = arith.addf %dot_general3A_318, %select_n3A : vector<256x2048xf32>
    %reduce_max3A_320 = arith.constant dense<0xFF800000> : vector<256xf32>
    %reduce_max3A_321 = vector.multi_reduction <maximumf>, %add3A_319, %reduce_max3A_320 [1] : vector<256x2048xf32> to vector<256xf32>
    %broadcast_in_dim3A_322 = vector.shape_cast %reduce_max3A_321 : vector<256xf32> to vector<256x1xf32>
    %sub3A_323 = vector.broadcast %broadcast_in_dim3A_322 : vector<256x1xf32> to vector<256x2048xf32>
    %sub3A_324 = arith.subf %add3A_319, %sub3A_323 : vector<256x2048xf32>
    %exp3A_325 = math.exp %sub3A_324 : vector<256x2048xf32>
    %reduce_sum3A_326 = arith.constant dense<0.000000e+00> : vector<256xf32>
    %reduce_sum3A_327 = vector.multi_reduction <add>, %exp3A_325, %reduce_sum3A_326 [1] : vector<256x2048xf32> to vector<256xf32>
    %broadcast_in_dim3A_328 = vector.shape_cast %reduce_sum3A_327 : vector<256xf32> to vector<256x1xf32>
    %div3A_329 = arith.constant 1.000000e+00 : f32
    %div3A_330 = vector.broadcast %div3A_329 : f32 to vector<256x1xf32>
    %div3A_331 = arith.divf %div3A_330, %broadcast_in_dim3A_328 : vector<256x1xf32>
    %mul3A_332 = vector.broadcast %div3A_331 : vector<256x1xf32> to vector<256x2048xf32>
    %mul3A_333 = arith.mulf %exp3A_325, %mul3A_332 : vector<256x2048xf32>
    %convert_element_type3A_334 = arith.truncf %mul3A_333 : vector<256x2048xf32> to vector<256x2048xbf16>
    %get3A_335 = arith.constant 0 : index
    %get3A_336 = arith.constant 640 : index
    %get3A_337 = vector.load %arg3[%get3A_335, %get3A_336] : memref<2048x768xbf16, #tpu.memory_space<vmem>>, vector<2048x64xbf16>
    %dot_general3A_338 = arith.constant dense<0.000000e+00> : vector<256x64xf32>
    %dot_general3A_339 = tpu.matmul %convert_element_type3A_334, %get3A_337, %dot_general3A_338 {dimension_numbers = #tpu.dot_dimension_numbers<[1], [0], [0], [1], [0, 0, 1, 1], [], []>, transpose_lhs_hint = false} : vector<256x2048xbf16>, vector<2048x64xbf16>, vector<256x64xf32> -> vector<256x64xf32>
    %convert_element_type3A_340 = arith.truncf %dot_general3A_339 : vector<256x64xf32> to vector<256x64xbf16>
    %swap3A_341 = arith.constant 0 : index
    %swap3A_342 = arith.constant 640 : index
    %swap3A_343 = vector.load %arg4[%swap3A_341, %swap3A_342] : memref<256x768xbf16, #tpu.memory_space<vmem>>, vector<256x64xbf16>
    tpu.vector_store %arg4[%swap3A_341, %swap3A_342], %convert_element_type3A_340 {strides = array<i32>} : memref<256x768xbf16, #tpu.memory_space<vmem>>, vector<256x64xbf16>,
    %slice3A_344 = vector.extract_strided_slice %mul3A_11 {offsets = [0, 704], sizes = [256, 64], strides = [1, 1]} : vector<256x768xbf16> to vector<256x64xbf16>
    %get3A_345 = arith.constant 0 : index
    %get3A_346 = arith.constant 704 : index
    %get3A_347 = vector.load %arg2[%get3A_345, %get3A_346] : memref<2048x768xbf16, #tpu.memory_space<vmem>>, vector<2048x64xbf16>
    %dot_general3A_348 = arith.constant dense<0.000000e+00> : vector<256x2048xf32>
    %dot_general3A_349 = tpu.matmul %slice3A_344, %get3A_347, %dot_general3A_348 {dimension_numbers = #tpu.dot_dimension_numbers<[1], [1], [0], [0], [0, 0, 1, 0], [], []>, transpose_lhs_hint = false} : vector<256x64xbf16>, vector<2048x64xbf16>, vector<256x2048xf32> -> vector<256x2048xf32>
    %add3A_350 = arith.addf %dot_general3A_349, %select_n3A : vector<256x2048xf32>
    %reduce_max3A_351 = arith.constant dense<0xFF800000> : vector<256xf32>
    %reduce_max3A_352 = vector.multi_reduction <maximumf>, %add3A_350, %reduce_max3A_351 [1] : vector<256x2048xf32> to vector<256xf32>
    %broadcast_in_dim3A_353 = vector.shape_cast %reduce_max3A_352 : vector<256xf32> to vector<256x1xf32>
    %sub3A_354 = vector.broadcast %broadcast_in_dim3A_353 : vector<256x1xf32> to vector<256x2048xf32>
    %sub3A_355 = arith.subf %add3A_350, %sub3A_354 : vector<256x2048xf32>
    %exp3A_356 = math.exp %sub3A_355 : vector<256x2048xf32>
    %reduce_sum3A_357 = arith.constant dense<0.000000e+00> : vector<256xf32>
    %reduce_sum3A_358 = vector.multi_reduction <add>, %exp3A_356, %reduce_sum3A_357 [1] : vector<256x2048xf32> to vector<256xf32>
    %broadcast_in_dim3A_359 = vector.shape_cast %reduce_sum3A_358 : vector<256xf32> to vector<256x1xf32>
    %div3A_360 = arith.constant 1.000000e+00 : f32
    %div3A_361 = vector.broadcast %div3A_360 : f32 to vector<256x1xf32>
    %div3A_362 = arith.divf %div3A_361, %broadcast_in_dim3A_359 : vector<256x1xf32>
    %mul3A_363 = vector.broadcast %div3A_362 : vector<256x1xf32> to vector<256x2048xf32>
    %mul3A_364 = arith.mulf %exp3A_356, %mul3A_363 : vector<256x2048xf32>
    %convert_element_type3A_365 = arith.truncf %mul3A_364 : vector<256x2048xf32> to vector<256x2048xbf16>
    %get3A_366 = arith.constant 0 : index
    %get3A_367 = arith.constant 704 : index
    %get3A_368 = vector.load %arg3[%get3A_366, %get3A_367] : memref<2048x768xbf16, #tpu.memory_space<vmem>>, vector<2048x64xbf16>
    %dot_general3A_369 = arith.constant dense<0.000000e+00> : vector<256x64xf32>
    %dot_general3A_370 = tpu.matmul %convert_element_type3A_365, %get3A_368, %dot_general3A_369 {dimension_numbers = #tpu.dot_dimension_numbers<[1], [0], [0], [1], [0, 0, 1, 1], [], []>, transpose_lhs_hint = false} : vector<256x2048xbf16>, vector<2048x64xbf16>, vector<256x64xf32> -> vector<256x64xf32>
    %convert_element_type3A_371 = arith.truncf %dot_general3A_370 : vector<256x64xf32> to vector<256x64xbf16>
    %swap3A_372 = arith.constant 0 : index
    %swap3A_373 = arith.constant 704 : index
    %swap3A_374 = vector.load %arg4[%swap3A_372, %swap3A_373] : memref<256x768xbf16, #tpu.memory_space<vmem>>, vector<256x64xbf16>
    tpu.vector_store %arg4[%swap3A_372, %swap3A_373], %convert_element_type3A_371 {strides = array<i32>} : memref<256x768xbf16, #tpu.memory_space<vmem>>, vector<256x64xbf16>,
    return
  }
  func.func @transform_0(%arg0: i32) -> (i32, i32) {
    %add3A = arith.constant 6 : i32
    %add3A_0 = arith.addi %add3A, %arg0 : i32
    %c0_i32 = arith.constant 0 : i32
    %c0_i32_1 = arith.constant 0 : i32
    return %add3A_0, %c0_i32 : i32, i32
  }
  func.func @transform_1(%arg0: i32) -> (i32, i32) {
    %c0_i32 = arith.constant 0 : i32
    %c0_i32_0 = arith.constant 0 : i32
    %c0_i32_1 = arith.constant 0 : i32
    return %c0_i32, %c0_i32_0 : i32, i32
  }
  func.func @transform_2(%arg0: i32) -> (i32, i32) {
    %c0_i32 = arith.constant 0 : i32
    %c0_i32_0 = arith.constant 0 : i32
    %c0_i32_1 = arith.constant 0 : i32
    return %c0_i32, %c0_i32_0 : i32, i32
  }
  func.func @transform_3(%arg0: i32) -> (i32, i32) {
    %c0_i32 = arith.constant 0 : i32
    %c0_i32_0 = arith.constant 0 : i32
    return %arg0, %c0_i32 : i32, i32
  }
}

module attributes {stable_mosaic.version = 14 : i64} {
  func.func @_post_body(%arg0: i32, %arg1: memref<256x768xbf16, #tpu.memory_space<vmem>>, %arg2: memref<256x768xf32, #tpu.memory_space<vmem>>, %arg3: memref<768x768xf32, #tpu.memory_space<vmem>>, %arg4: memref<1x768xf32, #tpu.memory_space<vmem>>, %arg5: memref<8x768xf32, #tpu.memory_space<vmem>>, %arg6: memref<256x768xf32, #tpu.memory_space<vmem>>, %arg7: memref<256xi32, #tpu.memory_space<vmem>>) attributes {dimension_semantics = [#tpu.dimension_semantics<arbitrary>], iteration_bounds = array<i64: 8>, scalar_prefetch = 0 : i64, scratch_operands = 0 : i64, tpu.core_type = #tpu.core_type<tc>, window_params = [{transform_indices = @transform_0, window_bounds = array<i64: 256, 768>}, {transform_indices = @transform_1, window_bounds = array<i64: 256, 768>}, {pipeline_mode = #tpu.pipeline_mode<synchronous>, transform_indices = @transform_2, window_bounds = array<i64: 768, 768>}, {pipeline_mode = #tpu.pipeline_mode<synchronous>, transform_indices = @transform_3, window_bounds = array<i64: 1, 768>}, {pipeline_mode = #tpu.pipeline_mode<synchronous>, transform_indices = @transform_4, window_bounds = array<i64: 8, 768>}, {transform_indices = @transform_5, window_bounds = array<i64: 256, 768>}, {transform_indices = @transform_6, window_bounds = array<i64: 256>}]} {
    %get3A = arith.constant 0 : index
    %get3A_0 = arith.constant 0 : index
    %get3A_1 = vector.load %arg2[%get3A, %get3A_0] : memref<256x768xf32, #tpu.memory_space<vmem>>, vector<256x768xf32>
    %get3A_2 = arith.constant 0 : index
    %get3A_3 = arith.constant 0 : index
    %get3A_4 = vector.load %arg1[%get3A_2, %get3A_3] : memref<256x768xbf16, #tpu.memory_space<vmem>>, vector<256x768xbf16>
    %get3A_5 = arith.constant 0 : index
    %get3A_6 = arith.constant 0 : index
    %get3A_7 = vector.load %arg3[%get3A_5, %get3A_6] : memref<768x768xf32, #tpu.memory_space<vmem>>, vector<768x768xf32>
    %convert_element_type3A = arith.truncf %get3A_7 : vector<768x768xf32> to vector<768x768xbf16>
    %dot_general3A = arith.constant dense<0.000000e+00> : vector<256x768xf32>
    %dot_general3A_8 = tpu.matmul %get3A_4, %convert_element_type3A, %dot_general3A {dimension_numbers = #tpu.dot_dimension_numbers<[1], [1], [0], [0], [0, 0, 1, 0], [], []>, transpose_lhs_hint = false} : vector<256x768xbf16>, vector<768x768xbf16>, vector<256x768xf32> -> vector<256x768xf32>
    %add3A = arith.addf %get3A_1, %dot_general3A_8 : vector<256x768xf32>
    %swap3A = arith.constant 0 : index
    %swap3A_9 = arith.constant 0 : index
    %swap3A_10 = vector.load %arg6[%swap3A, %swap3A_9] : memref<256x768xf32, #tpu.memory_space<vmem>>, vector<256x768xf32>
    tpu.vector_store %arg6[%swap3A, %swap3A_9], %add3A {strides = array<i32>} : memref<256x768xf32, #tpu.memory_space<vmem>>, vector<256x768xf32>,
    %square3A = arith.mulf %add3A, %add3A : vector<256x768xf32>
    %reduce_sum3A = arith.constant dense<0.000000e+00> : vector<256xf32>
    %reduce_sum3A_11 = vector.multi_reduction <add>, %square3A, %reduce_sum3A [1] : vector<256x768xf32> to vector<256xf32>
    %broadcast_in_dim3A = vector.shape_cast %reduce_sum3A_11 : vector<256xf32> to vector<256x1xf32>
    %div3A = arith.constant 7.680000e+02 : f32
    %div3A_12 = vector.broadcast %div3A : f32 to vector<256x1xf32>
    %div3A_13 = arith.divf %broadcast_in_dim3A, %div3A_12 : vector<256x1xf32>
    %add3A_14 = arith.constant 9.99999974E-6 : f32
    %add3A_15 = vector.broadcast %add3A_14 : f32 to vector<256x1xf32>
    %add3A_16 = arith.addf %div3A_13, %add3A_15 : vector<256x1xf32>
    %rsqrt3A = math.rsqrt %add3A_16 : vector<256x1xf32>
    %mul3A = vector.broadcast %rsqrt3A : vector<256x1xf32> to vector<256x768xf32>
    %mul3A_17 = arith.mulf %add3A, %mul3A : vector<256x768xf32>
    %get3A_18 = arith.constant 0 : index
    %get3A_19 = arith.constant 0 : index
    %get3A_20 = vector.load %arg4[%get3A_18, %get3A_19] : memref<1x768xf32, #tpu.memory_space<vmem>>, vector<1x768xf32>
    %mul3A_21 = vector.broadcast %get3A_20 : vector<1x768xf32> to vector<256x768xf32>
    %mul3A_22 = arith.mulf %mul3A_17, %mul3A_21 : vector<256x768xf32>
    %convert_element_type3A_23 = arith.truncf %mul3A_22 : vector<256x768xf32> to vector<256x768xbf16>
    %get3A_24 = arith.constant 0 : index
    %get3A_25 = arith.constant 0 : index
    %get3A_26 = vector.load %arg5[%get3A_24, %get3A_25] : memref<8x768xf32, #tpu.memory_space<vmem>>, vector<8x768xf32>
    %convert_element_type3A_27 = arith.truncf %get3A_26 : vector<8x768xf32> to vector<8x768xbf16>
    %dot_general3A_28 = arith.constant dense<0.000000e+00> : vector<256x8xf32>
    %dot_general3A_29 = tpu.matmul %convert_element_type3A_23, %convert_element_type3A_27, %dot_general3A_28 {dimension_numbers = #tpu.dot_dimension_numbers<[1], [1], [0], [0], [0, 0, 1, 0], [], []>, transpose_lhs_hint = false} : vector<256x768xbf16>, vector<8x768xbf16>, vector<256x8xf32> -> vector<256x8xf32>
    %reduce_max3A = arith.constant dense<0xFF800000> : vector<256xf32>
    %reduce_max3A_30 = vector.multi_reduction <maximumf>, %dot_general3A_29, %reduce_max3A [1] : vector<256x8xf32> to vector<256xf32>
    %broadcast_in_dim3A_31 = vector.shape_cast %reduce_max3A_30 : vector<256xf32> to vector<256x1xf32>
    %iota3A = tpu.iota {dimensions = array<i32: 1>} : vector<256x8xi32>
    %eq3A = vector.broadcast %broadcast_in_dim3A_31 : vector<256x1xf32> to vector<256x8xf32>
    %eq3A_32 = arith.cmpf oeq, %dot_general3A_29, %eq3A : vector<256x8xf32>
    %jit3A = arith.constant 8 : i32
    %broadcast_in_dim3A_33 = vector.broadcast %jit3A : i32 to vector<256x8xi32>
    %select_n3A = arith.select %eq3A_32, %iota3A, %broadcast_in_dim3A_33 : vector<256x8xi1>, vector<256x8xi32>
    %reduce_min3A = arith.constant dense<2147483647> : vector<256xi32>
    %reduce_min3A_34 = vector.multi_reduction <minsi>, %select_n3A, %reduce_min3A [1] : vector<256x8xi32> to vector<256xi32>
    %swap3A_35 = arith.constant 0 : index
    %swap3A_36 = vector.load %arg7[%swap3A_35] : memref<256xi32, #tpu.memory_space<vmem>>, vector<256xi32>
    tpu.vector_store %arg7[%swap3A_35], %reduce_min3A_34 {strides = array<i32>} : memref<256xi32, #tpu.memory_space<vmem>>, vector<256xi32>,
    return
  }
  func.func @transform_0(%arg0: i32) -> (i32, i32) {
    %c0_i32 = arith.constant 0 : i32
    %c0_i32_0 = arith.constant 0 : i32
    return %arg0, %c0_i32 : i32, i32
  }
  func.func @transform_1(%arg0: i32) -> (i32, i32) {
    %c0_i32 = arith.constant 0 : i32
    %c0_i32_0 = arith.constant 0 : i32
    return %arg0, %c0_i32 : i32, i32
  }
  func.func @transform_2(%arg0: i32) -> (i32, i32) {
    %c0_i32 = arith.constant 0 : i32
    %c0_i32_0 = arith.constant 0 : i32
    %c0_i32_1 = arith.constant 0 : i32
    return %c0_i32, %c0_i32_0 : i32, i32
  }
  func.func @transform_3(%arg0: i32) -> (i32, i32) {
    %c0_i32 = arith.constant 0 : i32
    %c0_i32_0 = arith.constant 0 : i32
    %c0_i32_1 = arith.constant 0 : i32
    return %c0_i32, %c0_i32_0 : i32, i32
  }
  func.func @transform_4(%arg0: i32) -> (i32, i32) {
    %c0_i32 = arith.constant 0 : i32
    %c0_i32_0 = arith.constant 0 : i32
    %c0_i32_1 = arith.constant 0 : i32
    return %c0_i32, %c0_i32_0 : i32, i32
  }
  func.func @transform_5(%arg0: i32) -> (i32, i32) {
    %c0_i32 = arith.constant 0 : i32
    %c0_i32_0 = arith.constant 0 : i32
    return %arg0, %c0_i32 : i32, i32
  }
  func.func @transform_6(%arg0: i32) -> i32 {
    %c0_i32 = arith.constant 0 : i32
    return %arg0 : i32
  }
}

module attributes {stable_mosaic.version = 14 : i64} {
  func.func @_moe_body(%arg0: i32, %arg1: memref<15xi32, #tpu.memory_space<smem>>, %arg2: memref<15xi32, #tpu.memory_space<smem>>, %arg3: memref<15xi32, #tpu.memory_space<smem>>, %arg4: memref<15xi32, #tpu.memory_space<smem>>, %arg5: memref<15xi32, #tpu.memory_space<smem>>, %arg6: memref<15xi32, #tpu.memory_space<smem>>, %arg7: memref<256x768xf32, #tpu.memory_space<vmem>>, %arg8: memref<1x768xf32, #tpu.memory_space<vmem>>, %arg9: memref<8x768x768xf32, #tpu.memory_space<any>>, %arg10: memref<8x768x768xf32, #tpu.memory_space<any>>, %arg11: memref<8x768x768xf32, #tpu.memory_space<any>>, %arg12: memref<256x768xf32, #tpu.memory_space<vmem>>, %arg13: memref<2x3x768x768xf32, #tpu.memory_space<vmem>>, %arg14: memref<2x3x!tpu.dma_semaphore, #tpu.memory_space<semaphore_mem>>) attributes {dimension_semantics = [#tpu.dimension_semantics<arbitrary>], iteration_bounds = array<i64: 15>, scalar_prefetch = 6 : i64, scratch_operands = 2 : i64, tpu.core_type = #tpu.core_type<tc>, window_params = [{transform_indices = @transform_0, window_bounds = array<i64: 256, 768>}, {pipeline_mode = #tpu.pipeline_mode<synchronous>, transform_indices = @transform_1, window_bounds = array<i64: 1, 768>}, {}, {}, {}, {transform_indices = @transform_5, window_bounds = array<i64: 256, 768>}]} {
    %get3A = arith.index_cast %arg0 : i32 to index
    %get3A_0 = memref.load %arg3[%get3A] : memref<15xi32, #tpu.memory_space<smem>>
    %get3A_1 = arith.index_cast %arg0 : i32 to index
    %get3A_2 = memref.load %arg4[%get3A_1] : memref<15xi32, #tpu.memory_space<smem>>
    %get3A_3 = arith.index_cast %arg0 : i32 to index
    %get3A_4 = memref.load %arg6[%get3A_3] : memref<15xi32, #tpu.memory_space<smem>>
    %get3A_5 = arith.index_cast %arg0 : i32 to index
    %get3A_6 = memref.load %arg2[%get3A_5] : memref<15xi32, #tpu.memory_space<smem>>
    %get3A_7 = arith.index_cast %arg0 : i32 to index
    %get3A_8 = memref.load %arg5[%get3A_7] : memref<15xi32, #tpu.memory_space<smem>>
    %eq3A = arith.constant 0 : i32
    %eq3A_9 = arith.cmpi eq, %arg0, %eq3A : i32
    %get3A_10 = arith.index_cast %arg0 : i32 to index
    %get3A_11 = memref.load %arg1[%get3A_10] : memref<15xi32, #tpu.memory_space<smem>>
    %sub3A = arith.constant 1 : i32
    %sub3A_12 = arith.subi %arg0, %sub3A : i32
    %max3A = arith.constant 0 : i32
    %max3A_13 = arith.maxsi %sub3A_12, %max3A : i32
    %get3A_14 = arith.index_cast %max3A_13 : i32 to index
    %get3A_15 = memref.load %arg1[%get3A_14] : memref<15xi32, #tpu.memory_space<smem>>
    %ne3A = arith.cmpi ne, %get3A_11, %get3A_15 : i32
    %or3A = arith.ori %eq3A_9, %ne3A : i1
    %eq3A_16 = arith.constant 0 : i32
    %eq3A_17 = arith.cmpi eq, %arg0, %eq3A_16 : i32
    %sub3A_18 = arith.constant 1 : i32
    %sub3A_19 = arith.subi %arg0, %sub3A_18 : i32
    %max3A_20 = arith.constant 0 : i32
    %max3A_21 = arith.maxsi %sub3A_19, %max3A_20 : i32
    %get3A_22 = arith.index_cast %max3A_21 : i32 to index
    %get3A_23 = memref.load %arg2[%get3A_22] : memref<15xi32, #tpu.memory_space<smem>>
    %ne3A_24 = arith.cmpi ne, %get3A_23, %get3A_6 : i32
    %or3A_25 = arith.ori %eq3A_17, %ne3A_24 : i1
    %eq3A_26 = arith.constant 0 : i32
    %eq3A_27 = arith.cmpi eq, %arg0, %eq3A_26 : i32
    %convert_element_type3A = arith.extui %eq3A_27 : i1 to i32
    %cond3A = arith.constant 0 : i32
    %cond3A_28 = arith.cmpi ne, %convert_element_type3A, %cond3A : i32
    scf.if %cond3A_28 {
      %dma_start3A = arith.constant 0 : i32
      %dma_start3A_42 = arith.constant 0 : i32
      %dma_start3A_43 = arith.constant 0 : i32
      %dma_start3A_44 = arith.constant 0 : i32
      %dma_start3A_45 = tpu.memref_slice %arg14[%dma_start3A_43, %dma_start3A_44] : memref<2x3x!tpu.dma_semaphore, #tpu.memory_space<semaphore_mem>> -> memref<1x1x!tpu.dma_semaphore, #tpu.memory_space<semaphore_mem>>
      %dma_start3A_46 = tpu.memref_squeeze %dma_start3A_45 : memref<1x1x!tpu.dma_semaphore, #tpu.memory_space<semaphore_mem>> -> memref<!tpu.dma_semaphore, #tpu.memory_space<semaphore_mem>>
      %dma_start3A_47 = arith.constant 0 : i32
      %dma_start3A_48 = arith.constant 0 : i32
      %dma_start3A_49 = tpu.memref_slice %arg13[%dma_start3A, %dma_start3A_42, %dma_start3A_47, %dma_start3A_48] : memref<2x3x768x768xf32, #tpu.memory_space<vmem>> -> memref<1x1x768x768xf32, #tpu.memory_space<vmem>>
      %dma_start3A_50 = tpu.memref_squeeze %dma_start3A_49 : memref<1x1x768x768xf32, #tpu.memory_space<vmem>> -> memref<768x768xf32, #tpu.memory_space<vmem>>
      %dma_start3A_51 = arith.constant 0 : i32
      %dma_start3A_52 = arith.constant 0 : i32
      %dma_start3A_53 = tpu.memref_slice %arg9[%get3A_6, %dma_start3A_51, %dma_start3A_52] : memref<8x768x768xf32, #tpu.memory_space<any>> -> memref<1x768x768xf32, #tpu.memory_space<any>>
      %dma_start3A_54 = tpu.memref_squeeze %dma_start3A_53 : memref<1x768x768xf32, #tpu.memory_space<any>> -> memref<768x768xf32, #tpu.memory_space<any>>
      tpu.enqueue_dma source(%dma_start3A_54 : memref<768x768xf32, #tpu.memory_space<any>>) target(%dma_start3A_50 : memref<768x768xf32, #tpu.memory_space<vmem>>) target_semaphore(%dma_start3A_46 : memref<!tpu.dma_semaphore, #tpu.memory_space<semaphore_mem>>)
      %dma_start3A_55 = arith.constant 0 : i32
      %dma_start3A_56 = arith.constant 1 : i32
      %dma_start3A_57 = arith.constant 0 : i32
      %dma_start3A_58 = arith.constant 1 : i32
      %dma_start3A_59 = tpu.memref_slice %arg14[%dma_start3A_57, %dma_start3A_58] : memref<2x3x!tpu.dma_semaphore, #tpu.memory_space<semaphore_mem>> -> memref<1x1x!tpu.dma_semaphore, #tpu.memory_space<semaphore_mem>>
      %dma_start3A_60 = tpu.memref_squeeze %dma_start3A_59 : memref<1x1x!tpu.dma_semaphore, #tpu.memory_space<semaphore_mem>> -> memref<!tpu.dma_semaphore, #tpu.memory_space<semaphore_mem>>
      %dma_start3A_61 = arith.constant 0 : i32
      %dma_start3A_62 = arith.constant 0 : i32
      %dma_start3A_63 = tpu.memref_slice %arg13[%dma_start3A_55, %dma_start3A_56, %dma_start3A_61, %dma_start3A_62] : memref<2x3x768x768xf32, #tpu.memory_space<vmem>> -> memref<1x1x768x768xf32, #tpu.memory_space<vmem>>
      %dma_start3A_64 = tpu.memref_squeeze %dma_start3A_63 : memref<1x1x768x768xf32, #tpu.memory_space<vmem>> -> memref<768x768xf32, #tpu.memory_space<vmem>>
      %dma_start3A_65 = arith.constant 0 : i32
      %dma_start3A_66 = arith.constant 0 : i32
      %dma_start3A_67 = tpu.memref_slice %arg10[%get3A_6, %dma_start3A_65, %dma_start3A_66] : memref<8x768x768xf32, #tpu.memory_space<any>> -> memref<1x768x768xf32, #tpu.memory_space<any>>
      %dma_start3A_68 = tpu.memref_squeeze %dma_start3A_67 : memref<1x768x768xf32, #tpu.memory_space<any>> -> memref<768x768xf32, #tpu.memory_space<any>>
      tpu.enqueue_dma source(%dma_start3A_68 : memref<768x768xf32, #tpu.memory_space<any>>) target(%dma_start3A_64 : memref<768x768xf32, #tpu.memory_space<vmem>>) target_semaphore(%dma_start3A_60 : memref<!tpu.dma_semaphore, #tpu.memory_space<semaphore_mem>>)
      %dma_start3A_69 = arith.constant 0 : i32
      %dma_start3A_70 = arith.constant 2 : i32
      %dma_start3A_71 = arith.constant 0 : i32
      %dma_start3A_72 = arith.constant 2 : i32
      %dma_start3A_73 = tpu.memref_slice %arg14[%dma_start3A_71, %dma_start3A_72] : memref<2x3x!tpu.dma_semaphore, #tpu.memory_space<semaphore_mem>> -> memref<1x1x!tpu.dma_semaphore, #tpu.memory_space<semaphore_mem>>
      %dma_start3A_74 = tpu.memref_squeeze %dma_start3A_73 : memref<1x1x!tpu.dma_semaphore, #tpu.memory_space<semaphore_mem>> -> memref<!tpu.dma_semaphore, #tpu.memory_space<semaphore_mem>>
      %dma_start3A_75 = arith.constant 0 : i32
      %dma_start3A_76 = arith.constant 0 : i32
      %dma_start3A_77 = tpu.memref_slice %arg13[%dma_start3A_69, %dma_start3A_70, %dma_start3A_75, %dma_start3A_76] : memref<2x3x768x768xf32, #tpu.memory_space<vmem>> -> memref<1x1x768x768xf32, #tpu.memory_space<vmem>>
      %dma_start3A_78 = tpu.memref_squeeze %dma_start3A_77 : memref<1x1x768x768xf32, #tpu.memory_space<vmem>> -> memref<768x768xf32, #tpu.memory_space<vmem>>
      %dma_start3A_79 = arith.constant 0 : i32
      %dma_start3A_80 = arith.constant 0 : i32
      %dma_start3A_81 = tpu.memref_slice %arg11[%get3A_6, %dma_start3A_79, %dma_start3A_80] : memref<8x768x768xf32, #tpu.memory_space<any>> -> memref<1x768x768xf32, #tpu.memory_space<any>>
      %dma_start3A_82 = tpu.memref_squeeze %dma_start3A_81 : memref<1x768x768xf32, #tpu.memory_space<any>> -> memref<768x768xf32, #tpu.memory_space<any>>
      tpu.enqueue_dma source(%dma_start3A_82 : memref<768x768xf32, #tpu.memory_space<any>>) target(%dma_start3A_78 : memref<768x768xf32, #tpu.memory_space<vmem>>) target_semaphore(%dma_start3A_74 : memref<!tpu.dma_semaphore, #tpu.memory_space<semaphore_mem>>)
    } else {
    }
    %convert_element_type3A_29 = arith.extui %or3A_25 : i1 to i32
    %cond3A_30 = arith.constant 0 : i32
    %cond3A_31 = arith.cmpi ne, %convert_element_type3A_29, %cond3A_30 : i32
    scf.if %cond3A_31 {
      %dma_wait3A = arith.constant 0 : i32
      %dma_wait3A_42 = arith.constant 0 : i32
      %dma_wait3A_43 = tpu.memref_slice %arg14[%get3A_4, %dma_wait3A_42] : memref<2x3x!tpu.dma_semaphore, #tpu.memory_space<semaphore_mem>> -> memref<1x1x!tpu.dma_semaphore, #tpu.memory_space<semaphore_mem>>
      %dma_wait3A_44 = tpu.memref_squeeze %dma_wait3A_43 : memref<1x1x!tpu.dma_semaphore, #tpu.memory_space<semaphore_mem>> -> memref<!tpu.dma_semaphore, #tpu.memory_space<semaphore_mem>>
      %dma_wait3A_45 = arith.constant 0 : i32
      %dma_wait3A_46 = arith.constant 0 : i32
      %dma_wait3A_47 = tpu.memref_slice %arg13[%get3A_4, %dma_wait3A, %dma_wait3A_45, %dma_wait3A_46] : memref<2x3x768x768xf32, #tpu.memory_space<vmem>> -> memref<1x1x768x768xf32, #tpu.memory_space<vmem>>
      %dma_wait3A_48 = tpu.memref_squeeze %dma_wait3A_47 : memref<1x1x768x768xf32, #tpu.memory_space<vmem>> -> memref<768x768xf32, #tpu.memory_space<vmem>>
      %dma_wait3A_49 = arith.constant 0 : i32
      %dma_wait3A_50 = arith.constant 0 : i32
      %dma_wait3A_51 = tpu.memref_slice %arg9[%get3A_6, %dma_wait3A_49, %dma_wait3A_50] : memref<8x768x768xf32, #tpu.memory_space<any>> -> memref<1x768x768xf32, #tpu.memory_space<any>>
      %dma_wait3A_52 = tpu.memref_squeeze %dma_wait3A_51 : memref<1x768x768xf32, #tpu.memory_space<any>> -> memref<768x768xf32, #tpu.memory_space<any>>
      tpu.wait_dma2 semaphore(%dma_wait3A_44 : memref<!tpu.dma_semaphore, #tpu.memory_space<semaphore_mem>>) src(%dma_wait3A_52 : memref<768x768xf32, #tpu.memory_space<any>>) dst(%dma_wait3A_48 : memref<768x768xf32, #tpu.memory_space<vmem>>)
      %dma_wait3A_53 = arith.constant 1 : i32
      %dma_wait3A_54 = arith.constant 1 : i32
      %dma_wait3A_55 = tpu.memref_slice %arg14[%get3A_4, %dma_wait3A_54] : memref<2x3x!tpu.dma_semaphore, #tpu.memory_space<semaphore_mem>> -> memref<1x1x!tpu.dma_semaphore, #tpu.memory_space<semaphore_mem>>
      %dma_wait3A_56 = tpu.memref_squeeze %dma_wait3A_55 : memref<1x1x!tpu.dma_semaphore, #tpu.memory_space<semaphore_mem>> -> memref<!tpu.dma_semaphore, #tpu.memory_space<semaphore_mem>>
      %dma_wait3A_57 = arith.constant 0 : i32
      %dma_wait3A_58 = arith.constant 0 : i32
      %dma_wait3A_59 = tpu.memref_slice %arg13[%get3A_4, %dma_wait3A_53, %dma_wait3A_57, %dma_wait3A_58] : memref<2x3x768x768xf32, #tpu.memory_space<vmem>> -> memref<1x1x768x768xf32, #tpu.memory_space<vmem>>
      %dma_wait3A_60 = tpu.memref_squeeze %dma_wait3A_59 : memref<1x1x768x768xf32, #tpu.memory_space<vmem>> -> memref<768x768xf32, #tpu.memory_space<vmem>>
      %dma_wait3A_61 = arith.constant 0 : i32
      %dma_wait3A_62 = arith.constant 0 : i32
      %dma_wait3A_63 = tpu.memref_slice %arg10[%get3A_6, %dma_wait3A_61, %dma_wait3A_62] : memref<8x768x768xf32, #tpu.memory_space<any>> -> memref<1x768x768xf32, #tpu.memory_space<any>>
      %dma_wait3A_64 = tpu.memref_squeeze %dma_wait3A_63 : memref<1x768x768xf32, #tpu.memory_space<any>> -> memref<768x768xf32, #tpu.memory_space<any>>
      tpu.wait_dma2 semaphore(%dma_wait3A_56 : memref<!tpu.dma_semaphore, #tpu.memory_space<semaphore_mem>>) src(%dma_wait3A_64 : memref<768x768xf32, #tpu.memory_space<any>>) dst(%dma_wait3A_60 : memref<768x768xf32, #tpu.memory_space<vmem>>)
      %dma_wait3A_65 = arith.constant 2 : i32
      %dma_wait3A_66 = arith.constant 2 : i32
      %dma_wait3A_67 = tpu.memref_slice %arg14[%get3A_4, %dma_wait3A_66] : memref<2x3x!tpu.dma_semaphore, #tpu.memory_space<semaphore_mem>> -> memref<1x1x!tpu.dma_semaphore, #tpu.memory_space<semaphore_mem>>
      %dma_wait3A_68 = tpu.memref_squeeze %dma_wait3A_67 : memref<1x1x!tpu.dma_semaphore, #tpu.memory_space<semaphore_mem>> -> memref<!tpu.dma_semaphore, #tpu.memory_space<semaphore_mem>>
      %dma_wait3A_69 = arith.constant 0 : i32
      %dma_wait3A_70 = arith.constant 0 : i32
      %dma_wait3A_71 = tpu.memref_slice %arg13[%get3A_4, %dma_wait3A_65, %dma_wait3A_69, %dma_wait3A_70] : memref<2x3x768x768xf32, #tpu.memory_space<vmem>> -> memref<1x1x768x768xf32, #tpu.memory_space<vmem>>
      %dma_wait3A_72 = tpu.memref_squeeze %dma_wait3A_71 : memref<1x1x768x768xf32, #tpu.memory_space<vmem>> -> memref<768x768xf32, #tpu.memory_space<vmem>>
      %dma_wait3A_73 = arith.constant 0 : i32
      %dma_wait3A_74 = arith.constant 0 : i32
      %dma_wait3A_75 = tpu.memref_slice %arg11[%get3A_6, %dma_wait3A_73, %dma_wait3A_74] : memref<8x768x768xf32, #tpu.memory_space<any>> -> memref<1x768x768xf32, #tpu.memory_space<any>>
      %dma_wait3A_76 = tpu.memref_squeeze %dma_wait3A_75 : memref<1x768x768xf32, #tpu.memory_space<any>> -> memref<768x768xf32, #tpu.memory_space<any>>
      tpu.wait_dma2 semaphore(%dma_wait3A_68 : memref<!tpu.dma_semaphore, #tpu.memory_space<semaphore_mem>>) src(%dma_wait3A_76 : memref<768x768xf32, #tpu.memory_space<any>>) dst(%dma_wait3A_72 : memref<768x768xf32, #tpu.memory_space<vmem>>)
    } else {
    }
    %ne3A_32 = arith.cmpi ne, %get3A_8, %get3A_6 : i32
    %and3A = arith.andi %or3A_25, %ne3A_32 : i1
    %convert_element_type3A_33 = arith.extui %and3A : i1 to i32
    %cond3A_34 = arith.constant 0 : i32
    %cond3A_35 = arith.cmpi ne, %convert_element_type3A_33, %cond3A_34 : i32
    scf.if %cond3A_35 {
      %sub3A_42 = arith.constant 1 : i32
      %sub3A_43 = arith.subi %sub3A_42, %get3A_4 : i32
      %sub3A_44 = arith.constant 1 : i32
      %sub3A_45 = arith.subi %sub3A_44, %get3A_4 : i32
      %dma_start3A = arith.constant 0 : i32
      %dma_start3A_46 = arith.constant 0 : i32
      %dma_start3A_47 = tpu.memref_slice %arg14[%sub3A_45, %dma_start3A_46] : memref<2x3x!tpu.dma_semaphore, #tpu.memory_space<semaphore_mem>> -> memref<1x1x!tpu.dma_semaphore, #tpu.memory_space<semaphore_mem>>
      %dma_start3A_48 = tpu.memref_squeeze %dma_start3A_47 : memref<1x1x!tpu.dma_semaphore, #tpu.memory_space<semaphore_mem>> -> memref<!tpu.dma_semaphore, #tpu.memory_space<semaphore_mem>>
      %dma_start3A_49 = arith.constant 0 : i32
      %dma_start3A_50 = arith.constant 0 : i32
      %dma_start3A_51 = tpu.memref_slice %arg13[%sub3A_43, %dma_start3A, %dma_start3A_49, %dma_start3A_50] : memref<2x3x768x768xf32, #tpu.memory_space<vmem>> -> memref<1x1x768x768xf32, #tpu.memory_space<vmem>>
      %dma_start3A_52 = tpu.memref_squeeze %dma_start3A_51 : memref<1x1x768x768xf32, #tpu.memory_space<vmem>> -> memref<768x768xf32, #tpu.memory_space<vmem>>
      %dma_start3A_53 = arith.constant 0 : i32
      %dma_start3A_54 = arith.constant 0 : i32
      %dma_start3A_55 = tpu.memref_slice %arg9[%get3A_8, %dma_start3A_53, %dma_start3A_54] : memref<8x768x768xf32, #tpu.memory_space<any>> -> memref<1x768x768xf32, #tpu.memory_space<any>>
      %dma_start3A_56 = tpu.memref_squeeze %dma_start3A_55 : memref<1x768x768xf32, #tpu.memory_space<any>> -> memref<768x768xf32, #tpu.memory_space<any>>
      tpu.enqueue_dma source(%dma_start3A_56 : memref<768x768xf32, #tpu.memory_space<any>>) target(%dma_start3A_52 : memref<768x768xf32, #tpu.memory_space<vmem>>) target_semaphore(%dma_start3A_48 : memref<!tpu.dma_semaphore, #tpu.memory_space<semaphore_mem>>)
      %sub3A_57 = arith.constant 1 : i32
      %sub3A_58 = arith.subi %sub3A_57, %get3A_4 : i32
      %sub3A_59 = arith.constant 1 : i32
      %sub3A_60 = arith.subi %sub3A_59, %get3A_4 : i32
      %dma_start3A_61 = arith.constant 1 : i32
      %dma_start3A_62 = arith.constant 1 : i32
      %dma_start3A_63 = tpu.memref_slice %arg14[%sub3A_60, %dma_start3A_62] : memref<2x3x!tpu.dma_semaphore, #tpu.memory_space<semaphore_mem>> -> memref<1x1x!tpu.dma_semaphore, #tpu.memory_space<semaphore_mem>>
      %dma_start3A_64 = tpu.memref_squeeze %dma_start3A_63 : memref<1x1x!tpu.dma_semaphore, #tpu.memory_space<semaphore_mem>> -> memref<!tpu.dma_semaphore, #tpu.memory_space<semaphore_mem>>
      %dma_start3A_65 = arith.constant 0 : i32
      %dma_start3A_66 = arith.constant 0 : i32
      %dma_start3A_67 = tpu.memref_slice %arg13[%sub3A_58, %dma_start3A_61, %dma_start3A_65, %dma_start3A_66] : memref<2x3x768x768xf32, #tpu.memory_space<vmem>> -> memref<1x1x768x768xf32, #tpu.memory_space<vmem>>
      %dma_start3A_68 = tpu.memref_squeeze %dma_start3A_67 : memref<1x1x768x768xf32, #tpu.memory_space<vmem>> -> memref<768x768xf32, #tpu.memory_space<vmem>>
      %dma_start3A_69 = arith.constant 0 : i32
      %dma_start3A_70 = arith.constant 0 : i32
      %dma_start3A_71 = tpu.memref_slice %arg10[%get3A_8, %dma_start3A_69, %dma_start3A_70] : memref<8x768x768xf32, #tpu.memory_space<any>> -> memref<1x768x768xf32, #tpu.memory_space<any>>
      %dma_start3A_72 = tpu.memref_squeeze %dma_start3A_71 : memref<1x768x768xf32, #tpu.memory_space<any>> -> memref<768x768xf32, #tpu.memory_space<any>>
      tpu.enqueue_dma source(%dma_start3A_72 : memref<768x768xf32, #tpu.memory_space<any>>) target(%dma_start3A_68 : memref<768x768xf32, #tpu.memory_space<vmem>>) target_semaphore(%dma_start3A_64 : memref<!tpu.dma_semaphore, #tpu.memory_space<semaphore_mem>>)
      %sub3A_73 = arith.constant 1 : i32
      %sub3A_74 = arith.subi %sub3A_73, %get3A_4 : i32
      %sub3A_75 = arith.constant 1 : i32
      %sub3A_76 = arith.subi %sub3A_75, %get3A_4 : i32
      %dma_start3A_77 = arith.constant 2 : i32
      %dma_start3A_78 = arith.constant 2 : i32
      %dma_start3A_79 = tpu.memref_slice %arg14[%sub3A_76, %dma_start3A_78] : memref<2x3x!tpu.dma_semaphore, #tpu.memory_space<semaphore_mem>> -> memref<1x1x!tpu.dma_semaphore, #tpu.memory_space<semaphore_mem>>
      %dma_start3A_80 = tpu.memref_squeeze %dma_start3A_79 : memref<1x1x!tpu.dma_semaphore, #tpu.memory_space<semaphore_mem>> -> memref<!tpu.dma_semaphore, #tpu.memory_space<semaphore_mem>>
      %dma_start3A_81 = arith.constant 0 : i32
      %dma_start3A_82 = arith.constant 0 : i32
      %dma_start3A_83 = tpu.memref_slice %arg13[%sub3A_74, %dma_start3A_77, %dma_start3A_81, %dma_start3A_82] : memref<2x3x768x768xf32, #tpu.memory_space<vmem>> -> memref<1x1x768x768xf32, #tpu.memory_space<vmem>>
      %dma_start3A_84 = tpu.memref_squeeze %dma_start3A_83 : memref<1x1x768x768xf32, #tpu.memory_space<vmem>> -> memref<768x768xf32, #tpu.memory_space<vmem>>
      %dma_start3A_85 = arith.constant 0 : i32
      %dma_start3A_86 = arith.constant 0 : i32
      %dma_start3A_87 = tpu.memref_slice %arg11[%get3A_8, %dma_start3A_85, %dma_start3A_86] : memref<8x768x768xf32, #tpu.memory_space<any>> -> memref<1x768x768xf32, #tpu.memory_space<any>>
      %dma_start3A_88 = tpu.memref_squeeze %dma_start3A_87 : memref<1x768x768xf32, #tpu.memory_space<any>> -> memref<768x768xf32, #tpu.memory_space<any>>
      tpu.enqueue_dma source(%dma_start3A_88 : memref<768x768xf32, #tpu.memory_space<any>>) target(%dma_start3A_84 : memref<768x768xf32, #tpu.memory_space<vmem>>) target_semaphore(%dma_start3A_80 : memref<!tpu.dma_semaphore, #tpu.memory_space<semaphore_mem>>)
    } else {
    }
    %convert_element_type3A_36 = arith.extui %or3A : i1 to i32
    %cond3A_37 = arith.constant 0 : i32
    %cond3A_38 = arith.cmpi ne, %convert_element_type3A_36, %cond3A_37 : i32
    scf.if %cond3A_38 {
      %broadcast_in_dim3A = arith.constant 0.000000e+00 : f32
      %broadcast_in_dim3A_42 = vector.broadcast %broadcast_in_dim3A : f32 to vector<256x768xf32>
      %swap3A = arith.constant 0 : index
      %swap3A_43 = arith.constant 0 : index
      %swap3A_44 = vector.load %arg12[%swap3A, %swap3A_43] : memref<256x768xf32, #tpu.memory_space<vmem>>, vector<256x768xf32>
      tpu.vector_store %arg12[%swap3A, %swap3A_43], %broadcast_in_dim3A_42 {strides = array<i32>} : memref<256x768xf32, #tpu.memory_space<vmem>>, vector<256x768xf32>,
    } else {
    }
    %gt3A = arith.cmpi sgt, %get3A_2, %get3A_0 : i32
    %convert_element_type3A_39 = arith.extui %gt3A : i1 to i32
    %cond3A_40 = arith.constant 0 : i32
    %cond3A_41 = arith.cmpi ne, %convert_element_type3A_39, %cond3A_40 : i32
    scf.if %cond3A_41 {
      %get3A_42 = arith.constant 0 : index
      %get3A_43 = arith.constant 0 : index
      %get3A_44 = vector.load %arg7[%get3A_42, %get3A_43] : memref<256x768xf32, #tpu.memory_space<vmem>>, vector<256x768xf32>
      %iota3A = tpu.iota {dimensions = array<i32: 0>} : vector<256x1xi32>
      %ge3A = vector.broadcast %get3A_0 : i32 to vector<256x1xi32>
      %ge3A_45 = arith.cmpi sge, %iota3A, %ge3A : vector<256x1xi32>
      %lt3A = vector.broadcast %get3A_2 : i32 to vector<256x1xi32>
      %lt3A_46 = arith.cmpi slt, %iota3A, %lt3A : vector<256x1xi32>
      %and3A_47 = arith.andi %ge3A_45, %lt3A_46 : vector<256x1xi1>
      %jit3A = arith.constant 0.000000e+00 : f32
      %broadcast_in_dim3A = vector.shape_cast %and3A_47 : vector<256x1xi1> to vector<256x1xi1>
      %broadcast_in_dim3A_48 = vector.broadcast %broadcast_in_dim3A : vector<256x1xi1> to vector<256x768xi1>
      %broadcast_in_dim3A_49 = vector.broadcast %jit3A : f32 to vector<256x768xf32>
      %select_n3A = arith.select %broadcast_in_dim3A_48, %get3A_44, %broadcast_in_dim3A_49 : vector<256x768xi1>, vector<256x768xf32>
      %square3A = arith.mulf %select_n3A, %select_n3A : vector<256x768xf32>
      %reduce_sum3A = arith.constant dense<0.000000e+00> : vector<256xf32>
      %reduce_sum3A_50 = vector.multi_reduction <add>, %square3A, %reduce_sum3A [1] : vector<256x768xf32> to vector<256xf32>
      %broadcast_in_dim3A_51 = vector.shape_cast %reduce_sum3A_50 : vector<256xf32> to vector<256x1xf32>
      %div3A = arith.constant 7.680000e+02 : f32
      %div3A_52 = vector.broadcast %div3A : f32 to vector<256x1xf32>
      %div3A_53 = arith.divf %broadcast_in_dim3A_51, %div3A_52 : vector<256x1xf32>
      %add3A = arith.constant 9.99999974E-6 : f32
      %add3A_54 = vector.broadcast %add3A : f32 to vector<256x1xf32>
      %add3A_55 = arith.addf %div3A_53, %add3A_54 : vector<256x1xf32>
      %rsqrt3A = math.rsqrt %add3A_55 : vector<256x1xf32>
      %mul3A = vector.broadcast %rsqrt3A : vector<256x1xf32> to vector<256x768xf32>
      %mul3A_56 = arith.mulf %select_n3A, %mul3A : vector<256x768xf32>
      %get3A_57 = arith.constant 0 : index
      %get3A_58 = arith.constant 0 : index
      %get3A_59 = vector.load %arg8[%get3A_57, %get3A_58] : memref<1x768xf32, #tpu.memory_space<vmem>>, vector<1x768xf32>
      %mul3A_60 = vector.broadcast %get3A_59 : vector<1x768xf32> to vector<256x768xf32>
      %mul3A_61 = arith.mulf %mul3A_56, %mul3A_60 : vector<256x768xf32>
      %convert_element_type3A_62 = arith.truncf %mul3A_61 : vector<256x768xf32> to vector<256x768xbf16>
      %get3A_63 = arith.index_cast %get3A_4 : i32 to index
      %get3A_64 = arith.constant 0 : index
      %get3A_65 = arith.constant 0 : index
      %get3A_66 = arith.constant 0 : index
      %get3A_67 = vector.load %arg13[%get3A_63, %get3A_64, %get3A_65, %get3A_66] : memref<2x3x768x768xf32, #tpu.memory_space<vmem>>, vector<1x1x768x768xf32>
      %get3A_68 = vector.shape_cast %get3A_67 : vector<1x1x768x768xf32> to vector<768x768xf32>
      %convert_element_type3A_69 = arith.truncf %get3A_68 : vector<768x768xf32> to vector<768x768xbf16>
      %dot_general3A = arith.constant dense<0.000000e+00> : vector<256x768xf32>
      %dot_general3A_70 = tpu.matmul %convert_element_type3A_62, %convert_element_type3A_69, %dot_general3A {dimension_numbers = #tpu.dot_dimension_numbers<[1], [1], [0], [0], [0, 0, 1, 0], [], []>, transpose_lhs_hint = false} : vector<256x768xbf16>, vector<768x768xbf16>, vector<256x768xf32> -> vector<256x768xf32>
      %max3A_71 = arith.constant 0.000000e+00 : f32
      %max3A_72 = vector.broadcast %max3A_71 : f32 to vector<256x768xf32>
      %max3A_73 = arith.maximumf %dot_general3A_70, %max3A_72 : vector<256x768xf32>
      %square3A_74 = arith.mulf %max3A_73, %max3A_73 : vector<256x768xf32>
      %get3A_75 = arith.index_cast %get3A_4 : i32 to index
      %get3A_76 = arith.constant 1 : index
      %get3A_77 = arith.constant 0 : index
      %get3A_78 = arith.constant 0 : index
      %get3A_79 = vector.load %arg13[%get3A_75, %get3A_76, %get3A_77, %get3A_78] : memref<2x3x768x768xf32, #tpu.memory_space<vmem>>, vector<1x1x768x768xf32>
      %get3A_80 = vector.shape_cast %get3A_79 : vector<1x1x768x768xf32> to vector<768x768xf32>
      %convert_element_type3A_81 = arith.truncf %get3A_80 : vector<768x768xf32> to vector<768x768xbf16>
      %dot_general3A_82 = arith.constant dense<0.000000e+00> : vector<256x768xf32>
      %dot_general3A_83 = tpu.matmul %convert_element_type3A_62, %convert_element_type3A_81, %dot_general3A_82 {dimension_numbers = #tpu.dot_dimension_numbers<[1], [1], [0], [0], [0, 0, 1, 0], [], []>, transpose_lhs_hint = false} : vector<256x768xbf16>, vector<768x768xbf16>, vector<256x768xf32> -> vector<256x768xf32>
      %mul3A_84 = arith.mulf %square3A_74, %dot_general3A_83 : vector<256x768xf32>
      %convert_element_type3A_85 = arith.truncf %mul3A_84 : vector<256x768xf32> to vector<256x768xbf16>
      %get3A_86 = arith.index_cast %get3A_4 : i32 to index
      %get3A_87 = arith.constant 2 : index
      %get3A_88 = arith.constant 0 : index
      %get3A_89 = arith.constant 0 : index
      %get3A_90 = vector.load %arg13[%get3A_86, %get3A_87, %get3A_88, %get3A_89] : memref<2x3x768x768xf32, #tpu.memory_space<vmem>>, vector<1x1x768x768xf32>
      %get3A_91 = vector.shape_cast %get3A_90 : vector<1x1x768x768xf32> to vector<768x768xf32>
      %convert_element_type3A_92 = arith.truncf %get3A_91 : vector<768x768xf32> to vector<768x768xbf16>
      %dot_general3A_93 = arith.constant dense<0.000000e+00> : vector<256x768xf32>
      %dot_general3A_94 = tpu.matmul %convert_element_type3A_85, %convert_element_type3A_92, %dot_general3A_93 {dimension_numbers = #tpu.dot_dimension_numbers<[1], [1], [0], [0], [0, 0, 1, 0], [], []>, transpose_lhs_hint = false} : vector<256x768xbf16>, vector<768x768xbf16>, vector<256x768xf32> -> vector<256x768xf32>
      %get3A_95 = arith.constant 0 : index
      %get3A_96 = arith.constant 0 : index
      %get3A_97 = vector.load %arg12[%get3A_95, %get3A_96] : memref<256x768xf32, #tpu.memory_space<vmem>>, vector<256x768xf32>
      %add3A_98 = arith.addf %dot_general3A_94, %get3A_44 : vector<256x768xf32>
      %jit3A_99 = arith.constant 0.000000e+00 : f32
      %broadcast_in_dim3A_100 = vector.shape_cast %and3A_47 : vector<256x1xi1> to vector<256x1xi1>
      %broadcast_in_dim3A_101 = vector.broadcast %broadcast_in_dim3A_100 : vector<256x1xi1> to vector<256x768xi1>
      %broadcast_in_dim3A_102 = vector.broadcast %jit3A_99 : f32 to vector<256x768xf32>
      %select_n3A_103 = arith.select %broadcast_in_dim3A_101, %add3A_98, %broadcast_in_dim3A_102 : vector<256x768xi1>, vector<256x768xf32>
      %add3A_104 = arith.addf %get3A_97, %select_n3A_103 : vector<256x768xf32>
      %swap3A = arith.constant 0 : index
      %swap3A_105 = arith.constant 0 : index
      %swap3A_106 = vector.load %arg12[%swap3A, %swap3A_105] : memref<256x768xf32, #tpu.memory_space<vmem>>, vector<256x768xf32>
      tpu.vector_store %arg12[%swap3A, %swap3A_105], %add3A_104 {strides = array<i32>} : memref<256x768xf32, #tpu.memory_space<vmem>>, vector<256x768xf32>,
    } else {
    }
    return
  }
  func.func @transform_0(%arg0: i32, %arg1: memref<15xi32, #tpu.memory_space<smem>>, %arg2: memref<15xi32, #tpu.memory_space<smem>>, %arg3: memref<15xi32, #tpu.memory_space<smem>>, %arg4: memref<15xi32, #tpu.memory_space<smem>>, %arg5: memref<15xi32, #tpu.memory_space<smem>>, %arg6: memref<15xi32, #tpu.memory_space<smem>>) -> (i32, i32) {
    %get3A = arith.index_cast %arg0 : i32 to index
    %get3A_0 = memref.load %arg1[%get3A] : memref<15xi32, #tpu.memory_space<smem>>
    %c0_i32 = arith.constant 0 : i32
    %c0_i32_1 = arith.constant 0 : i32
    return %get3A_0, %c0_i32 : i32, i32
  }
  func.func @transform_1(%arg0: i32, %arg1: memref<15xi32, #tpu.memory_space<smem>>, %arg2: memref<15xi32, #tpu.memory_space<smem>>, %arg3: memref<15xi32, #tpu.memory_space<smem>>, %arg4: memref<15xi32, #tpu.memory_space<smem>>, %arg5: memref<15xi32, #tpu.memory_space<smem>>, %arg6: memref<15xi32, #tpu.memory_space<smem>>) -> (i32, i32) {
    %c0_i32 = arith.constant 0 : i32
    %c0_i32_0 = arith.constant 0 : i32
    %c0_i32_1 = arith.constant 0 : i32
    return %c0_i32, %c0_i32_0 : i32, i32
  }
  func.func @transform_5(%arg0: i32, %arg1: memref<15xi32, #tpu.memory_space<smem>>, %arg2: memref<15xi32, #tpu.memory_space<smem>>, %arg3: memref<15xi32, #tpu.memory_space<smem>>, %arg4: memref<15xi32, #tpu.memory_space<smem>>, %arg5: memref<15xi32, #tpu.memory_space<smem>>, %arg6: memref<15xi32, #tpu.memory_space<smem>>) -> (i32, i32) {
    %get3A = arith.index_cast %arg0 : i32 to index
    %get3A_0 = memref.load %arg1[%get3A] : memref<15xi32, #tpu.memory_space<smem>>
    %c0_i32 = arith.constant 0 : i32
    %c0_i32_1 = arith.constant 0 : i32
    return %get3A_0, %c0_i32 : i32, i32
  }
}

</mosaic_0001>

<sc_bundles>
// kernel: kernel.11.cloned.1.call-start
scs
__scs_entry_jumppad:
0x0: {  	(pc) =	sbr.rel $0x88, $3  }
0x1: {  	(tag) =	ssettag $0x0;
	lr =	simm.s32 $0x1  }
0x2: {  	[smem:$0x3F96] =	sst lr;
	_ =	strace $0xD0000000  }
0x3: {  	_ = 	snop  }
0x4: {  	_ = 	snop  }
0x5: {  	_ = 	snop  }
0x6: {  	_ = 	snop  }
0x7: {  	_ = 	snop  }
__scs_overlays_trampoline_lowered:
0x8: {  	[smem:$0x3FA5] =	sst s0  }
0x9: {  	[smem:$0x3FA6] =	sst s1  }
0xa: {  	[smem:$0x3FA7] =	sst s2  }
0xb: {  	[smem:$0x3FA8] =	sst s3  }
0xc: {  	[smem:$0x3FA9] =	sst s4  }
0xd: {  	[smem:$0x3FAA] =	sst s5  }
0xe: {  	[smem:$0x3FAB] =	sst s6  }
0xf: {  	[smem:$0x3FAC] =	sst s7  }
0x10: {  	[smem:$0x3FAD] =	sst s8  }
0x11: {  	[smem:$0x3FAE] =	sst s9;
	s0 =	simm.s32 @!p0 $0x0  }
0x12: {  	s1 =	sld [smem:$0x3F94];
	s0 =	simm.s32 @p0 $0x1  }
0x13: {  	[smem:$0x3FAF] =	sst s0;
	s0 =	simm.s32 @!p1 $0x0  }
0x14: {  	s2 =	sld [smem:$0x3F93];
	s0 =	simm.s32 @p1 $0x1  }
0x15: {  	[smem:$0x3FB0] =	sst s0;
	s0 =	simm.s32 @!p2 $0x0  }
0x16: {  	s3 =	sld [smem:$0x3FDB];
	s0 =	simm.s32 @p2 $0x1  }
0x17: {  	s4 =	simm.s32 $0x1BF5;
	[smem:$0x3FB2] =	sst s0  }
0x18: {  	s0 =	sld [smem:$0x3F95];
	_ =	swait.ge [sflag:s4], $0x0  }
0x19: {  	s7 =	sld [smem:$0x3F96]  }
0x1a: {  	s8 =	sadd.s32 $0xFFFFE003, lr  }
0x1b: {  	s9 =	sadd.s32 $0xFFFFFEF7, lr;
	s5 =	simm.s32 $0xFFFFFFFF;
	p2 =	slt.u32 s8, $0xFFFFF086  }
0x1c: {  	p1 =	slt.u32 s9, $0xF7A;
	s5 =	simm.s32 @!p2 $0x0  }
0x1d: {  	s5 =	simm.s32 @p1 $0x1;
	p0 =	seq.s32 s7, s2  }
0x1e: {  	s7 =	smul.u32 @!p0 $0xF7A, s2;
	p2 =	seq.s32 @!p0 s5, $0x0  }
0x1f: {  	s9 =	smul.u32 $0xF7A, s1;
	s8 =	simm.s32 @!p0 $0x1BF5;
	p2 =	por !p2, p0  }
0x20: {  	[sflag:s8] =	ssyncset.s32 @!p0 $0xFFFFF086;
	s6 =	sadd.s32 @!p0 s3, s7;
	s7 =	simm.s32 @!p0 $0x108  }
0x21: {  	s3 =	sadd.s32 s3, s9;
	s6 =	sadd.s32 @!p0 $0x88, s6;
	s7 =	simm.s32 @p2 $0x1082  }
0x22: {  	[simem:s7], [sflag:s8] =	dma.local @!p0 [hbm:s6], $0xF7A  }
0x23: {  	s9 =	sor.u32 $0xD0000000, s2;
	s6 =	simm.s32 $0x108;
	_ =	swait.ge @!p0 [sflag:s8], $0x0  }
0x24: {  	s3 =	sadd.s32 $0x88, s3;
	s6 =	simm.s32 @!p1 $0x1082;
	[sflag:s4] =	ssyncset.s32 $0xFFFFF086  }
0x25: {  	[simem:s6], [sflag:s4] =	dma.local [hbm:s3], $0xF7A  }
0x26: {  	[smem:$0x3F96] =	sst s1;
	(tag) =	ssettag s2;
	_ =	strace s9  }
0x27: {  	s1 =	sld [smem:$0x3FA6]  }
0x28: {  	s2 =	sld [smem:$0x3FA7]  }
0x29: {  	s4 =	sld [smem:$0x3FA9]  }
0x2a: {  	p0 =	seq.s32 s5, $0x0;
	s5 =	sld [smem:$0x3FAA]  }
0x2b: {  	s6 =	sld [smem:$0x3FAB]  }
0x2c: {  	s7 =	sld [smem:$0x3FAC]  }
0x2d: {  	s3 =	simm.s32 $0x108;
	s8 =	sld [smem:$0x3FAD]  }
0x2e: {  	s3 =	simm.s32 @!p0 $0x1082;
	s9 =	sld [smem:$0x3FAE]  }
0x2f: {  	lr =	sadd.s32 s0, s3;
	s0 =	sld [smem:$0x3FA5]  }
0x30: {  	s3 =	sld [smem:$0x3FA8]  }
0x31: {  	[smem:$0x3FB1] =	sst s10  }
0x32: {  	s10 =	sld [smem:$0x3FAF];
	_ =	sdelay $0x3  }
0x33: {  	p0 =	seq.s32 s10, $0x1;
	s10 =	sld [smem:$0x3FB1];
	_ =	sdelay $0x3  }
0x34: {  	[smem:$0x3FB1] =	sst s10  }
0x35: {  	s10 =	sld [smem:$0x3FB0];
	_ =	sdelay $0x3  }
0x36: {  	p1 =	seq.s32 s10, $0x1;
	s10 =	sld [smem:$0x3FB1];
	_ =	sdelay $0x3  }
0x37: {  	[smem:$0x3FB1] =	sst s10  }
0x38: {  	s10 =	sld [smem:$0x3FB2]  }
0x39: {  	_ = 	snop;
	(pc) =	sbr.ind lr, $3  }
0x3a: {  	_ = 	snop  }
0x3b: {  	_ = 	snop  }
0x3c: {  	p2 =	seq.s32 s10, $0x1;
	s10 =	sld [smem:$0x3FB1]  }
0x3d: {  	_ =	shalt  }
0x3e: {  	_ =	shalt  }
0x3f: {  	_ =	shalt  }
0x40: {  	_ =	shalt  }
0x41: {  	_ =	shalt  }
0x42: {  	_ =	shalt  }
0x43: {  	_ =	shalt  }
0x44: {  	_ =	shalt  }
0x45: {  	_ =	shalt  }
0x46: {  	_ =	shalt  }
0x47: {  	_ =	shalt  }
0x48: {  	_ =	shalt  }
0x49: {  	_ =	shalt  }
0x4a: {  	_ =	shalt  }
0x4b: {  	_ =	shalt  }
0x4c: {  	_ =	shalt  }
0x4d: {  	_ =	shalt  }
0x4e: {  	_ =	shalt  }
0x4f: {  	_ =	shalt  }
0x50: {  	_ =	shalt  }
0x51: {  	_ =	shalt  }
0x52: {  	_ =	shalt  }
0x53: {  	_ =	shalt  }
0x54: {  	_ =	shalt  }
0x55: {  	_ =	shalt  }
0x56: {  	_ =	shalt  }
0x57: {  	_ =	shalt  }
0x58: {  	_ =	shalt  }
0x59: {  	_ =	shalt  }
0x5a: {  	_ =	shalt  }
0x5b: {  	_ =	shalt  }
0x5c: {  	_ =	shalt  }
0x5d: {  	_ =	shalt  }
0x5e: {  	_ =	shalt  }
0x5f: {  	_ =	shalt  }
0x60: {  	_ =	shalt  }
0x61: {  	_ =	shalt  }
0x62: {  	_ =	shalt  }
0x63: {  	_ =	shalt  }
0x64: {  	_ =	shalt  }
0x65: {  	_ =	shalt  }
0x66: {  	_ =	shalt  }
0x67: {  	_ =	shalt  }
0x68: {  	_ =	shalt  }
0x69: {  	_ =	shalt  }
0x6a: {  	_ =	shalt  }
0x6b: {  	_ =	shalt  }
0x6c: {  	_ =	shalt  }
0x6d: {  	_ =	shalt  }
0x6e: {  	_ =	shalt  }
0x6f: {  	_ =	shalt  }
0x70: {  	_ =	shalt  }
0x71: {  	_ =	shalt  }
0x72: {  	_ =	shalt  }
0x73: {  	_ =	shalt  }
0x74: {  	_ =	shalt  }
0x75: {  	_ =	shalt  }
0x76: {  	_ =	shalt  }
0x77: {  	_ =	shalt  }
0x78: {  	_ =	shalt  }
0x79: {  	_ =	shalt  }
0x7a: {  	_ =	shalt  }
0x7b: {  	_ =	shalt  }
0x7c: {  	_ =	shalt  }
0x7d: {  	_ =	shalt  }
0x7e: {  	_ =	shalt  }
0x7f: {  	_ =	shalt  }
0x80: {  	_ =	shalt  }
0x81: {  	_ =	shalt  }
0x82: {  	_ =	shalt  }
0x83: {  	_ =	shalt  }
0x84: {  	_ =	shalt  }
0x85: {  	_ =	shalt  }
0x86: {  	_ =	shalt  }
0x87: {  	_ =	shalt  }
.Lfunc_end0:
.L_simem_size_0:
called_computation_lowered:
.L_overlay_start_0:
0x88: {  	s2 =	sld [smem:$0x3FD9]  }
0x89: {  	s3 =	sld [smem:$0x3FFE];
	_ =	sdelay $0x1  }
0x8a: {  	s1 =	srdreg.scid  }
0x8b: {  	s0 =	sand.u32 $0x1, s1  }
0x8c: {  	s17 =	sshll.u32 s0, $0xA;
	s2 =	sadd.s32 s3, s2  }
0x8d: {  	s2 =	sadd.s32 s2, s17  }
0x8e: {  	[smem:$0x3FBD] =	sst s2  }
0x8f: {  	_ = 	snop  }
0x90: {  	s2 =	sld [smem:$0x3FD0];
	(tm) =	ssettm $0x1  }
0x91: {  	s18 =	sld [smem:$0x3FFB];
	_ =	sdelay $0x3  }
0x92: {  	_ =	strace s18  }
0x93: {  	s3 =	sld [smem:$0x3FFC];
	_ =	sdelay $0x3  }
0x94: {  	_ =	strace s3  }
0x95: {  	s3 =	sld [smem:$0x3FFD];
	_ =	sdelay $0x3  }
0x96: {  	_ =	strace s3  }
0x97: {  	_ =	strace $0x8FFFFFFF  }
0x98: {  	s19 =	sld [smem:$0x3FDB];
	_ =	sdelay $0x1  }
0x99: {  	s4 =	simm.s32 $_scs_section_size  }
0x9a: {  	s5 =	simm.s32 $_size__tile_overlayer_lowered;
	s6 =	simm.s32 $_tile_overlayer_lowered  }
0x9b: {  	s22 =	simm.s32 $0x1BFF;
	s21 =	sshll.u32 s6, $0x1;
	s3 =	sadd.s32 s4, s19  }
0x9c: {  	s7 =	simm.s32 $0x0;
	s20 =	sshll.u32 s5, $0x1;
	s5 =	sadd.s32 s21, s3  }
0x9d: {  	[timem:s7], [sflag:s22] =	dma.local [hbm:s5], s20  }
0x9e: {  	_ =	swait.ge [sflag:s22], s20  }
0x9f: {  	s4 =	ssub.s32 $0x0, s20;
	[sflag:s22] =	ssyncset.done $0x0  }
0xa0: {  	[sflag:s22] =	ssyncadd.s32 s4;
	_ =	sdelay $0x1  }
0xa1: {  	s23 =	simm.s32 $0x1B8B  }
0xa2: {  	_ =	swait.ge [sflag:s23], $0x1  }
0xa3: {  	[sflag:s23] =	ssyncset.done $0x0  }
0xa4: {  	s25 =	simm.s32 $0x1B8E;
	s24 =	sld [smem:$0x3FFE];
	[sflag:s23] =	ssyncadd.s32 $0xFFFFFFFF  }
0xa5: {  	s26 =	simm.s32 $execute0_lowered;
	[smem:$0x3FD2] =	sst s25  }
0xa6: {  	s5 =	sshll.u32 s26, $0x1;
	_ =	strace $0x80000046;
	[dreg:$0x1] =	wrdreg $0xFFFFFFFF  }
0xa7: {  	s28 =	simm.s32 $_size_execute0_lowered;
	s3 =	sadd.s32 s3, s5;
	[dreg:$0x0] =	wrdreg $0x0  }
0xa8: {  	s5 =	sshll.u32 s28, $0x1;
	[dreg:$0x2] =	wrdreg s3  }
0xa9: {  	[dreg:$0x3] =	wrdreg s5  }
0xaa: {  	[dreg:$0x4] =	wrdreg $0xC0  }
0xab: {  	_ =	task [dreg:s7], $0x5FFFF  }
0xac: {  	[dreg:$0x1] =	wrdreg $0xFFFFFFFF  }
0xad: {  	[dreg:$0x0] =	wrdreg $0x60  }
0xae: {  	[dreg:$0x2] =	wrdreg s2  }
0xaf: {  	[dreg:$0x3] =	wrdreg s24  }
0xb0: {  	[dreg:$0x4] =	wrdreg $0x9  }
0xb1: {  	_ =	task.clear_ibuf [dreg:s7], $0x5FFFF;
	_ =	strace $0x90000046  }
0xb2: {  	s29 =	simm.s32 $0x9;
	_ =	strace $0x80000048  }
0xb3: {  	_ =	swait.ge [sflag:s29], $0x1  }
0xb4: {  	[sflag:s29] =	ssyncadd.s32 $0xFFFFFFFF  }
0xb5: {  	_ =	strace $0x90000048  }
0xb6: {  	_ =	sfence  }
0xb7: {  	s30 =	sld [smem:$0x0];
	_ =	sdelay $0x2  }
0xb8: {  	s31 =	sshll.u32 s1, $0xD;
	s1 =	sshrl.u32 s1, $0x2  }
0xb9: {  	s3 =	sand.u32 $0x4000, s31;
	s1 =	sadd.s32 s1, s30  }
0xba: {  	s0 =	sor.u32 s3, s0;
	s1 =	sshll.u32 s1, $0x11  }
0xbb: {  	s0 =	sor.u32 s1, s0  }
0xbc: {  	s0 =	sadd.s32 $0x8F2B, s0  }
0xbd: {  	[sflag:s0] =	ssyncadd.remote.s32 $0x1  }
0xbe: {  	_ =	sfence.sel $0xFFFF  }
0xbf: {  	[dreg:$0x0] =	wrdreg $0xFFFFFFFF;
	(pc) =	sbr.abs _section_cstart, $3  }
0xc0: {  	[dreg:$0x1] =	wrdreg $0xFFFFFFFF  }
0xc1: {  	_ =	task.clear_ibuf [dreg:s7], $0x2FFFF;
	_ =	strace $0x9FFFFFFF  }
0xc2: {  	(tm) =	ssettm $0x7FFFFFFF  }
0xc3: {  	_ =	shalt  }
tec
execute0_lowered:
.L_overlay_start_1:
0x0: {  	(tag) =	ssettag $0x1  }
0x1: {  	s1 =	srdreg.scid  }
0x2: {  	s3 =	rddreg [dreg:$0x0];
	s0 =	stileid.u32  }
0x3: {  	s5 =	rddreg [dreg:$0x1];
	s2 =	simm.s32 $0x0;
	s8 =	simm.s32 $0x80  }
0x4: {  	s26 =	simm.s32 $0x880;
	s9 =	simm.s32 $0x1080;
	s10 =	simm.s32 $0x1880  }
0x5: {  	s11 =	simm.s32 $0x2080;
	s12 =	simm.s32 $0x2880;
	s13 =	simm.s32 $0x3080  }
0x6: {  	s14 =	simm.s32 $0x3880;
	s15 =	simm.s32 $0x4080;
	s16 =	simm.s32 $0x4880  }
0x7: {  	s17 =	simm.s32 $0x5080;
	s18 =	simm.s32 $0x5880;
	s19 =	simm.s32 $0x6080  }
0x8: {  	s20 =	simm.s32 $0x6880;
	s21 =	simm.s32 $0x7080;
	s22 =	simm.s32 $0x7880  }
0x9: {  	s23 =	simm.s32 $0x8080;
	s24 =	simm.s32 $0x8880;
	s25 =	simm.s32 $0x9080  }
0xa: {  	s28 =	simm.s32 $0xA080;
	s29 =	simm.s32 $0xA880;
	s30 =	simm.s32 $0xB080  }
0xb: {  	s31 =	simm.s32 $0xB880;
	s1 =	sand.u32 $0x1, s1;
	[smem:$0x7FF] =	sst s2  }
0xc: {  	s4 =	sshll.u32 s0, $0x4;
	s6 =	sshll.u32 s1, $0x3;
	_ =	strace $0x80000047  }
0xd: {  	s1 =	ssub.s32 $0x2, s1;
	[dreg:$0x5] =	wrdreg s26;
	s4 =	sor.u32 s6, s4  }
0xe: {  	s7 =	sshrl.u32 s1, $0x1;
	s6 =	sadd.s32 s4, s5;
	s4 =	smul.u32 $0x300, s4  }
0xf: {  	s26 =	simm.s32 $0x9880;
	s1 =	ssub.s32 s1, s7;
	s6 =	sadd.s32 $0xE00, s6  }
0x10: {  	v2 =	vlaneseq.u32;
	s7 =	simm.s32 $0x2;
	[dreg:$0x3] =	wrdreg s6;
	s4 =	sadd.s32 s3, s4  }
0x11: {  	vm0 =	vmmov $0xffff;
	v1 =	vshrl.u32 v2, $0x3;
	s3 =	sadd.s32 $0x1000, s5;
	s6 =	smax.u32 s1, $0x1;
	s1 =	simm.s32 $0x1  }
0x12: {  	v0 =	vand.u32 $0x7, v2;
	v2 =	vor.u32 $0x8, v2;
	v1 =	vmul.u32 $0x8, v1;
	[dreg:$0x4] =	wrdreg s4;
	s4 =	sadd.s32 $0x1100, s5;
	s5 =	sadd.s32 $0x1200, s5  }
.LBB2_1:
0x13: {  	s0 =	rddreg [dreg:$0x3]  }
0x14: {  	[tilespmem:s2], [sflag:$0x2] =	stream.linear.gather [hbm4b:s0+s2], $0x40, $0x38;
	[tilespmem:$0xC080] =	vst v63  }
0x15: {  	_ =	swait.ge [sflag:s7], $0x40  }
0x16: {  	[sflag:s7] =	ssyncset.done $0x0  }
0x17: {  	s0 =	rddreg [dreg:$0x4];
	[sflag:s7] =	ssyncadd.s32 $0xFFFFFFC0  }
0x18: {  	[tilespmem:s8], [sflag:$0x2] =	stream.linear.gather [hbm4b:s0+s2], $0xC000, $0x38;
	[tilespmem:$0xC080] =	vst v63  }
0x19: {  	_ =	swait.ge [sflag:s7], $0xC000  }
0x1a: {  	[sflag:s7] =	ssyncset.done $0x0  }
0x1b: {  	[sflag:s7] =	ssyncadd.s32 $0xFFFF4000  }
0x1c: {  	v3 =	vld [tilespmem:$0x0];
	_ =	sdelay $0x4  }
0x1d: {  	v4 =	vshrl.u32 v3, $0x3  }
0x1e: {  	v4 =	vmul.u32 $0x30, v4  }
0x1f: {  	v3 =	vand.u32 $0x7, v3  }
0x20: {  	v3 =	vor.u32 v3, v4  }
0x21: {  	v4 =	vperm.xlane v3, v0;
	_ =	sdelay $0x1  }
0x22: {  	v4 =	vadd.s32 v1, v4;
	_ =	sdelay $0x3  }
0x23: {  	v3 =	vperm.xlane v3, v2  }
0x24: {  	[hbm4b:s3+s2] =	stream.indirect_vreg.scatter [tilespmem:s8], [sflag:$0x1], $0x80, v4, vm0, $0xb8;
	[tilespmem:$0xC080] =	vst v63  }
0x25: {  	s0 =	rddreg [dreg:$0x5];
	v3 =	vadd.s32 v1, v3  }
0x26: {  	[hbm4b:s4+s2] =	stream.indirect_vreg.scatter [tilespmem:s0], [sflag:$0x1], $0x80, v4, vm0, $0xb8;
	[tilespmem:$0xC080] =	vst v63  }
0x27: {  	_ = 	snop  }
0x28: {  	[hbm4b:s5+s2] =	stream.indirect_vreg.scatter [tilespmem:s9], [sflag:$0x1], $0x80, v4, vm0, $0xb8;
	[tilespmem:$0xC080] =	vst v63  }
0x29: {  	_ = 	snop  }
0x2a: {  	[hbm4b:s3+s2] =	stream.indirect_vreg.scatter [tilespmem:s10], [sflag:$0x1], $0x80, v3, vm0, $0xb8;
	[tilespmem:$0xC080] =	vst v63  }
0x2b: {  	_ = 	snop  }
0x2c: {  	[hbm4b:s4+s2] =	stream.indirect_vreg.scatter [tilespmem:s11], [sflag:$0x1], $0x80, v3, vm0, $0xb8;
	[tilespmem:$0xC080] =	vst v63  }
0x2d: {  	_ = 	snop  }
0x2e: {  	[hbm4b:s5+s2] =	stream.indirect_vreg.scatter [tilespmem:s12], [sflag:$0x1], $0x80, v3, vm0, $0xb8;
	[tilespmem:$0xC080] =	vst v63  }
0x2f: {  	v3 =	vld [tilespmem:$0x10];
	_ =	sdelay $0x4  }
0x30: {  	v61 =	vshrl.u32 v3, $0x3  }
0x31: {  	v4 =	vmul.u32 $0x30, v61  }
0x32: {  	v3 =	vand.u32 $0x7, v3  }
0x33: {  	v3 =	vor.u32 v3, v4  }
0x34: {  	v4 =	vperm.xlane v3, v0;
	_ =	sdelay $0x1  }
0x35: {  	v4 =	vadd.s32 v1, v4;
	_ =	sdelay $0x3  }
0x36: {  	v3 =	vperm.xlane v3, v2  }
0x37: {  	[hbm4b:s3+s2] =	stream.indirect_vreg.scatter [tilespmem:s13], [sflag:$0x1], $0x80, v4, vm0, $0xb8;
	[tilespmem:$0xC080] =	vst v63  }
0x38: {  	v3 =	vadd.s32 v1, v3  }
0x39: {  	[hbm4b:s4+s2] =	stream.indirect_vreg.scatter [tilespmem:s14], [sflag:$0x1], $0x80, v4, vm0, $0xb8;
	[tilespmem:$0xC080] =	vst v63  }
0x3a: {  	_ = 	snop  }
0x3b: {  	[hbm4b:s5+s2] =	stream.indirect_vreg.scatter [tilespmem:s15], [sflag:$0x1], $0x80, v4, vm0, $0xb8;
	[tilespmem:$0xC080] =	vst v63  }
0x3c: {  	_ = 	snop  }
0x3d: {  	[hbm4b:s3+s2] =	stream.indirect_vreg.scatter [tilespmem:s16], [sflag:$0x1], $0x80, v3, vm0, $0xb8;
	[tilespmem:$0xC080] =	vst v63  }
0x3e: {  	_ = 	snop  }
0x3f: {  	[hbm4b:s4+s2] =	stream.indirect_vreg.scatter [tilespmem:s17], [sflag:$0x1], $0x80, v3, vm0, $0xb8;
	[tilespmem:$0xC080] =	vst v63  }
0x40: {  	_ = 	snop  }
0x41: {  	[hbm4b:s5+s2] =	stream.indirect_vreg.scatter [tilespmem:s18], [sflag:$0x1], $0x80, v3, vm0, $0xb8;
	[tilespmem:$0xC080] =	vst v63  }
0x42: {  	v3 =	vld [tilespmem:$0x20];
	_ =	sdelay $0x4  }
0x43: {  	v62 =	vshrl.u32 v3, $0x3  }
0x44: {  	v4 =	vmul.u32 $0x30, v62  }
0x45: {  	v3 =	vand.u32 $0x7, v3  }
0x46: {  	v3 =	vor.u32 v3, v4  }
0x47: {  	v4 =	vperm.xlane v3, v0;
	_ =	sdelay $0x1  }
0x48: {  	v4 =	vadd.s32 v1, v4;
	_ =	sdelay $0x3  }
0x49: {  	v3 =	vperm.xlane v3, v2  }
0x4a: {  	[hbm4b:s3+s2] =	stream.indirect_vreg.scatter [tilespmem:s19], [sflag:$0x1], $0x80, v4, vm0, $0xb8;
	[tilespmem:$0xC080] =	vst v63  }
0x4b: {  	v3 =	vadd.s32 v1, v3  }
0x4c: {  	[hbm4b:s4+s2] =	stream.indirect_vreg.scatter [tilespmem:s20], [sflag:$0x1], $0x80, v4, vm0, $0xb8;
	[tilespmem:$0xC080] =	vst v63  }
0x4d: {  	_ = 	snop  }
0x4e: {  	[hbm4b:s5+s2] =	stream.indirect_vreg.scatter [tilespmem:s21], [sflag:$0x1], $0x80, v4, vm0, $0xb8;
	[tilespmem:$0xC080] =	vst v63  }
0x4f: {  	_ = 	snop  }
0x50: {  	[hbm4b:s3+s2] =	stream.indirect_vreg.scatter [tilespmem:s22], [sflag:$0x1], $0x80, v3, vm0, $0xb8;
	[tilespmem:$0xC080] =	vst v63  }
0x51: {  	_ = 	snop  }
0x52: {  	[hbm4b:s4+s2] =	stream.indirect_vreg.scatter [tilespmem:s23], [sflag:$0x1], $0x80, v3, vm0, $0xb8;
	[tilespmem:$0xC080] =	vst v63  }
0x53: {  	_ = 	snop  }
0x54: {  	[hbm4b:s5+s2] =	stream.indirect_vreg.scatter [tilespmem:s24], [sflag:$0x1], $0x80, v3, vm0, $0xb8;
	[tilespmem:$0xC080] =	vst v63  }
0x55: {  	v3 =	vld [tilespmem:$0x30];
	_ =	sdelay $0x4  }
0x56: {  	v63 =	vshrl.u32 v3, $0x3  }
0x57: {  	v4 =	vmul.u32 $0x30, v63  }
0x58: {  	v3 =	vand.u32 $0x7, v3  }
0x59: {  	v3 =	vor.u32 v3, v4  }
0x5a: {  	v4 =	vperm.xlane v3, v0;
	_ =	sdelay $0x1  }
0x5b: {  	v4 =	vadd.s32 v1, v4;
	_ =	sdelay $0x3  }
0x5c: {  	v3 =	vperm.xlane v3, v2  }
0x5d: {  	[hbm4b:s3+s2] =	stream.indirect_vreg.scatter [tilespmem:s25], [sflag:$0x1], $0x80, v4, vm0, $0xb8;
	[tilespmem:$0xC080] =	vst v63  }
0x5e: {  	v3 =	vadd.s32 v1, v3  }
0x5f: {  	[hbm4b:s4+s2] =	stream.indirect_vreg.scatter [tilespmem:s26], [sflag:$0x1], $0x80, v4, vm0, $0xb8;
	[tilespmem:$0xC080] =	vst v63  }
0x60: {  	_ = 	snop  }
0x61: {  	[hbm4b:s5+s2] =	stream.indirect_vreg.scatter [tilespmem:s28], [sflag:$0x1], $0x80, v4, vm0, $0xb8;
	[tilespmem:$0xC080] =	vst v63  }
0x62: {  	_ = 	snop  }
0x63: {  	[hbm4b:s3+s2] =	stream.indirect_vreg.scatter [tilespmem:s29], [sflag:$0x1], $0x80, v3, vm0, $0xb8;
	[tilespmem:$0xC080] =	vst v63  }
0x64: {  	p0 =	sne.s32 s6, $0x1  }
0x65: {  	[hbm4b:s4+s2] =	stream.indirect_vreg.scatter [tilespmem:s30], [sflag:$0x1], $0x80, v3, vm0, $0xb8;
	[tilespmem:$0xC080] =	vst v63  }
.Ltmp0:
0x66: {  	_ = 	snop;
	(pc) =	sbr.rel @p0 .LBB2_1-.Ltmp0, $4  }
0x67: {  	[hbm4b:s5+s2] =	stream.indirect_vreg.scatter [tilespmem:s31], [sflag:$0x1], $0x80, v3, vm0, $0xb8;
	[tilespmem:$0xC080] =	vst v63  }
0x68: {  	_ =	swait.ge [sflag:s1], $0xC000  }
0x69: {  	[sflag:s1] =	ssyncset.done $0x0  }
0x6a: {  	s6 =	sadd.s32 $0xFFFFFFFF, s6;
	[sflag:s1] =	ssyncadd.s32 $0xFFFF4000  }
0x6b: {  	_ =	sfence.sel $0x180000  }
0x6c: {  	[bflag:$0x0] =	sbarrier.arrive $0xFFFF  }
0x6d: {  	_ =	strace $0x90000047  }
0x6e: {  	s0 =	stileid.u32;
	[bflag:$0x2] =	sbarrier.arrive $0xFFFF  }
0x6f: {  	p0 =	sne.s32 s0, $0x0;
	s0 =	rddreg [dreg:$0x2]  }
0x70: {  	s0 =	sadd.s32 @!p0 $0x100000, s0  }
0x71: {  	[sflag:s0] =	ssyncadd.tile.s32 @!p0 $0x1;
	_ =	shalt  }
.Lfunc_end2:
_tile_overlayer_lowered:
.L_overlay_start_2:
0x72: {  	(tag) =	ssettag $0x2  }
0x73: {  	s0 =	rddreg [dreg:$0x0];
	s2 =	stileid.u32  }
0x74: {  	s1 =	rddreg [dreg:$0x1];
	p0 =	sne.s32 s2, $0x0  }
0x75: {  	s3 =	rddreg [dreg:$0x2];
	[bflag:$0x3] =	sbarrier.arrive $0xFFFF;
	s2 =	simm.s32 @!p0 $0x1C02  }
0x76: {  	[timem:s3], [sflag:s2] =	dma.local @!p0 [hbm:s0], s1  }
0x77: {  	s0 =	simm.s32 @!p0 $0x2  }
0x78: {  	_ =	swait.ge @!p0 [sflag:s0], s1  }
0x79: {  	s1 =	ssub.s32 @!p0 $0x0, s1;
	[sflag:s0] =	ssyncset.done @!p0 $0x0  }
0x7a: {  	[sflag:s0] =	ssyncadd.s32 @!p0 s1  }
0x7b: {  	[bflag:$0x3] =	sbarrier.arrive $0xFFFF  }
0x7c: {  	_ =	shalt  }

// kernel: kernel.14.cloned.1.call-start
scs
__scs_entry_jumppad:
0x0: {  	(pc) =	sbr.rel $0x88, $3  }
0x1: {  	(tag) =	ssettag $0x0;
	lr =	simm.s32 $0x1  }
0x2: {  	[smem:$0x3F96] =	sst lr;
	_ =	strace $0xD0000000  }
0x3: {  	_ = 	snop  }
0x4: {  	_ = 	snop  }
0x5: {  	_ = 	snop  }
0x6: {  	_ = 	snop  }
0x7: {  	_ = 	snop  }
__scs_overlays_trampoline_lowered:
0x8: {  	[smem:$0x3FA5] =	sst s0  }
0x9: {  	[smem:$0x3FA6] =	sst s1  }
0xa: {  	[smem:$0x3FA7] =	sst s2  }
0xb: {  	[smem:$0x3FA8] =	sst s3  }
0xc: {  	[smem:$0x3FA9] =	sst s4  }
0xd: {  	[smem:$0x3FAA] =	sst s5  }
0xe: {  	[smem:$0x3FAB] =	sst s6  }
0xf: {  	[smem:$0x3FAC] =	sst s7  }
0x10: {  	[smem:$0x3FAD] =	sst s8  }
0x11: {  	[smem:$0x3FAE] =	sst s9;
	s0 =	simm.s32 @!p0 $0x0  }
0x12: {  	s1 =	sld [smem:$0x3F94];
	s0 =	simm.s32 @p0 $0x1  }
0x13: {  	[smem:$0x3FAF] =	sst s0;
	s0 =	simm.s32 @!p1 $0x0  }
0x14: {  	s2 =	sld [smem:$0x3F93];
	s0 =	simm.s32 @p1 $0x1  }
0x15: {  	[smem:$0x3FB0] =	sst s0;
	s0 =	simm.s32 @!p2 $0x0  }
0x16: {  	s3 =	sld [smem:$0x3FDB];
	s0 =	simm.s32 @p2 $0x1  }
0x17: {  	s4 =	simm.s32 $0x1BF5;
	[smem:$0x3FB2] =	sst s0  }
0x18: {  	s0 =	sld [smem:$0x3F95];
	_ =	swait.ge [sflag:s4], $0x0  }
0x19: {  	s7 =	sld [smem:$0x3F96]  }
0x1a: {  	s8 =	sadd.s32 $0xFFFFE003, lr  }
0x1b: {  	s9 =	sadd.s32 $0xFFFFFEF7, lr;
	s5 =	simm.s32 $0xFFFFFFFF;
	p2 =	slt.u32 s8, $0xFFFFF086  }
0x1c: {  	p1 =	slt.u32 s9, $0xF7A;
	s5 =	simm.s32 @!p2 $0x0  }
0x1d: {  	s5 =	simm.s32 @p1 $0x1;
	p0 =	seq.s32 s7, s2  }
0x1e: {  	s7 =	smul.u32 @!p0 $0xF7A, s2;
	p2 =	seq.s32 @!p0 s5, $0x0  }
0x1f: {  	s9 =	smul.u32 $0xF7A, s1;
	s8 =	simm.s32 @!p0 $0x1BF5;
	p2 =	por !p2, p0  }
0x20: {  	[sflag:s8] =	ssyncset.s32 @!p0 $0xFFFFF086;
	s6 =	sadd.s32 @!p0 s3, s7;
	s7 =	simm.s32 @!p0 $0x108  }
0x21: {  	s3 =	sadd.s32 s3, s9;
	s6 =	sadd.s32 @!p0 $0x88, s6;
	s7 =	simm.s32 @p2 $0x1082  }
0x22: {  	[simem:s7], [sflag:s8] =	dma.local @!p0 [hbm:s6], $0xF7A  }
0x23: {  	s9 =	sor.u32 $0xD0000000, s2;
	s6 =	simm.s32 $0x108;
	_ =	swait.ge @!p0 [sflag:s8], $0x0  }
0x24: {  	s3 =	sadd.s32 $0x88, s3;
	s6 =	simm.s32 @!p1 $0x1082;
	[sflag:s4] =	ssyncset.s32 $0xFFFFF086  }
0x25: {  	[simem:s6], [sflag:s4] =	dma.local [hbm:s3], $0xF7A  }
0x26: {  	[smem:$0x3F96] =	sst s1;
	(tag) =	ssettag s2;
	_ =	strace s9  }
0x27: {  	s1 =	sld [smem:$0x3FA6]  }
0x28: {  	s2 =	sld [smem:$0x3FA7]  }
0x29: {  	s4 =	sld [smem:$0x3FA9]  }
0x2a: {  	p0 =	seq.s32 s5, $0x0;
	s5 =	sld [smem:$0x3FAA]  }
0x2b: {  	s6 =	sld [smem:$0x3FAB]  }
0x2c: {  	s7 =	sld [smem:$0x3FAC]  }
0x2d: {  	s3 =	simm.s32 $0x108;
	s8 =	sld [smem:$0x3FAD]  }
0x2e: {  	s3 =	simm.s32 @!p0 $0x1082;
	s9 =	sld [smem:$0x3FAE]  }
0x2f: {  	lr =	sadd.s32 s0, s3;
	s0 =	sld [smem:$0x3FA5]  }
0x30: {  	s3 =	sld [smem:$0x3FA8]  }
0x31: {  	[smem:$0x3FB1] =	sst s10  }
0x32: {  	s10 =	sld [smem:$0x3FAF];
	_ =	sdelay $0x3  }
0x33: {  	p0 =	seq.s32 s10, $0x1;
	s10 =	sld [smem:$0x3FB1];
	_ =	sdelay $0x3  }
0x34: {  	[smem:$0x3FB1] =	sst s10  }
0x35: {  	s10 =	sld [smem:$0x3FB0];
	_ =	sdelay $0x3  }
0x36: {  	p1 =	seq.s32 s10, $0x1;
	s10 =	sld [smem:$0x3FB1];
	_ =	sdelay $0x3  }
0x37: {  	[smem:$0x3FB1] =	sst s10  }
0x38: {  	s10 =	sld [smem:$0x3FB2]  }
0x39: {  	_ = 	snop;
	(pc) =	sbr.ind lr, $3  }
0x3a: {  	_ = 	snop  }
0x3b: {  	_ = 	snop  }
0x3c: {  	p2 =	seq.s32 s10, $0x1;
	s10 =	sld [smem:$0x3FB1]  }
0x3d: {  	_ =	shalt  }
0x3e: {  	_ =	shalt  }
0x3f: {  	_ =	shalt  }
0x40: {  	_ =	shalt  }
0x41: {  	_ =	shalt  }
0x42: {  	_ =	shalt  }
0x43: {  	_ =	shalt  }
0x44: {  	_ =	shalt  }
0x45: {  	_ =	shalt  }
0x46: {  	_ =	shalt  }
0x47: {  	_ =	shalt  }
0x48: {  	_ =	shalt  }
0x49: {  	_ =	shalt  }
0x4a: {  	_ =	shalt  }
0x4b: {  	_ =	shalt  }
0x4c: {  	_ =	shalt  }
0x4d: {  	_ =	shalt  }
0x4e: {  	_ =	shalt  }
0x4f: {  	_ =	shalt  }
0x50: {  	_ =	shalt  }
0x51: {  	_ =	shalt  }
0x52: {  	_ =	shalt  }
0x53: {  	_ =	shalt  }
0x54: {  	_ =	shalt  }
0x55: {  	_ =	shalt  }
0x56: {  	_ =	shalt  }
0x57: {  	_ =	shalt  }
0x58: {  	_ =	shalt  }
0x59: {  	_ =	shalt  }
0x5a: {  	_ =	shalt  }
0x5b: {  	_ =	shalt  }
0x5c: {  	_ =	shalt  }
0x5d: {  	_ =	shalt  }
0x5e: {  	_ =	shalt  }
0x5f: {  	_ =	shalt  }
0x60: {  	_ =	shalt  }
0x61: {  	_ =	shalt  }
0x62: {  	_ =	shalt  }
0x63: {  	_ =	shalt  }
0x64: {  	_ =	shalt  }
0x65: {  	_ =	shalt  }
0x66: {  	_ =	shalt  }
0x67: {  	_ =	shalt  }
0x68: {  	_ =	shalt  }
0x69: {  	_ =	shalt  }
0x6a: {  	_ =	shalt  }
0x6b: {  	_ =	shalt  }
0x6c: {  	_ =	shalt  }
0x6d: {  	_ =	shalt  }
0x6e: {  	_ =	shalt  }
0x6f: {  	_ =	shalt  }
0x70: {  	_ =	shalt  }
0x71: {  	_ =	shalt  }
0x72: {  	_ =	shalt  }
0x73: {  	_ =	shalt  }
0x74: {  	_ =	shalt  }
0x75: {  	_ =	shalt  }
0x76: {  	_ =	shalt  }
0x77: {  	_ =	shalt  }
0x78: {  	_ =	shalt  }
0x79: {  	_ =	shalt  }
0x7a: {  	_ =	shalt  }
0x7b: {  	_ =	shalt  }
0x7c: {  	_ =	shalt  }
0x7d: {  	_ =	shalt  }
0x7e: {  	_ =	shalt  }
0x7f: {  	_ =	shalt  }
0x80: {  	_ =	shalt  }
0x81: {  	_ =	shalt  }
0x82: {  	_ =	shalt  }
0x83: {  	_ =	shalt  }
0x84: {  	_ =	shalt  }
0x85: {  	_ =	shalt  }
0x86: {  	_ =	shalt  }
0x87: {  	_ =	shalt  }
.Lfunc_end0:
.L_simem_size_0:
called_computation.1_lowered:
.L_overlay_start_0:
0x88: {  	s2 =	sld [smem:$0x3FD9]  }
0x89: {  	s3 =	sld [smem:$0x3FFE];
	_ =	sdelay $0x1  }
0x8a: {  	s1 =	srdreg.scid  }
0x8b: {  	s0 =	sand.u32 $0x1, s1  }
0x8c: {  	s17 =	sshll.u32 s0, $0xA;
	s2 =	sadd.s32 s3, s2  }
0x8d: {  	s2 =	sadd.s32 s2, s17  }
0x8e: {  	[smem:$0x3FBD] =	sst s2  }
0x8f: {  	_ = 	snop  }
0x90: {  	s2 =	sld [smem:$0x3FD0];
	(tm) =	ssettm $0x1  }
0x91: {  	s18 =	sld [smem:$0x3FFB];
	_ =	sdelay $0x3  }
0x92: {  	_ =	strace s18  }
0x93: {  	s3 =	sld [smem:$0x3FFC];
	_ =	sdelay $0x3  }
0x94: {  	_ =	strace s3  }
0x95: {  	s3 =	sld [smem:$0x3FFD];
	_ =	sdelay $0x3  }
0x96: {  	_ =	strace s3  }
0x97: {  	_ =	strace $0x8FFFFFFF  }
0x98: {  	s19 =	sld [smem:$0x3FDB];
	_ =	sdelay $0x1  }
0x99: {  	s4 =	simm.s32 $_scs_section_size  }
0x9a: {  	s5 =	simm.s32 $_size__tile_overlayer_lowered;
	s6 =	simm.s32 $_tile_overlayer_lowered  }
0x9b: {  	s22 =	simm.s32 $0x1BFF;
	s21 =	sshll.u32 s6, $0x1;
	s3 =	sadd.s32 s4, s19  }
0x9c: {  	s7 =	simm.s32 $0x0;
	s20 =	sshll.u32 s5, $0x1;
	s5 =	sadd.s32 s21, s3  }
0x9d: {  	[timem:s7], [sflag:s22] =	dma.local [hbm:s5], s20  }
0x9e: {  	_ =	swait.ge [sflag:s22], s20  }
0x9f: {  	s4 =	ssub.s32 $0x0, s20;
	[sflag:s22] =	ssyncset.done $0x0  }
0xa0: {  	[sflag:s22] =	ssyncadd.s32 s4;
	_ =	sdelay $0x1  }
0xa1: {  	s23 =	simm.s32 $0x1B8B  }
0xa2: {  	_ =	swait.ge [sflag:s23], $0x1  }
0xa3: {  	[sflag:s23] =	ssyncset.done $0x0  }
0xa4: {  	s25 =	simm.s32 $0x1B8E;
	s24 =	sld [smem:$0x3FFE];
	[sflag:s23] =	ssyncadd.s32 $0xFFFFFFFF  }
0xa5: {  	s26 =	simm.s32 $execute0_lowered;
	[smem:$0x3FD2] =	sst s25  }
0xa6: {  	s5 =	sshll.u32 s26, $0x1;
	_ =	strace $0x80000049;
	[dreg:$0x1] =	wrdreg $0xFFFFFFFF  }
0xa7: {  	s28 =	simm.s32 $_size_execute0_lowered;
	s3 =	sadd.s32 s3, s5;
	[dreg:$0x0] =	wrdreg $0x0  }
0xa8: {  	s5 =	sshll.u32 s28, $0x1;
	[dreg:$0x2] =	wrdreg s3  }
0xa9: {  	[dreg:$0x3] =	wrdreg s5  }
0xaa: {  	[dreg:$0x4] =	wrdreg $0xC0  }
0xab: {  	_ =	task [dreg:s7], $0x5FFFF  }
0xac: {  	[dreg:$0x1] =	wrdreg $0xFFFFFFFF  }
0xad: {  	[dreg:$0x0] =	wrdreg $0x60  }
0xae: {  	[dreg:$0x2] =	wrdreg s24  }
0xaf: {  	[dreg:$0x3] =	wrdreg s2  }
0xb0: {  	[dreg:$0x4] =	wrdreg $0x9  }
0xb1: {  	_ =	task.clear_ibuf [dreg:s7], $0x5FFFF;
	_ =	strace $0x90000049  }
0xb2: {  	s29 =	simm.s32 $0x9;
	_ =	strace $0x8000004B  }
0xb3: {  	_ =	swait.ge [sflag:s29], $0x1  }
0xb4: {  	[sflag:s29] =	ssyncadd.s32 $0xFFFFFFFF  }
0xb5: {  	_ =	strace $0x9000004B  }
0xb6: {  	_ =	sfence  }
0xb7: {  	s30 =	sld [smem:$0x0];
	_ =	sdelay $0x2  }
0xb8: {  	s31 =	sshll.u32 s1, $0xD;
	s1 =	sshrl.u32 s1, $0x2  }
0xb9: {  	s3 =	sand.u32 $0x4000, s31;
	s1 =	sadd.s32 s1, s30  }
0xba: {  	s0 =	sor.u32 s3, s0;
	s1 =	sshll.u32 s1, $0x11  }
0xbb: {  	s0 =	sor.u32 s1, s0  }
0xbc: {  	s0 =	sadd.s32 $0x8F2B, s0  }
0xbd: {  	[sflag:s0] =	ssyncadd.remote.s32 $0x1  }
0xbe: {  	_ =	sfence.sel $0xFFFF  }
0xbf: {  	[dreg:$0x0] =	wrdreg $0xFFFFFFFF;
	(pc) =	sbr.abs _section_cstart, $3  }
0xc0: {  	[dreg:$0x1] =	wrdreg $0xFFFFFFFF  }
0xc1: {  	_ =	task.clear_ibuf [dreg:s7], $0x2FFFF;
	_ =	strace $0x9FFFFFFF  }
0xc2: {  	(tm) =	ssettm $0x7FFFFFFF  }
0xc3: {  	_ =	shalt  }
tec
execute0_lowered:
.L_overlay_start_1:
0x0: {  	(tag) =	ssettag $0x1  }
0x1: {  	s0 =	rddreg [dreg:$0x0]  }
0x2: {  	s5 =	rddreg [dreg:$0x1];
	s3 =	srdreg.scid  }
0x3: {  	s2 =	simm.s32 $0x0;
	s1 =	stileid.u32;
	s26 =	simm.s32 $0x880  }
0x4: {  	s10 =	simm.s32 $0x1880;
	s11 =	simm.s32 $0x2080;
	s12 =	simm.s32 $0x2880  }
0x5: {  	s13 =	simm.s32 $0x3080;
	s14 =	simm.s32 $0x3880;
	s15 =	simm.s32 $0x4080  }
0x6: {  	s16 =	simm.s32 $0x4880;
	s17 =	simm.s32 $0x5080;
	s18 =	simm.s32 $0x5880  }
0x7: {  	s19 =	simm.s32 $0x6080;
	s20 =	simm.s32 $0x6880;
	s21 =	simm.s32 $0x7080  }
0x8: {  	s22 =	simm.s32 $0x7880;
	s28 =	simm.s32 $0xA080;
	s29 =	simm.s32 $0xA880  }
0x9: {  	s30 =	simm.s32 $0xB080;
	s31 =	simm.s32 $0xB880;
	s3 =	sand.u32 $0x1, s3  }
0xa: {  	[smem:$0x7FF] =	sst s2;
	s4 =	sshll.u32 s1, $0x4;
	s6 =	sshll.u32 s3, $0x3  }
0xb: {  	_ =	strace $0x8000004A;
	s23 =	ssub.s32 $0x2, s3;
	s3 =	sadd.s32 $0x1000, s0  }
0xc: {  	[dreg:$0x5] =	wrdreg s26;
	s26 =	simm.s32 $0x9880;
	s4 =	sor.u32 s6, s4  }
0xd: {  	s8 =	sshrl.u32 s23, $0x1;
	s7 =	sadd.s32 s4, s0;
	s9 =	smul.u32 $0x300, s4  }
0xe: {  	s6 =	ssub.s32 s23, s8;
	s4 =	sadd.s32 $0x1100, s0;
	s8 =	simm.s32 $0x80  }
0xf: {  	s23 =	simm.s32 $0x8080;
	s24 =	sadd.s32 $0xE00, s7;
	s6 =	smax.u32 s6, $0x1  }
0x10: {  	v2 =	vlaneseq.u32;
	s7 =	simm.s32 $0x2;
	[dreg:$0x3] =	wrdreg s24;
	s25 =	sadd.s32 s5, s9  }
0x11: {  	vm0 =	vmmov $0xffff;
	v1 =	vshrl.u32 v2, $0x3;
	s5 =	sadd.s32 $0x1200, s0;
	s9 =	simm.s32 $0x1080;
	s24 =	simm.s32 $0x8880  }
0x12: {  	v0 =	vand.u32 $0x7, v2;
	v2 =	vor.u32 $0x8, v2;
	v1 =	vmul.u32 $0x8, v1;
	s0 =	simm.s32 $0x1;
	[dreg:$0x4] =	wrdreg s25;
	s25 =	simm.s32 $0x9080  }
.LBB2_1:
0x13: {  	s1 =	rddreg [dreg:$0x3]  }
0x14: {  	[tilespmem:s2], [sflag:$0x2] =	stream.linear.gather [hbm4b:s1+s2], $0x40, $0x38;
	[tilespmem:$0xC080] =	vst v63  }
0x15: {  	_ =	swait.ge [sflag:s7], $0x40  }
0x16: {  	[sflag:s7] =	ssyncset.done $0x0  }
0x17: {  	[sflag:s7] =	ssyncadd.s32 $0xFFFFFFC0  }
0x18: {  	v3 =	vld [tilespmem:$0x0];
	_ =	sdelay $0x4  }
0x19: {  	v4 =	vshrl.u32 v3, $0x3  }
0x1a: {  	v4 =	vmul.u32 $0x30, v4  }
0x1b: {  	v3 =	vand.u32 $0x7, v3  }
0x1c: {  	v3 =	vor.u32 v3, v4  }
0x1d: {  	v4 =	vperm.xlane v3, v0;
	_ =	sdelay $0x1  }
0x1e: {  	v4 =	vadd.s32 v1, v4;
	_ =	sdelay $0x3  }
0x1f: {  	v3 =	vperm.xlane v3, v2  }
0x20: {  	[tilespmem:s8], [sflag:$0x1] =	stream.indirect_vreg.gather [hbm4b:s3+s2], $0x80, v4, vm0, $0xb8;
	[tilespmem:$0xC080] =	vst v63  }
0x21: {  	s1 =	rddreg [dreg:$0x5];
	v3 =	vadd.s32 v1, v3  }
0x22: {  	[tilespmem:s1], [sflag:$0x1] =	stream.indirect_vreg.gather [hbm4b:s4+s2], $0x80, v4, vm0, $0xb8;
	[tilespmem:$0xC080] =	vst v63  }
0x23: {  	_ = 	snop  }
0x24: {  	[tilespmem:s9], [sflag:$0x1] =	stream.indirect_vreg.gather [hbm4b:s5+s2], $0x80, v4, vm0, $0xb8;
	[tilespmem:$0xC080] =	vst v63  }
0x25: {  	_ = 	snop  }
0x26: {  	[tilespmem:s10], [sflag:$0x1] =	stream.indirect_vreg.gather [hbm4b:s3+s2], $0x80, v3, vm0, $0xb8;
	[tilespmem:$0xC080] =	vst v63  }
0x27: {  	_ = 	snop  }
0x28: {  	[tilespmem:s11], [sflag:$0x1] =	stream.indirect_vreg.gather [hbm4b:s4+s2], $0x80, v3, vm0, $0xb8;
	[tilespmem:$0xC080] =	vst v63  }
0x29: {  	_ = 	snop  }
0x2a: {  	[tilespmem:s12], [sflag:$0x1] =	stream.indirect_vreg.gather [hbm4b:s5+s2], $0x80, v3, vm0, $0xb8;
	[tilespmem:$0xC080] =	vst v63  }
0x2b: {  	v3 =	vld [tilespmem:$0x10];
	_ =	sdelay $0x4  }
0x2c: {  	v61 =	vshrl.u32 v3, $0x3  }
0x2d: {  	v4 =	vmul.u32 $0x30, v61  }
0x2e: {  	v3 =	vand.u32 $0x7, v3  }
0x2f: {  	v3 =	vor.u32 v3, v4  }
0x30: {  	v4 =	vperm.xlane v3, v0;
	_ =	sdelay $0x1  }
0x31: {  	v4 =	vadd.s32 v1, v4;
	_ =	sdelay $0x3  }
0x32: {  	v3 =	vperm.xlane v3, v2  }
0x33: {  	[tilespmem:s13], [sflag:$0x1] =	stream.indirect_vreg.gather [hbm4b:s3+s2], $0x80, v4, vm0, $0xb8;
	[tilespmem:$0xC080] =	vst v63  }
0x34: {  	v3 =	vadd.s32 v1, v3  }
0x35: {  	[tilespmem:s14], [sflag:$0x1] =	stream.indirect_vreg.gather [hbm4b:s4+s2], $0x80, v4, vm0, $0xb8;
	[tilespmem:$0xC080] =	vst v63  }
0x36: {  	_ = 	snop  }
0x37: {  	[tilespmem:s15], [sflag:$0x1] =	stream.indirect_vreg.gather [hbm4b:s5+s2], $0x80, v4, vm0, $0xb8;
	[tilespmem:$0xC080] =	vst v63  }
0x38: {  	_ = 	snop  }
0x39: {  	[tilespmem:s16], [sflag:$0x1] =	stream.indirect_vreg.gather [hbm4b:s3+s2], $0x80, v3, vm0, $0xb8;
	[tilespmem:$0xC080] =	vst v63  }
0x3a: {  	_ = 	snop  }
0x3b: {  	[tilespmem:s17], [sflag:$0x1] =	stream.indirect_vreg.gather [hbm4b:s4+s2], $0x80, v3, vm0, $0xb8;
	[tilespmem:$0xC080] =	vst v63  }
0x3c: {  	_ = 	snop  }
0x3d: {  	[tilespmem:s18], [sflag:$0x1] =	stream.indirect_vreg.gather [hbm4b:s5+s2], $0x80, v3, vm0, $0xb8;
	[tilespmem:$0xC080] =	vst v63  }
0x3e: {  	v3 =	vld [tilespmem:$0x20];
	_ =	sdelay $0x4  }
0x3f: {  	v62 =	vshrl.u32 v3, $0x3  }
0x40: {  	v4 =	vmul.u32 $0x30, v62  }
0x41: {  	v3 =	vand.u32 $0x7, v3  }
0x42: {  	v3 =	vor.u32 v3, v4  }
0x43: {  	v4 =	vperm.xlane v3, v0;
	_ =	sdelay $0x1  }
0x44: {  	v4 =	vadd.s32 v1, v4;
	_ =	sdelay $0x3  }
0x45: {  	v3 =	vperm.xlane v3, v2  }
0x46: {  	[tilespmem:s19], [sflag:$0x1] =	stream.indirect_vreg.gather [hbm4b:s3+s2], $0x80, v4, vm0, $0xb8;
	[tilespmem:$0xC080] =	vst v63  }
0x47: {  	v3 =	vadd.s32 v1, v3  }
0x48: {  	[tilespmem:s20], [sflag:$0x1] =	stream.indirect_vreg.gather [hbm4b:s4+s2], $0x80, v4, vm0, $0xb8;
	[tilespmem:$0xC080] =	vst v63  }
0x49: {  	_ = 	snop  }
0x4a: {  	[tilespmem:s21], [sflag:$0x1] =	stream.indirect_vreg.gather [hbm4b:s5+s2], $0x80, v4, vm0, $0xb8;
	[tilespmem:$0xC080] =	vst v63  }
0x4b: {  	_ = 	snop  }
0x4c: {  	[tilespmem:s22], [sflag:$0x1] =	stream.indirect_vreg.gather [hbm4b:s3+s2], $0x80, v3, vm0, $0xb8;
	[tilespmem:$0xC080] =	vst v63  }
0x4d: {  	_ = 	snop  }
0x4e: {  	[tilespmem:s23], [sflag:$0x1] =	stream.indirect_vreg.gather [hbm4b:s4+s2], $0x80, v3, vm0, $0xb8;
	[tilespmem:$0xC080] =	vst v63  }
0x4f: {  	_ = 	snop  }
0x50: {  	[tilespmem:s24], [sflag:$0x1] =	stream.indirect_vreg.gather [hbm4b:s5+s2], $0x80, v3, vm0, $0xb8;
	[tilespmem:$0xC080] =	vst v63  }
0x51: {  	v3 =	vld [tilespmem:$0x30];
	_ =	sdelay $0x4  }
0x52: {  	v63 =	vshrl.u32 v3, $0x3  }
0x53: {  	v4 =	vmul.u32 $0x30, v63  }
0x54: {  	v3 =	vand.u32 $0x7, v3  }
0x55: {  	v3 =	vor.u32 v3, v4  }
0x56: {  	v4 =	vperm.xlane v3, v0;
	_ =	sdelay $0x1  }
0x57: {  	v4 =	vadd.s32 v1, v4;
	_ =	sdelay $0x3  }
0x58: {  	v3 =	vperm.xlane v3, v2  }
0x59: {  	[tilespmem:s25], [sflag:$0x1] =	stream.indirect_vreg.gather [hbm4b:s3+s2], $0x80, v4, vm0, $0xb8;
	[tilespmem:$0xC080] =	vst v63  }
0x5a: {  	v3 =	vadd.s32 v1, v3  }
0x5b: {  	[tilespmem:s26], [sflag:$0x1] =	stream.indirect_vreg.gather [hbm4b:s4+s2], $0x80, v4, vm0, $0xb8;
	[tilespmem:$0xC080] =	vst v63  }
0x5c: {  	_ = 	snop  }
0x5d: {  	[tilespmem:s28], [sflag:$0x1] =	stream.indirect_vreg.gather [hbm4b:s5+s2], $0x80, v4, vm0, $0xb8;
	[tilespmem:$0xC080] =	vst v63  }
0x5e: {  	_ = 	snop  }
0x5f: {  	[tilespmem:s29], [sflag:$0x1] =	stream.indirect_vreg.gather [hbm4b:s3+s2], $0x80, v3, vm0, $0xb8;
	[tilespmem:$0xC080] =	vst v63  }
0x60: {  	_ = 	snop  }
0x61: {  	[tilespmem:s30], [sflag:$0x1] =	stream.indirect_vreg.gather [hbm4b:s4+s2], $0x80, v3, vm0, $0xb8;
	[tilespmem:$0xC080] =	vst v63  }
0x62: {  	_ = 	snop  }
0x63: {  	[tilespmem:s31], [sflag:$0x1] =	stream.indirect_vreg.gather [hbm4b:s5+s2], $0x80, v3, vm0, $0xb8;
	[tilespmem:$0xC080] =	vst v63  }
0x64: {  	_ =	swait.ge [sflag:s0], $0xC000  }
0x65: {  	p0 =	sne.s32 s6, $0x1;
	[sflag:s0] =	ssyncset.done $0x0  }
.Ltmp0:
0x66: {  	s1 =	rddreg [dreg:$0x4];
	[sflag:s0] =	ssyncadd.s32 $0xFFFF4000;
	(pc) =	sbr.rel @p0 .LBB2_1-.Ltmp0, $4  }
0x67: {  	[hbm4b:s1+s2] =	stream.linear.scatter [tilespmem:s8], [sflag:$0x2], $0xC000, $0x38;
	[tilespmem:$0xC080] =	vst v63  }
0x68: {  	_ =	swait.ge [sflag:s7], $0xC000  }
0x69: {  	[sflag:s7] =	ssyncset.done $0x0  }
0x6a: {  	s6 =	sadd.s32 $0xFFFFFFFF, s6;
	[sflag:s7] =	ssyncadd.s32 $0xFFFF4000  }
0x6b: {  	_ =	sfence.sel $0x180000  }
0x6c: {  	[bflag:$0x0] =	sbarrier.arrive $0xFFFF  }
0x6d: {  	_ =	strace $0x9000004A  }
0x6e: {  	s0 =	stileid.u32;
	[bflag:$0x2] =	sbarrier.arrive $0xFFFF  }
0x6f: {  	p0 =	sne.s32 s0, $0x0;
	s0 =	rddreg [dreg:$0x2]  }
0x70: {  	s0 =	sadd.s32 @!p0 $0x100000, s0  }
0x71: {  	[sflag:s0] =	ssyncadd.tile.s32 @!p0 $0x1;
	_ =	shalt  }
.Lfunc_end2:
_tile_overlayer_lowered:
.L_overlay_start_2:
0x72: {  	(tag) =	ssettag $0x2  }
0x73: {  	s0 =	rddreg [dreg:$0x0];
	s2 =	stileid.u32  }
0x74: {  	s1 =	rddreg [dreg:$0x1];
	p0 =	sne.s32 s2, $0x0  }
0x75: {  	s3 =	rddreg [dreg:$0x2];
	[bflag:$0x3] =	sbarrier.arrive $0xFFFF;
	s2 =	simm.s32 @!p0 $0x1C02  }
0x76: {  	[timem:s3], [sflag:s2] =	dma.local @!p0 [hbm:s0], s1  }
0x77: {  	s0 =	simm.s32 @!p0 $0x2  }
0x78: {  	_ =	swait.ge @!p0 [sflag:s0], s1  }
0x79: {  	s1 =	ssub.s32 @!p0 $0x0, s1;
	[sflag:s0] =	ssyncset.done @!p0 $0x0  }
0x7a: {  	[sflag:s0] =	ssyncadd.s32 @!p0 s1  }
0x7b: {  	[bflag:$0x3] =	sbarrier.arrive $0xFFFF  }
0x7c: {  	_ =	shalt  }

</sc_bundles>
